<compile_context>
chip_gen: v7x
topology: tpu7x:2x2x1
jax: 0.10.2.dev20260603
libtpu: 0.0.44.dev20260713+nightly
codegen_flags: <defaults>
</compile_context>

<pallas_src>
import jax
import jax.numpy as jnp
from jax import lax
from jax.experimental import pallas as pl
from jax.experimental.pallas import tpu as pltpu
from jax.experimental.pallas import tpu_sc as plsc

CONF_THRES = 0.25
IOU_THRES = 0.45
MAX_OUT = 100

_N = 20000
_NS = 16
_PER = 1280
_NPAD = _NS * _PER
_NV = _PER // 16

_CBUF = 2048
_CF = 192
_NCF = _CF // 16
_TARGET = 144
_TH = (0.992, 0.984, 0.97, 0.94, 0.88, 0.76, 0.52, CONF_THRES)
_NL = len(_TH)

_NEG = float("-inf")
_BIG = 2 ** 30


def _lane():
    return lax.broadcasted_iota(jnp.int32, (16,), 0)


def _splat_f(x):
    return jnp.full((16,), x, jnp.float32)


def _splat_i(x):
    return jnp.full((16,), x, jnp.int32)


def _sc_body(x1h, y1h, x2h, y2h, sh, outh,
             xs, ys, xe, ye, sv, ar, pub, allv, fbrow, tmp, outbuf,
             cx1, cy1, cx2, cy2, cs,
             fx1, fy1, fx2, fy2, fs,
             slots, spx1, spy1, spx2, spy2, sps, dsem):
    sid = lax.axis_index("s")
    base = sid * _PER
    lane = _lane()

    h1 = pltpu.async_copy(x1h.at[pl.ds(base, _PER)], xs, dsem)
    h2 = pltpu.async_copy(y1h.at[pl.ds(base, _PER)], ys, dsem)
    h3 = pltpu.async_copy(x2h.at[pl.ds(base, _PER)], xe, dsem)
    h4 = pltpu.async_copy(y2h.at[pl.ds(base, _PER)], ye, dsem)
    h5 = pltpu.async_copy(sh.at[pl.ds(base, _PER)], sv, dsem)
    h1.wait()
    h2.wait()
    h3.wait()
    h4.wait()
    h5.wait()

    zeros_i = _splat_i(0)

    def prep(v, cnts):
        sl = pl.ds(v * 16, 16)
        a = xs[sl]
        b = ys[sl]
        cc = xe[sl]
        dd = ye[sl]
        ar[sl] = jnp.maximum(0.0, cc - a) * jnp.maximum(0.0, dd - b)
        s0 = sv[sl]
        s = jnp.where(s0 > CONF_THRES, s0, _NEG)
        sv[sl] = s
        return tuple(c + jnp.where(s > t, 1, 0)
                     for c, t in zip(cnts, _TH))

    cnts = lax.fori_loop(0, _NV, prep, tuple(zeros_i for _ in _TH))

    frow = jnp.zeros((16,), jnp.float32)
    p15 = _splat_i(15)
    for j, href in enumerate((x1h, y1h, x2h, y2h, sh)):
        pltpu.sync_copy(href.at[pl.ds(_N - 16, 16)], tmp)
        vlast = plsc.load_gather(tmp, [p15])
        frow = jnp.where(lane == j, vlast, frow)
    fbrow[...] = frow

    pcv = _splat_i(0)
    for l in range(_NL):
        pcv = jnp.where(lane == l, _splat_i(jnp.sum(cnts[l])), pcv)
    pub[...] = plsc.bitcast(pcv, jnp.float32)
    pltpu.sync_copy(pub, slots.at[pl.ds(512 + sid * 16, 16)])
    plsc.subcore_barrier()
    pltpu.sync_copy(slots.at[pl.ds(512, 256)], allv)

    lane16 = lane * 16
    gv = zeros_i
    for l in range(_NL):
        gl = jnp.sum(plsc.bitcast(plsc.load_gather(allv, [lane16 + l]),
                                  jnp.int32))
        gv = jnp.where(lane == l, _splat_i(gl), gv)

    okv = (gv >= _TARGET) & (lane <= _NL - 1)
    lstar = jnp.min(jnp.where(okv, lane, _NL - 1))
    gsel = jnp.sum(jnp.where(lane == lstar, gv, 0))
    lfinal = jnp.where((gsel > _CF) & (lstar >= 1), lstar - 1, lstar)
    gfin = jnp.sum(jnp.where(lane == lfinal, gv, 0))
    cap_ok = gfin <= _CF
    trunc = lfinal < _NL - 1

    thv = _splat_f(_TH[_NL - 1])
    for l in range(_NL - 1):
        thv = jnp.where(lane == l, _splat_f(_TH[l]), thv)
    tchosen = jnp.sum(jnp.where(lane == lfinal, thv, 0.0))

    ctile = plsc.bitcast(plsc.load_gather(allv, [lane16 + lfinal]), jnp.int32)
    cpadv = jnp.bitwise_and(ctile + 15, -16)
    cw = jnp.sum(jnp.where(lane == sid, ctile, 0))
    cpadw = jnp.sum(jnp.where(lane == sid, cpadv, 0))
    myoff = pl.multiple_of(jnp.sum(jnp.where(lane < sid, cpadv, 0)), 16)
    ctotpad = jnp.sum(cpadv)

    def comp(v, off):
        sl = pl.ds(v * 16, 16)
        s = sv[sl]
        msk = s > tchosen
        mi = jnp.where(msk, 1, 0)
        pos = off + plsc.cumsum(mi) - 1
        plsc.store_scatter(cs, [pos], s, mask=msk)
        plsc.store_scatter(cx1, [pos], xs[sl], mask=msk)
        plsc.store_scatter(cy1, [pos], ys[sl], mask=msk)
        plsc.store_scatter(cx2, [pos], xe[sl], mask=msk)
        plsc.store_scatter(cy2, [pos], ye[sl], mask=msk)
        return off + jnp.sum(mi)

    nv_comp = jnp.where(cap_ok, _NV, 0)
    lax.fori_loop(0, nv_comp, comp, myoff)
    plsc.store_scatter(cs, [myoff + cw + lane], _splat_f(_NEG),
                       mask=(lane < (cpadw - cw)) & cap_ok)

    def pub1(j, c):
        o = myoff + j * 16
        pltpu.sync_copy(cs.at[pl.ds(o, 16)], sps.at[pl.ds(o, 16)])
        pltpu.sync_copy(cx1.at[pl.ds(o, 16)], spx1.at[pl.ds(o, 16)])
        pltpu.sync_copy(cy1.at[pl.ds(o, 16)], spy1.at[pl.ds(o, 16)])
        pltpu.sync_copy(cx2.at[pl.ds(o, 16)], spx2.at[pl.ds(o, 16)])
        pltpu.sync_copy(cy2.at[pl.ds(o, 16)], spy2.at[pl.ds(o, 16)])
        return c

    nch = jnp.where(cap_ok, cpadw // 16, 0)
    lax.fori_loop(0, nch, pub1, 0)
    plsc.subcore_barrier()
    pltpu.sync_copy(sps.at[pl.ds(0, _CBUF)], cs)
    pltpu.sync_copy(spx1.at[pl.ds(0, _CBUF)], cx1)
    pltpu.sync_copy(spy1.at[pl.ds(0, _CBUF)], cy1)
    pltpu.sync_copy(spx2.at[pl.ds(0, _CBUF)], cx2)
    pltpu.sync_copy(spy2.at[pl.ds(0, _CBUF)], cy2)

    for q in range(_NCF):
        fs[pl.ds(q * 16, 16)] = _splat_f(_NEG)

    def rcomp(v, off):
        sl = pl.ds(v * 16, 16)
        s = cs[sl]
        msk = s > _NEG
        mi = jnp.where(msk, 1, 0)
        pos = off + plsc.cumsum(mi) - 1
        plsc.store_scatter(fs, [pos], s, mask=msk)
        plsc.store_scatter(fx1, [pos], cx1[sl], mask=msk)
        plsc.store_scatter(fy1, [pos], cy1[sl], mask=msk)
        plsc.store_scatter(fx2, [pos], cx2[sl], mask=msk)
        plsc.store_scatter(fy2, [pos], cy2[sl], mask=msk)
        return off + jnp.sum(mi)

    nvr = jnp.where(cap_ok, ctotpad // 16, 0)
    lax.fori_loop(0, nvr, rcomp, 0)

    bv0 = _splat_f(_NEG)
    bi0 = zeros_i
    for q in range(_NCF):
        s = fs[pl.ds(q * 16, 16)]
        iv = q * 16 + lane
        upd = s > bv0
        bv0 = jnp.where(upd, s, bv0)
        bi0 = jnp.where(upd, iv, bi0)
    st0 = (bv0, bi0)

    def fast_it(k, st):
        bv, bi, kept = st
        m = jnp.max(bv)
        i = jnp.min(jnp.where(bv == m, bi, _BIG))
        has = m > _NEG
        pidx = _splat_i(jnp.where(has, i, 0))
        wx1 = plsc.load_gather(fx1, [pidx])
        wy1 = plsc.load_gather(fy1, [pidx])
        wx2 = plsc.load_gather(fx2, [pidx])
        wy2 = plsc.load_gather(fy2, [pidx])
        wa = jnp.maximum(0.0, wx2 - wx1) * jnp.maximum(0.0, wy2 - wy1)
        wrow = jnp.where(lane == 0, wx1,
               jnp.where(lane == 1, wy1,
               jnp.where(lane == 2, wx2,
               jnp.where(lane == 3, wy2,
               jnp.where(lane == 4, _splat_f(m), _splat_f(0.0))))))
        outbuf[pl.ds(k * 16, 16)] = jnp.where(has, wrow, fbrow[...])

        nbv = _splat_f(_NEG)
        nbi = zeros_i
        for q in range(_NCF):
            sl = pl.ds(q * 16, 16)
            a = fx1[sl]
            b = fy1[sl]
            cc = fx2[sl]
            dd = fy2[sl]
            s = fs[sl]
            aa = jnp.maximum(0.0, cc - a) * jnp.maximum(0.0, dd - b)
            xx1 = jnp.maximum(wx1, a)
            yy1 = jnp.maximum(wy1, b)
            xx2 = jnp.minimum(wx2, cc)
            yy2 = jnp.minimum(wy2, dd)
            inter = (jnp.maximum(0.0, xx2 - xx1) *
                     jnp.maximum(0.0, yy2 - yy1))
            iou = inter / (wa + aa - inter + 1e-9)
            iv = q * 16 + lane
            ns = jnp.where(has & ((iou > IOU_THRES) | (iv == i)), _NEG, s)
            fs[sl] = ns
            upd = ns > nbv
            nbv = jnp.where(upd, ns, nbv)
            nbi = jnp.where(upd, iv, nbi)
        return (nbv, nbi, kept + jnp.where(has, 1, 0))

    _, _, kept = lax.fori_loop(0, MAX_OUT, fast_it, (st0[0], st0[1], 0))

    need_slow = jnp.logical_not(cap_ok) | (trunc & (kept < MAX_OUT))

    @pl.when(need_slow)
    def _():
        def greedy(k, c):
            def amax(v, st):
                bv, bi = st
                sl = pl.ds(v * 16, 16)
                s = sv[sl]
                iv = base + v * 16 + lane
                upd = s > bv
                return (jnp.where(upd, s, bv), jnp.where(upd, iv, bi))

            bv, bi = lax.fori_loop(0, _NV, amax, (_splat_f(_NEG), zeros_i))
            m = jnp.max(bv)
            i_loc = jnp.min(jnp.where(bv == m, bi, _BIG))
            has_l = m > _NEG
            p = jnp.where(has_l, i_loc - base, 0)
            pidx = _splat_i(p)
            bx1 = plsc.load_gather(xs, [pidx])
            by1 = plsc.load_gather(ys, [pidx])
            bx2 = plsc.load_gather(xe, [pidx])
            by2 = plsc.load_gather(ye, [pidx])
            ba = plsc.load_gather(ar, [pidx])
            ibits = plsc.bitcast(_splat_i(jnp.where(has_l, i_loc, _BIG)),
                                 jnp.float32)
            mv = _splat_f(m)
            pv = jnp.where(lane == 0, mv,
                 jnp.where(lane == 1, ibits,
                 jnp.where(lane == 2, bx1,
                 jnp.where(lane == 3, by1,
                 jnp.where(lane == 4, bx2,
                 jnp.where(lane == 5, by2,
                 jnp.where(lane == 6, ba, _splat_f(0.0))))))))
            pub[...] = pv
            par = lax.rem(k, 2)
            pltpu.sync_copy(pub, slots.at[pl.ds(par * 256 + sid * 16, 16)])
            plsc.subcore_barrier()
            pltpu.sync_copy(slots.at[pl.ds(par * 256, 256)], allv)

            sc = plsc.load_gather(allv, [lane16])
            ib = plsc.bitcast(plsc.load_gather(allv, [lane16 + 1]),
                              jnp.int32)
            mg = jnp.max(sc)
            iwin = jnp.min(jnp.where(sc == mg, ib, _BIG))
            t = jnp.min(jnp.where((sc == mg) & (ib == iwin), lane, 16))
            t = jnp.where(t > 15, 0, t)
            has = mg > _NEG
            ts = _splat_i(t * 16)
            gx1 = plsc.load_gather(allv, [ts + 2])
            gy1 = plsc.load_gather(allv, [ts + 3])
            gx2 = plsc.load_gather(allv, [ts + 4])
            gy2 = plsc.load_gather(allv, [ts + 5])
            ga = plsc.load_gather(allv, [ts + 6])
            wrow = jnp.where(lane == 0, gx1,
                   jnp.where(lane == 1, gy1,
                   jnp.where(lane == 2, gx2,
                   jnp.where(lane == 3, gy2,
                   jnp.where(lane == 4, _splat_f(mg), _splat_f(0.0))))))
            outbuf[pl.ds(k * 16, 16)] = jnp.where(has, wrow, fbrow[...])

            def supp(v, c2):
                sl = pl.ds(v * 16, 16)
                a = xs[sl]
                b = ys[sl]
                cc = xe[sl]
                dd = ye[sl]
                aa = ar[sl]
                s = sv[sl]
                xx1 = jnp.maximum(gx1, a)
                yy1 = jnp.maximum(gy1, b)
                xx2 = jnp.minimum(gx2, cc)
                yy2 = jnp.minimum(gy2, dd)
                inter = (jnp.maximum(0.0, xx2 - xx1) *
                         jnp.maximum(0.0, yy2 - yy1))
                iou = inter / (ga + aa - inter + 1e-9)
                iv = base + v * 16 + lane
                sv[sl] = jnp.where(has & ((iou > IOU_THRES) | (iv == iwin)),
                                   _NEG, s)
                return c2

            lax.fori_loop(0, _NV, supp, 0)
            return c

        lax.fori_loop(0, MAX_OUT, greedy, 0)

    @pl.when(sid == 0)
    def _():
        pltpu.sync_copy(outbuf, outh)


@jax.jit
def kernel(boxes, scores):
    pad = _NPAD - _N
    x1 = jnp.pad(boxes[:, 0], (0, pad))
    y1 = jnp.pad(boxes[:, 1], (0, pad))
    x2 = jnp.pad(boxes[:, 2], (0, pad))
    y2 = jnp.pad(boxes[:, 3], (0, pad))
    s = jnp.pad(scores, (0, pad))

    out = pl.kernel(
        _sc_body,
        out_type=jax.ShapeDtypeStruct((MAX_OUT * 16,), jnp.float32),
        mesh=plsc.VectorSubcoreMesh(core_axis_name="c", subcore_axis_name="s",
                                    num_cores=1, num_subcores=16),
        compiler_params=pltpu.CompilerParams(needs_layout_passes=False),
        scratch_types=[
            pltpu.VMEM((_PER,), jnp.float32),
            pltpu.VMEM((_PER,), jnp.float32),
            pltpu.VMEM((_PER,), jnp.float32),
            pltpu.VMEM((_PER,), jnp.float32),
            pltpu.VMEM((_PER,), jnp.float32),
            pltpu.VMEM((_PER,), jnp.float32),
            pltpu.VMEM((16,), jnp.float32),
            pltpu.VMEM((256,), jnp.float32),
            pltpu.VMEM((16,), jnp.float32),
            pltpu.VMEM((16,), jnp.float32),
            pltpu.VMEM((MAX_OUT * 16,), jnp.float32),
            pltpu.VMEM((_CBUF,), jnp.float32),
            pltpu.VMEM((_CBUF,), jnp.float32),
            pltpu.VMEM((_CBUF,), jnp.float32),
            pltpu.VMEM((_CBUF,), jnp.float32),
            pltpu.VMEM((_CBUF,), jnp.float32),
            pltpu.VMEM((_CF,), jnp.float32),
            pltpu.VMEM((_CF,), jnp.float32),
            pltpu.VMEM((_CF,), jnp.float32),
            pltpu.VMEM((_CF,), jnp.float32),
            pltpu.VMEM((_CF,), jnp.float32),
            pltpu.VMEM_SHARED((768,), jnp.float32),
            pltpu.VMEM_SHARED((_CBUF,), jnp.float32),
            pltpu.VMEM_SHARED((_CBUF,), jnp.float32),
            pltpu.VMEM_SHARED((_CBUF,), jnp.float32),
            pltpu.VMEM_SHARED((_CBUF,), jnp.float32),
            pltpu.VMEM_SHARED((_CBUF,), jnp.float32),
            pltpu.SemaphoreType.DMA,
        ],
    )(x1, y1, x2, y2, s)

    o = out.reshape(MAX_OUT, 16)
    return o[:, :4], o[:, 4]

# --- scband reference (transcript-rebuilt; emitter-appended) ---
"""Pipeline reference for scband-onnxcompatible-nms-88742614270444 (READ-ONLY COPY).

The authoritative reference and input builder live on the scoring server;
editing this copy changes nothing except your own understanding.
"""

import jax, jax.numpy as jnp
import numpy as np

CONF_THRES = 0.25
IOU_THRES = 0.45
MAX_OUT = 100


def _nms_indices(boxes, scores, iou_thres, max_out):
    x1 = boxes[:, 0]; y1 = boxes[:, 1]; x2 = boxes[:, 2]; y2 = boxes[:, 3]
    areas = jnp.maximum(0.0, x2 - x1) * jnp.maximum(0.0, y2 - y1)
    idx = jnp.arange(scores.shape[0], dtype=jnp.int32)

    def body(k, state):
        s_work, keep = state
        i = jnp.argmax(s_work).astype(jnp.int32)
        has = s_work[i] > -jnp.inf
        keep = keep.at[k].set(jnp.where(has, i, jnp.int32(-1)))
        xx1 = jnp.maximum(x1[i], x1)
        yy1 = jnp.maximum(y1[i], y1)
        xx2 = jnp.minimum(x2[i], x2)
        yy2 = jnp.minimum(y2[i], y2)
        inter = jnp.maximum(0.0, xx2 - xx1) * jnp.maximum(0.0, yy2 - yy1)
        iou = inter / (areas[i] + areas - inter + 1e-9)
        suppress = (iou > iou_thres) | (idx == i)
        s_work = jnp.where(has & suppress, -jnp.inf, s_work)
        return (s_work, keep)

    keep0 = jnp.full((max_out,), -1, dtype=jnp.int32)
    _, keep = jax.lax.fori_loop(0, max_out, body, (scores, keep0))
    return keep


def setup_inputs(seed: int = 0) -> dict:
    key = jax.random.key(seed)
    k1, k2 = jax.random.split(key)
    u = jax.random.uniform(k1, (20000, 4), dtype=jnp.float32)
    x1 = u[:, 0] * 0.9
    y1 = u[:, 1] * 0.9
    x2 = x1 + 0.01 + u[:, 2] * 0.2
    y2 = y1 + 0.01 + u[:, 3] * 0.2
    boxes = jnp.stack([x1, y1, x2, y2], axis=1)
    scores = jax.random.uniform(k2, (20000,), dtype=jnp.float32)
    return {"boxes": boxes, "scores": scores}


def reference(boxes, scores):
    # mask = scores > conf_thres; boxes = boxes[mask]; scores = scores[mask]
    masked_scores = jnp.where(scores > CONF_THRES, scores, -jnp.inf)
    # ONNX NonMaxSuppression -> greedy NMS, max_output_boxes_per_class=100
    keep = _nms_indices(boxes, masked_scores, IOU_THRES, MAX_OUT)
    # torch.index_select on filtered boxes/scores
    filtered_boxes = jnp.take(boxes, keep, axis=0)
    filtered_scores = jnp.take(scores, keep, axis=0)
    return (filtered_boxes, filtered_scores)

if __name__ == "__main__":
    import jax
    _d = setup_inputs()
    print(jax.jit(kernel)(*tuple(_d.values())))

</pallas_src>

<mosaic_0001>
#map = affine_map<(d0, d1) -> (0)>
module attributes {stable_mosaic.version = 14 : i64} {
  func.func @_sc_body(%arg0: i32, %arg1: i32, %arg2: memref<20480xf32, #tpu.memory_space<hbm>>, %arg3: memref<20480xf32, #tpu.memory_space<hbm>>, %arg4: memref<20480xf32, #tpu.memory_space<hbm>>, %arg5: memref<20480xf32, #tpu.memory_space<hbm>>, %arg6: memref<20480xf32, #tpu.memory_space<hbm>>, %arg7: memref<1600xf32, #tpu.memory_space<hbm>>, %arg8: memref<1280xf32, #tpu.memory_space<vmem>>, %arg9: memref<1280xf32, #tpu.memory_space<vmem>>, %arg10: memref<1280xf32, #tpu.memory_space<vmem>>, %arg11: memref<1280xf32, #tpu.memory_space<vmem>>, %arg12: memref<1280xf32, #tpu.memory_space<vmem>>, %arg13: memref<1280xf32, #tpu.memory_space<vmem>>, %arg14: memref<16xf32, #tpu.memory_space<vmem>>, %arg15: memref<256xf32, #tpu.memory_space<vmem>>, %arg16: memref<16xf32, #tpu.memory_space<vmem>>, %arg17: memref<16xf32, #tpu.memory_space<vmem>>, %arg18: memref<1600xf32, #tpu.memory_space<vmem>>, %arg19: memref<2048xf32, #tpu.memory_space<vmem>>, %arg20: memref<2048xf32, #tpu.memory_space<vmem>>, %arg21: memref<2048xf32, #tpu.memory_space<vmem>>, %arg22: memref<2048xf32, #tpu.memory_space<vmem>>, %arg23: memref<2048xf32, #tpu.memory_space<vmem>>, %arg24: memref<192xf32, #tpu.memory_space<vmem>>, %arg25: memref<192xf32, #tpu.memory_space<vmem>>, %arg26: memref<192xf32, #tpu.memory_space<vmem>>, %arg27: memref<192xf32, #tpu.memory_space<vmem>>, %arg28: memref<192xf32, #tpu.memory_space<vmem>>, %arg29: memref<768xf32, #tpu.memory_space<vmem_shared>>, %arg30: memref<2048xf32, #tpu.memory_space<vmem_shared>>, %arg31: memref<2048xf32, #tpu.memory_space<vmem_shared>>, %arg32: memref<2048xf32, #tpu.memory_space<vmem_shared>>, %arg33: memref<2048xf32, #tpu.memory_space<vmem_shared>>, %arg34: memref<2048xf32, #tpu.memory_space<vmem_shared>>, %arg35: memref<!tpu.dma_semaphore, #tpu.memory_space<semaphore_mem>>) attributes {dimension_semantics = [#tpu.dimension_semantics<core_parallel>, #tpu.dimension_semantics<subcore_parallel>], iteration_bounds = array<i64: 1, 16>, scalar_prefetch = 0 : i64, scratch_operands = 28 : i64, tpu.core_type = #tpu.core_type<sc_vector_subcore>, window_params = [{transform_indices = #map}, {transform_indices = #map}, {transform_indices = #map}, {transform_indices = #map}, {transform_indices = #map}, {transform_indices = #map}]} {
    %mul3A = arith.constant 1280 : i32
    %mul3A_0 = arith.muli %arg1, %mul3A : i32
    %iota3A = tpu.iota {dimensions = array<i32: 0>} : vector<16xi32>
    %dma_start3A = tpu.memref_slice %arg2[%mul3A_0] : memref<20480xf32, #tpu.memory_space<hbm>> -> memref<1280xf32, #tpu.memory_space<hbm>>
    %dma_start3A_1 = tpu.memref_slice %arg2[%mul3A_0] : memref<20480xf32, #tpu.memory_space<hbm>> -> memref<1280xf32, #tpu.memory_space<hbm>>
    tpu.enqueue_dma source(%dma_start3A_1 : memref<1280xf32, #tpu.memory_space<hbm>>) target(%arg8 : memref<1280xf32, #tpu.memory_space<vmem>>) target_semaphore(%arg35 : memref<!tpu.dma_semaphore, #tpu.memory_space<semaphore_mem>>)
    %dma_start3A_2 = tpu.memref_slice %arg3[%mul3A_0] : memref<20480xf32, #tpu.memory_space<hbm>> -> memref<1280xf32, #tpu.memory_space<hbm>>
    %dma_start3A_3 = tpu.memref_slice %arg3[%mul3A_0] : memref<20480xf32, #tpu.memory_space<hbm>> -> memref<1280xf32, #tpu.memory_space<hbm>>
    tpu.enqueue_dma source(%dma_start3A_3 : memref<1280xf32, #tpu.memory_space<hbm>>) target(%arg9 : memref<1280xf32, #tpu.memory_space<vmem>>) target_semaphore(%arg35 : memref<!tpu.dma_semaphore, #tpu.memory_space<semaphore_mem>>)
    %dma_start3A_4 = tpu.memref_slice %arg4[%mul3A_0] : memref<20480xf32, #tpu.memory_space<hbm>> -> memref<1280xf32, #tpu.memory_space<hbm>>
    %dma_start3A_5 = tpu.memref_slice %arg4[%mul3A_0] : memref<20480xf32, #tpu.memory_space<hbm>> -> memref<1280xf32, #tpu.memory_space<hbm>>
    tpu.enqueue_dma source(%dma_start3A_5 : memref<1280xf32, #tpu.memory_space<hbm>>) target(%arg10 : memref<1280xf32, #tpu.memory_space<vmem>>) target_semaphore(%arg35 : memref<!tpu.dma_semaphore, #tpu.memory_space<semaphore_mem>>)
    %dma_start3A_6 = tpu.memref_slice %arg5[%mul3A_0] : memref<20480xf32, #tpu.memory_space<hbm>> -> memref<1280xf32, #tpu.memory_space<hbm>>
    %dma_start3A_7 = tpu.memref_slice %arg5[%mul3A_0] : memref<20480xf32, #tpu.memory_space<hbm>> -> memref<1280xf32, #tpu.memory_space<hbm>>
    tpu.enqueue_dma source(%dma_start3A_7 : memref<1280xf32, #tpu.memory_space<hbm>>) target(%arg11 : memref<1280xf32, #tpu.memory_space<vmem>>) target_semaphore(%arg35 : memref<!tpu.dma_semaphore, #tpu.memory_space<semaphore_mem>>)
    %dma_start3A_8 = tpu.memref_slice %arg6[%mul3A_0] : memref<20480xf32, #tpu.memory_space<hbm>> -> memref<1280xf32, #tpu.memory_space<hbm>>
    %dma_start3A_9 = tpu.memref_slice %arg6[%mul3A_0] : memref<20480xf32, #tpu.memory_space<hbm>> -> memref<1280xf32, #tpu.memory_space<hbm>>
    tpu.enqueue_dma source(%dma_start3A_9 : memref<1280xf32, #tpu.memory_space<hbm>>) target(%arg12 : memref<1280xf32, #tpu.memory_space<vmem>>) target_semaphore(%arg35 : memref<!tpu.dma_semaphore, #tpu.memory_space<semaphore_mem>>)
    %dma_wait3A = tpu.memref_slice %arg2[%mul3A_0] : memref<20480xf32, #tpu.memory_space<hbm>> -> memref<1280xf32, #tpu.memory_space<hbm>>
    %dma_wait3A_10 = tpu.memref_slice %arg2[%mul3A_0] : memref<20480xf32, #tpu.memory_space<hbm>> -> memref<1280xf32, #tpu.memory_space<hbm>>
    tpu.wait_dma2 semaphore(%arg35 : memref<!tpu.dma_semaphore, #tpu.memory_space<semaphore_mem>>) src(%dma_wait3A_10 : memref<1280xf32, #tpu.memory_space<hbm>>) dst(%arg8 : memref<1280xf32, #tpu.memory_space<vmem>>)
    %dma_wait3A_11 = tpu.memref_slice %arg3[%mul3A_0] : memref<20480xf32, #tpu.memory_space<hbm>> -> memref<1280xf32, #tpu.memory_space<hbm>>
    %dma_wait3A_12 = tpu.memref_slice %arg3[%mul3A_0] : memref<20480xf32, #tpu.memory_space<hbm>> -> memref<1280xf32, #tpu.memory_space<hbm>>
    tpu.wait_dma2 semaphore(%arg35 : memref<!tpu.dma_semaphore, #tpu.memory_space<semaphore_mem>>) src(%dma_wait3A_12 : memref<1280xf32, #tpu.memory_space<hbm>>) dst(%arg9 : memref<1280xf32, #tpu.memory_space<vmem>>)
    %dma_wait3A_13 = tpu.memref_slice %arg4[%mul3A_0] : memref<20480xf32, #tpu.memory_space<hbm>> -> memref<1280xf32, #tpu.memory_space<hbm>>
    %dma_wait3A_14 = tpu.memref_slice %arg4[%mul3A_0] : memref<20480xf32, #tpu.memory_space<hbm>> -> memref<1280xf32, #tpu.memory_space<hbm>>
    tpu.wait_dma2 semaphore(%arg35 : memref<!tpu.dma_semaphore, #tpu.memory_space<semaphore_mem>>) src(%dma_wait3A_14 : memref<1280xf32, #tpu.memory_space<hbm>>) dst(%arg10 : memref<1280xf32, #tpu.memory_space<vmem>>)
    %dma_wait3A_15 = tpu.memref_slice %arg5[%mul3A_0] : memref<20480xf32, #tpu.memory_space<hbm>> -> memref<1280xf32, #tpu.memory_space<hbm>>
    %dma_wait3A_16 = tpu.memref_slice %arg5[%mul3A_0] : memref<20480xf32, #tpu.memory_space<hbm>> -> memref<1280xf32, #tpu.memory_space<hbm>>
    tpu.wait_dma2 semaphore(%arg35 : memref<!tpu.dma_semaphore, #tpu.memory_space<semaphore_mem>>) src(%dma_wait3A_16 : memref<1280xf32, #tpu.memory_space<hbm>>) dst(%arg11 : memref<1280xf32, #tpu.memory_space<vmem>>)
    %dma_wait3A_17 = tpu.memref_slice %arg6[%mul3A_0] : memref<20480xf32, #tpu.memory_space<hbm>> -> memref<1280xf32, #tpu.memory_space<hbm>>
    %dma_wait3A_18 = tpu.memref_slice %arg6[%mul3A_0] : memref<20480xf32, #tpu.memory_space<hbm>> -> memref<1280xf32, #tpu.memory_space<hbm>>
    tpu.wait_dma2 semaphore(%arg35 : memref<!tpu.dma_semaphore, #tpu.memory_space<semaphore_mem>>) src(%dma_wait3A_18 : memref<1280xf32, #tpu.memory_space<hbm>>) dst(%arg12 : memref<1280xf32, #tpu.memory_space<vmem>>)
    %broadcast_in_dim3A = arith.constant 0 : i32
    %broadcast_in_dim3A_19 = vector.broadcast %broadcast_in_dim3A : i32 to vector<16xi32>
    %scan3A = arith.constant 0 : i32
    %scan3A_20 = arith.constant 80 : i32
    %scan3A_21 = arith.addi %scan3A, %scan3A_20 : i32
    %scan3A_22 = arith.constant 1 : i32
    %scan3A_23:8 = scf.for %scan3A_635 = %scan3A to %scan3A_21 step %scan3A_22 iter_args(%scan3A_636 = %broadcast_in_dim3A_19, %scan3A_637 = %broadcast_in_dim3A_19, %scan3A_638 = %broadcast_in_dim3A_19, %scan3A_639 = %broadcast_in_dim3A_19, %scan3A_640 = %broadcast_in_dim3A_19, %scan3A_641 = %broadcast_in_dim3A_19, %scan3A_642 = %broadcast_in_dim3A_19, %scan3A_643 = %broadcast_in_dim3A_19) -> (vector<16xi32>, vector<16xi32>, vector<16xi32>, vector<16xi32>, vector<16xi32>, vector<16xi32>, vector<16xi32>, vector<16xi32>)  : i32 {
      %mul3A_644 = arith.constant 16 : i32
      %mul3A_645 = arith.muli %scan3A_635, %mul3A_644 : i32
      %get3A_646 = arith.index_cast %mul3A_645 : i32 to index
      %get3A_647 = tpu.vector_load %arg8[%get3A_646] {strides = array<i32>} : memref<1280xf32, #tpu.memory_space<vmem>>, vector<16xf32>,
      %get3A_648 = arith.index_cast %mul3A_645 : i32 to index
      %get3A_649 = tpu.vector_load %arg9[%get3A_648] {strides = array<i32>} : memref<1280xf32, #tpu.memory_space<vmem>>, vector<16xf32>,
      %get3A_650 = arith.index_cast %mul3A_645 : i32 to index
      %get3A_651 = tpu.vector_load %arg10[%get3A_650] {strides = array<i32>} : memref<1280xf32, #tpu.memory_space<vmem>>, vector<16xf32>,
      %get3A_652 = arith.index_cast %mul3A_645 : i32 to index
      %get3A_653 = tpu.vector_load %arg11[%get3A_652] {strides = array<i32>} : memref<1280xf32, #tpu.memory_space<vmem>>, vector<16xf32>,
      %sub3A_654 = arith.subf %get3A_651, %get3A_647 : vector<16xf32>
      %max3A = arith.constant 0.000000e+00 : f32
      %max3A_655 = vector.broadcast %max3A : f32 to vector<16xf32>
      %max3A_656 = arith.maximumf %max3A_655, %sub3A_654 : vector<16xf32>
      %sub3A_657 = arith.subf %get3A_653, %get3A_649 : vector<16xf32>
      %max3A_658 = arith.constant 0.000000e+00 : f32
      %max3A_659 = vector.broadcast %max3A_658 : f32 to vector<16xf32>
      %max3A_660 = arith.maximumf %max3A_659, %sub3A_657 : vector<16xf32>
      %mul3A_661 = arith.mulf %max3A_656, %max3A_660 : vector<16xf32>
      %swap3A_662 = arith.index_cast %mul3A_645 : i32 to index
      %swap3A_663 = tpu.vector_load %arg13[%swap3A_662] {strides = array<i32>} : memref<1280xf32, #tpu.memory_space<vmem>>, vector<16xf32>,
      tpu.vector_store %arg13[%swap3A_662], %mul3A_661 {strides = array<i32>} : memref<1280xf32, #tpu.memory_space<vmem>>, vector<16xf32>,
      %get3A_664 = arith.index_cast %mul3A_645 : i32 to index
      %get3A_665 = tpu.vector_load %arg12[%get3A_664] {strides = array<i32>} : memref<1280xf32, #tpu.memory_space<vmem>>, vector<16xf32>,
      %gt3A_666 = arith.constant 2.500000e-01 : f32
      %gt3A_667 = vector.broadcast %gt3A_666 : f32 to vector<16xf32>
      %gt3A_668 = arith.cmpf ogt, %get3A_665, %gt3A_667 : vector<16xf32>
      %jit3A_669 = arith.constant 0xFF800000 : f32
      %broadcast_in_dim3A_670 = vector.broadcast %jit3A_669 : f32 to vector<16xf32>
      %select_n3A_671 = arith.select %gt3A_668, %get3A_665, %broadcast_in_dim3A_670 : vector<16xi1>, vector<16xf32>
      %swap3A_672 = arith.index_cast %mul3A_645 : i32 to index
      %swap3A_673 = tpu.vector_load %arg12[%swap3A_672] {strides = array<i32>} : memref<1280xf32, #tpu.memory_space<vmem>>, vector<16xf32>,
      tpu.vector_store %arg12[%swap3A_672], %select_n3A_671 {strides = array<i32>} : memref<1280xf32, #tpu.memory_space<vmem>>, vector<16xf32>,
      %gt3A_674 = arith.constant 0.991999983 : f32
      %gt3A_675 = vector.broadcast %gt3A_674 : f32 to vector<16xf32>
      %gt3A_676 = arith.cmpf ogt, %select_n3A_671, %gt3A_675 : vector<16xf32>
      %jit3A_677 = arith.constant 1 : i32
      %jit3A_678 = arith.constant 0 : i32
      %broadcast_in_dim3A_679 = vector.broadcast %jit3A_677 : i32 to vector<16xi32>
      %broadcast_in_dim3A_680 = vector.broadcast %jit3A_678 : i32 to vector<16xi32>
      %select_n3A_681 = arith.select %gt3A_676, %broadcast_in_dim3A_679, %broadcast_in_dim3A_680 : vector<16xi1>, vector<16xi32>
      %add3A_682 = arith.addi %scan3A_636, %select_n3A_681 : vector<16xi32>
      %gt3A_683 = arith.constant 9.840000e-01 : f32
      %gt3A_684 = vector.broadcast %gt3A_683 : f32 to vector<16xf32>
      %gt3A_685 = arith.cmpf ogt, %select_n3A_671, %gt3A_684 : vector<16xf32>
      %jit3A_686 = arith.constant 1 : i32
      %jit3A_687 = arith.constant 0 : i32
      %broadcast_in_dim3A_688 = vector.broadcast %jit3A_686 : i32 to vector<16xi32>
      %broadcast_in_dim3A_689 = vector.broadcast %jit3A_687 : i32 to vector<16xi32>
      %select_n3A_690 = arith.select %gt3A_685, %broadcast_in_dim3A_688, %broadcast_in_dim3A_689 : vector<16xi1>, vector<16xi32>
      %add3A_691 = arith.addi %scan3A_637, %select_n3A_690 : vector<16xi32>
      %gt3A_692 = arith.constant 9.700000e-01 : f32
      %gt3A_693 = vector.broadcast %gt3A_692 : f32 to vector<16xf32>
      %gt3A_694 = arith.cmpf ogt, %select_n3A_671, %gt3A_693 : vector<16xf32>
      %jit3A_695 = arith.constant 1 : i32
      %jit3A_696 = arith.constant 0 : i32
      %broadcast_in_dim3A_697 = vector.broadcast %jit3A_695 : i32 to vector<16xi32>
      %broadcast_in_dim3A_698 = vector.broadcast %jit3A_696 : i32 to vector<16xi32>
      %select_n3A_699 = arith.select %gt3A_694, %broadcast_in_dim3A_697, %broadcast_in_dim3A_698 : vector<16xi1>, vector<16xi32>
      %add3A_700 = arith.addi %scan3A_638, %select_n3A_699 : vector<16xi32>
      %gt3A_701 = arith.constant 0.939999997 : f32
      %gt3A_702 = vector.broadcast %gt3A_701 : f32 to vector<16xf32>
      %gt3A_703 = arith.cmpf ogt, %select_n3A_671, %gt3A_702 : vector<16xf32>
      %jit3A_704 = arith.constant 1 : i32
      %jit3A_705 = arith.constant 0 : i32
      %broadcast_in_dim3A_706 = vector.broadcast %jit3A_704 : i32 to vector<16xi32>
      %broadcast_in_dim3A_707 = vector.broadcast %jit3A_705 : i32 to vector<16xi32>
      %select_n3A_708 = arith.select %gt3A_703, %broadcast_in_dim3A_706, %broadcast_in_dim3A_707 : vector<16xi1>, vector<16xi32>
      %add3A_709 = arith.addi %scan3A_639, %select_n3A_708 : vector<16xi32>
      %gt3A_710 = arith.constant 0.879999995 : f32
      %gt3A_711 = vector.broadcast %gt3A_710 : f32 to vector<16xf32>
      %gt3A_712 = arith.cmpf ogt, %select_n3A_671, %gt3A_711 : vector<16xf32>
      %jit3A_713 = arith.constant 1 : i32
      %jit3A_714 = arith.constant 0 : i32
      %broadcast_in_dim3A_715 = vector.broadcast %jit3A_713 : i32 to vector<16xi32>
      %broadcast_in_dim3A_716 = vector.broadcast %jit3A_714 : i32 to vector<16xi32>
      %select_n3A_717 = arith.select %gt3A_712, %broadcast_in_dim3A_715, %broadcast_in_dim3A_716 : vector<16xi1>, vector<16xi32>
      %add3A_718 = arith.addi %scan3A_640, %select_n3A_717 : vector<16xi32>
      %gt3A_719 = arith.constant 7.600000e-01 : f32
      %gt3A_720 = vector.broadcast %gt3A_719 : f32 to vector<16xf32>
      %gt3A_721 = arith.cmpf ogt, %select_n3A_671, %gt3A_720 : vector<16xf32>
      %jit3A_722 = arith.constant 1 : i32
      %jit3A_723 = arith.constant 0 : i32
      %broadcast_in_dim3A_724 = vector.broadcast %jit3A_722 : i32 to vector<16xi32>
      %broadcast_in_dim3A_725 = vector.broadcast %jit3A_723 : i32 to vector<16xi32>
      %select_n3A_726 = arith.select %gt3A_721, %broadcast_in_dim3A_724, %broadcast_in_dim3A_725 : vector<16xi1>, vector<16xi32>
      %add3A_727 = arith.addi %scan3A_641, %select_n3A_726 : vector<16xi32>
      %gt3A_728 = arith.constant 5.200000e-01 : f32
      %gt3A_729 = vector.broadcast %gt3A_728 : f32 to vector<16xf32>
      %gt3A_730 = arith.cmpf ogt, %select_n3A_671, %gt3A_729 : vector<16xf32>
      %jit3A_731 = arith.constant 1 : i32
      %jit3A_732 = arith.constant 0 : i32
      %broadcast_in_dim3A_733 = vector.broadcast %jit3A_731 : i32 to vector<16xi32>
      %broadcast_in_dim3A_734 = vector.broadcast %jit3A_732 : i32 to vector<16xi32>
      %select_n3A_735 = arith.select %gt3A_730, %broadcast_in_dim3A_733, %broadcast_in_dim3A_734 : vector<16xi1>, vector<16xi32>
      %add3A_736 = arith.addi %scan3A_642, %select_n3A_735 : vector<16xi32>
      %gt3A_737 = arith.constant 2.500000e-01 : f32
      %gt3A_738 = vector.broadcast %gt3A_737 : f32 to vector<16xf32>
      %gt3A_739 = arith.cmpf ogt, %select_n3A_671, %gt3A_738 : vector<16xf32>
      %jit3A_740 = arith.constant 1 : i32
      %jit3A_741 = arith.constant 0 : i32
      %broadcast_in_dim3A_742 = vector.broadcast %jit3A_740 : i32 to vector<16xi32>
      %broadcast_in_dim3A_743 = vector.broadcast %jit3A_741 : i32 to vector<16xi32>
      %select_n3A_744 = arith.select %gt3A_739, %broadcast_in_dim3A_742, %broadcast_in_dim3A_743 : vector<16xi1>, vector<16xi32>
      %add3A_745 = arith.addi %scan3A_643, %select_n3A_744 : vector<16xi32>
      scf.yield %add3A_682, %add3A_691, %add3A_700, %add3A_709, %add3A_718, %add3A_727, %add3A_736, %add3A_745 : vector<16xi32>, vector<16xi32>, vector<16xi32>, vector<16xi32>, vector<16xi32>, vector<16xi32>, vector<16xi32>, vector<16xi32>
    }
    %scan3A_24 = arith.constant 80 : i32
    %broadcast_in_dim3A_25 = arith.constant 0.000000e+00 : f32
    %broadcast_in_dim3A_26 = vector.broadcast %broadcast_in_dim3A_25 : f32 to vector<16xf32>
    %broadcast_in_dim3A_27 = arith.constant 15 : i32
    %broadcast_in_dim3A_28 = vector.broadcast %broadcast_in_dim3A_27 : i32 to vector<16xi32>
    "tpu.region"() ({
      %run_scoped3A = tpu.sem_alloc : memref<!tpu.dma_semaphore, #tpu.memory_space<semaphore_mem>>
      %dma_start3A_635 = arith.constant 19984 : i32
      %dma_start3A_636 = tpu.memref_slice %arg2[%dma_start3A_635] : memref<20480xf32, #tpu.memory_space<hbm>> -> memref<16xf32, #tpu.memory_space<hbm>>
      %dma_start3A_637 = arith.constant 19984 : i32
      %dma_start3A_638 = tpu.memref_slice %arg2[%dma_start3A_637] : memref<20480xf32, #tpu.memory_space<hbm>> -> memref<16xf32, #tpu.memory_space<hbm>>
      tpu.enqueue_dma source(%dma_start3A_638 : memref<16xf32, #tpu.memory_space<hbm>>) target(%arg17 : memref<16xf32, #tpu.memory_space<vmem>>) target_semaphore(%run_scoped3A : memref<!tpu.dma_semaphore, #tpu.memory_space<semaphore_mem>>)
      %dma_wait3A_639 = arith.constant 19984 : i32
      %dma_wait3A_640 = tpu.memref_slice %arg2[%dma_wait3A_639] : memref<20480xf32, #tpu.memory_space<hbm>> -> memref<16xf32, #tpu.memory_space<hbm>>
      %dma_wait3A_641 = arith.constant 19984 : i32
      %dma_wait3A_642 = tpu.memref_slice %arg2[%dma_wait3A_641] : memref<20480xf32, #tpu.memory_space<hbm>> -> memref<16xf32, #tpu.memory_space<hbm>>
      tpu.wait_dma2 semaphore(%run_scoped3A : memref<!tpu.dma_semaphore, #tpu.memory_space<semaphore_mem>>) src(%dma_wait3A_642 : memref<16xf32, #tpu.memory_space<hbm>>) dst(%arg17 : memref<16xf32, #tpu.memory_space<vmem>>)
      tpu.yield
    }) : () -> ()
    %gather3A = tpu.vector_load_idx %arg17[%broadcast_in_dim3A_28] : memref<16xf32, #tpu.memory_space<vmem>>[vector<16xi32>], vector<16xf32>,
    %eq3A = arith.constant 0 : i32
    %eq3A_29 = vector.broadcast %eq3A : i32 to vector<16xi32>
    %eq3A_30 = arith.cmpi eq, %iota3A, %eq3A_29 : vector<16xi32>
    %select_n3A = arith.select %eq3A_30, %gather3A, %broadcast_in_dim3A_26 : vector<16xi1>, vector<16xf32>
    "tpu.region"() ({
      %run_scoped3A = tpu.sem_alloc : memref<!tpu.dma_semaphore, #tpu.memory_space<semaphore_mem>>
      %dma_start3A_635 = arith.constant 19984 : i32
      %dma_start3A_636 = tpu.memref_slice %arg3[%dma_start3A_635] : memref<20480xf32, #tpu.memory_space<hbm>> -> memref<16xf32, #tpu.memory_space<hbm>>
      %dma_start3A_637 = arith.constant 19984 : i32
      %dma_start3A_638 = tpu.memref_slice %arg3[%dma_start3A_637] : memref<20480xf32, #tpu.memory_space<hbm>> -> memref<16xf32, #tpu.memory_space<hbm>>
      tpu.enqueue_dma source(%dma_start3A_638 : memref<16xf32, #tpu.memory_space<hbm>>) target(%arg17 : memref<16xf32, #tpu.memory_space<vmem>>) target_semaphore(%run_scoped3A : memref<!tpu.dma_semaphore, #tpu.memory_space<semaphore_mem>>)
      %dma_wait3A_639 = arith.constant 19984 : i32
      %dma_wait3A_640 = tpu.memref_slice %arg3[%dma_wait3A_639] : memref<20480xf32, #tpu.memory_space<hbm>> -> memref<16xf32, #tpu.memory_space<hbm>>
      %dma_wait3A_641 = arith.constant 19984 : i32
      %dma_wait3A_642 = tpu.memref_slice %arg3[%dma_wait3A_641] : memref<20480xf32, #tpu.memory_space<hbm>> -> memref<16xf32, #tpu.memory_space<hbm>>
      tpu.wait_dma2 semaphore(%run_scoped3A : memref<!tpu.dma_semaphore, #tpu.memory_space<semaphore_mem>>) src(%dma_wait3A_642 : memref<16xf32, #tpu.memory_space<hbm>>) dst(%arg17 : memref<16xf32, #tpu.memory_space<vmem>>)
      tpu.yield
    }) : () -> ()
    %gather3A_31 = tpu.vector_load_idx %arg17[%broadcast_in_dim3A_28] : memref<16xf32, #tpu.memory_space<vmem>>[vector<16xi32>], vector<16xf32>,
    %eq3A_32 = arith.constant 1 : i32
    %eq3A_33 = vector.broadcast %eq3A_32 : i32 to vector<16xi32>
    %eq3A_34 = arith.cmpi eq, %iota3A, %eq3A_33 : vector<16xi32>
    %select_n3A_35 = arith.select %eq3A_34, %gather3A_31, %select_n3A : vector<16xi1>, vector<16xf32>
    "tpu.region"() ({
      %run_scoped3A = tpu.sem_alloc : memref<!tpu.dma_semaphore, #tpu.memory_space<semaphore_mem>>
      %dma_start3A_635 = arith.constant 19984 : i32
      %dma_start3A_636 = tpu.memref_slice %arg4[%dma_start3A_635] : memref<20480xf32, #tpu.memory_space<hbm>> -> memref<16xf32, #tpu.memory_space<hbm>>
      %dma_start3A_637 = arith.constant 19984 : i32
      %dma_start3A_638 = tpu.memref_slice %arg4[%dma_start3A_637] : memref<20480xf32, #tpu.memory_space<hbm>> -> memref<16xf32, #tpu.memory_space<hbm>>
      tpu.enqueue_dma source(%dma_start3A_638 : memref<16xf32, #tpu.memory_space<hbm>>) target(%arg17 : memref<16xf32, #tpu.memory_space<vmem>>) target_semaphore(%run_scoped3A : memref<!tpu.dma_semaphore, #tpu.memory_space<semaphore_mem>>)
      %dma_wait3A_639 = arith.constant 19984 : i32
      %dma_wait3A_640 = tpu.memref_slice %arg4[%dma_wait3A_639] : memref<20480xf32, #tpu.memory_space<hbm>> -> memref<16xf32, #tpu.memory_space<hbm>>
      %dma_wait3A_641 = arith.constant 19984 : i32
      %dma_wait3A_642 = tpu.memref_slice %arg4[%dma_wait3A_641] : memref<20480xf32, #tpu.memory_space<hbm>> -> memref<16xf32, #tpu.memory_space<hbm>>
      tpu.wait_dma2 semaphore(%run_scoped3A : memref<!tpu.dma_semaphore, #tpu.memory_space<semaphore_mem>>) src(%dma_wait3A_642 : memref<16xf32, #tpu.memory_space<hbm>>) dst(%arg17 : memref<16xf32, #tpu.memory_space<vmem>>)
      tpu.yield
    }) : () -> ()
    %gather3A_36 = tpu.vector_load_idx %arg17[%broadcast_in_dim3A_28] : memref<16xf32, #tpu.memory_space<vmem>>[vector<16xi32>], vector<16xf32>,
    %eq3A_37 = arith.constant 2 : i32
    %eq3A_38 = vector.broadcast %eq3A_37 : i32 to vector<16xi32>
    %eq3A_39 = arith.cmpi eq, %iota3A, %eq3A_38 : vector<16xi32>
    %select_n3A_40 = arith.select %eq3A_39, %gather3A_36, %select_n3A_35 : vector<16xi1>, vector<16xf32>
    "tpu.region"() ({
      %run_scoped3A = tpu.sem_alloc : memref<!tpu.dma_semaphore, #tpu.memory_space<semaphore_mem>>
      %dma_start3A_635 = arith.constant 19984 : i32
      %dma_start3A_636 = tpu.memref_slice %arg5[%dma_start3A_635] : memref<20480xf32, #tpu.memory_space<hbm>> -> memref<16xf32, #tpu.memory_space<hbm>>
      %dma_start3A_637 = arith.constant 19984 : i32
      %dma_start3A_638 = tpu.memref_slice %arg5[%dma_start3A_637] : memref<20480xf32, #tpu.memory_space<hbm>> -> memref<16xf32, #tpu.memory_space<hbm>>
      tpu.enqueue_dma source(%dma_start3A_638 : memref<16xf32, #tpu.memory_space<hbm>>) target(%arg17 : memref<16xf32, #tpu.memory_space<vmem>>) target_semaphore(%run_scoped3A : memref<!tpu.dma_semaphore, #tpu.memory_space<semaphore_mem>>)
      %dma_wait3A_639 = arith.constant 19984 : i32
      %dma_wait3A_640 = tpu.memref_slice %arg5[%dma_wait3A_639] : memref<20480xf32, #tpu.memory_space<hbm>> -> memref<16xf32, #tpu.memory_space<hbm>>
      %dma_wait3A_641 = arith.constant 19984 : i32
      %dma_wait3A_642 = tpu.memref_slice %arg5[%dma_wait3A_641] : memref<20480xf32, #tpu.memory_space<hbm>> -> memref<16xf32, #tpu.memory_space<hbm>>
      tpu.wait_dma2 semaphore(%run_scoped3A : memref<!tpu.dma_semaphore, #tpu.memory_space<semaphore_mem>>) src(%dma_wait3A_642 : memref<16xf32, #tpu.memory_space<hbm>>) dst(%arg17 : memref<16xf32, #tpu.memory_space<vmem>>)
      tpu.yield
    }) : () -> ()
    %gather3A_41 = tpu.vector_load_idx %arg17[%broadcast_in_dim3A_28] : memref<16xf32, #tpu.memory_space<vmem>>[vector<16xi32>], vector<16xf32>,
    %eq3A_42 = arith.constant 3 : i32
    %eq3A_43 = vector.broadcast %eq3A_42 : i32 to vector<16xi32>
    %eq3A_44 = arith.cmpi eq, %iota3A, %eq3A_43 : vector<16xi32>
    %select_n3A_45 = arith.select %eq3A_44, %gather3A_41, %select_n3A_40 : vector<16xi1>, vector<16xf32>
    "tpu.region"() ({
      %run_scoped3A = tpu.sem_alloc : memref<!tpu.dma_semaphore, #tpu.memory_space<semaphore_mem>>
      %dma_start3A_635 = arith.constant 19984 : i32
      %dma_start3A_636 = tpu.memref_slice %arg6[%dma_start3A_635] : memref<20480xf32, #tpu.memory_space<hbm>> -> memref<16xf32, #tpu.memory_space<hbm>>
      %dma_start3A_637 = arith.constant 19984 : i32
      %dma_start3A_638 = tpu.memref_slice %arg6[%dma_start3A_637] : memref<20480xf32, #tpu.memory_space<hbm>> -> memref<16xf32, #tpu.memory_space<hbm>>
      tpu.enqueue_dma source(%dma_start3A_638 : memref<16xf32, #tpu.memory_space<hbm>>) target(%arg17 : memref<16xf32, #tpu.memory_space<vmem>>) target_semaphore(%run_scoped3A : memref<!tpu.dma_semaphore, #tpu.memory_space<semaphore_mem>>)
      %dma_wait3A_639 = arith.constant 19984 : i32
      %dma_wait3A_640 = tpu.memref_slice %arg6[%dma_wait3A_639] : memref<20480xf32, #tpu.memory_space<hbm>> -> memref<16xf32, #tpu.memory_space<hbm>>
      %dma_wait3A_641 = arith.constant 19984 : i32
      %dma_wait3A_642 = tpu.memref_slice %arg6[%dma_wait3A_641] : memref<20480xf32, #tpu.memory_space<hbm>> -> memref<16xf32, #tpu.memory_space<hbm>>
      tpu.wait_dma2 semaphore(%run_scoped3A : memref<!tpu.dma_semaphore, #tpu.memory_space<semaphore_mem>>) src(%dma_wait3A_642 : memref<16xf32, #tpu.memory_space<hbm>>) dst(%arg17 : memref<16xf32, #tpu.memory_space<vmem>>)
      tpu.yield
    }) : () -> ()
    %gather3A_46 = tpu.vector_load_idx %arg17[%broadcast_in_dim3A_28] : memref<16xf32, #tpu.memory_space<vmem>>[vector<16xi32>], vector<16xf32>,
    %eq3A_47 = arith.constant 4 : i32
    %eq3A_48 = vector.broadcast %eq3A_47 : i32 to vector<16xi32>
    %eq3A_49 = arith.cmpi eq, %iota3A, %eq3A_48 : vector<16xi32>
    %select_n3A_50 = arith.select %eq3A_49, %gather3A_46, %select_n3A_45 : vector<16xi1>, vector<16xf32>
    %swap3A = arith.constant 0 : index
    %swap3A_51 = tpu.vector_load %arg16[%swap3A] {strides = array<i32>} : memref<16xf32, #tpu.memory_space<vmem>>, vector<16xf32>,
    tpu.vector_store %arg16[%swap3A], %select_n3A_50 {strides = array<i32>} : memref<16xf32, #tpu.memory_space<vmem>>, vector<16xf32>,
    %broadcast_in_dim3A_52 = arith.constant 0 : i32
    %broadcast_in_dim3A_53 = vector.broadcast %broadcast_in_dim3A_52 : i32 to vector<16xi32>
    %eq3A_54 = arith.constant 0 : i32
    %eq3A_55 = vector.broadcast %eq3A_54 : i32 to vector<16xi32>
    %eq3A_56 = arith.cmpi eq, %iota3A, %eq3A_55 : vector<16xi32>
    %reduce_sum3A = arith.constant true
    %reduce_sum3A_57 = vector.broadcast %reduce_sum3A : i1 to vector<16xi1>
    %reduce_sum3A_58 = tpu.scan <sum>, %scan3A_23#0 masked %reduce_sum3A_57 : vector<16xi32>, vector<16xi1> -> vector<16xi32>
    %reduce_sum3A_59 = vector.extract %reduce_sum3A_58[15] : i32 from vector<16xi32>
    %broadcast_in_dim3A_60 = vector.broadcast %reduce_sum3A_59 : i32 to vector<16xi32>
    %select_n3A_61 = arith.select %eq3A_56, %broadcast_in_dim3A_60, %broadcast_in_dim3A_53 : vector<16xi1>, vector<16xi32>
    %eq3A_62 = arith.constant 1 : i32
    %eq3A_63 = vector.broadcast %eq3A_62 : i32 to vector<16xi32>
    %eq3A_64 = arith.cmpi eq, %iota3A, %eq3A_63 : vector<16xi32>
    %reduce_sum3A_65 = arith.constant true
    %reduce_sum3A_66 = vector.broadcast %reduce_sum3A_65 : i1 to vector<16xi1>
    %reduce_sum3A_67 = tpu.scan <sum>, %scan3A_23#1 masked %reduce_sum3A_66 : vector<16xi32>, vector<16xi1> -> vector<16xi32>
    %reduce_sum3A_68 = vector.extract %reduce_sum3A_67[15] : i32 from vector<16xi32>
    %broadcast_in_dim3A_69 = vector.broadcast %reduce_sum3A_68 : i32 to vector<16xi32>
    %select_n3A_70 = arith.select %eq3A_64, %broadcast_in_dim3A_69, %select_n3A_61 : vector<16xi1>, vector<16xi32>
    %eq3A_71 = arith.constant 2 : i32
    %eq3A_72 = vector.broadcast %eq3A_71 : i32 to vector<16xi32>
    %eq3A_73 = arith.cmpi eq, %iota3A, %eq3A_72 : vector<16xi32>
    %reduce_sum3A_74 = arith.constant true
    %reduce_sum3A_75 = vector.broadcast %reduce_sum3A_74 : i1 to vector<16xi1>
    %reduce_sum3A_76 = tpu.scan <sum>, %scan3A_23#2 masked %reduce_sum3A_75 : vector<16xi32>, vector<16xi1> -> vector<16xi32>
    %reduce_sum3A_77 = vector.extract %reduce_sum3A_76[15] : i32 from vector<16xi32>
    %broadcast_in_dim3A_78 = vector.broadcast %reduce_sum3A_77 : i32 to vector<16xi32>
    %select_n3A_79 = arith.select %eq3A_73, %broadcast_in_dim3A_78, %select_n3A_70 : vector<16xi1>, vector<16xi32>
    %eq3A_80 = arith.constant 3 : i32
    %eq3A_81 = vector.broadcast %eq3A_80 : i32 to vector<16xi32>
    %eq3A_82 = arith.cmpi eq, %iota3A, %eq3A_81 : vector<16xi32>
    %reduce_sum3A_83 = arith.constant true
    %reduce_sum3A_84 = vector.broadcast %reduce_sum3A_83 : i1 to vector<16xi1>
    %reduce_sum3A_85 = tpu.scan <sum>, %scan3A_23#3 masked %reduce_sum3A_84 : vector<16xi32>, vector<16xi1> -> vector<16xi32>
    %reduce_sum3A_86 = vector.extract %reduce_sum3A_85[15] : i32 from vector<16xi32>
    %broadcast_in_dim3A_87 = vector.broadcast %reduce_sum3A_86 : i32 to vector<16xi32>
    %select_n3A_88 = arith.select %eq3A_82, %broadcast_in_dim3A_87, %select_n3A_79 : vector<16xi1>, vector<16xi32>
    %eq3A_89 = arith.constant 4 : i32
    %eq3A_90 = vector.broadcast %eq3A_89 : i32 to vector<16xi32>
    %eq3A_91 = arith.cmpi eq, %iota3A, %eq3A_90 : vector<16xi32>
    %reduce_sum3A_92 = arith.constant true
    %reduce_sum3A_93 = vector.broadcast %reduce_sum3A_92 : i1 to vector<16xi1>
    %reduce_sum3A_94 = tpu.scan <sum>, %scan3A_23#4 masked %reduce_sum3A_93 : vector<16xi32>, vector<16xi1> -> vector<16xi32>
    %reduce_sum3A_95 = vector.extract %reduce_sum3A_94[15] : i32 from vector<16xi32>
    %broadcast_in_dim3A_96 = vector.broadcast %reduce_sum3A_95 : i32 to vector<16xi32>
    %select_n3A_97 = arith.select %eq3A_91, %broadcast_in_dim3A_96, %select_n3A_88 : vector<16xi1>, vector<16xi32>
    %eq3A_98 = arith.constant 5 : i32
    %eq3A_99 = vector.broadcast %eq3A_98 : i32 to vector<16xi32>
    %eq3A_100 = arith.cmpi eq, %iota3A, %eq3A_99 : vector<16xi32>
    %reduce_sum3A_101 = arith.constant true
    %reduce_sum3A_102 = vector.broadcast %reduce_sum3A_101 : i1 to vector<16xi1>
    %reduce_sum3A_103 = tpu.scan <sum>, %scan3A_23#5 masked %reduce_sum3A_102 : vector<16xi32>, vector<16xi1> -> vector<16xi32>
    %reduce_sum3A_104 = vector.extract %reduce_sum3A_103[15] : i32 from vector<16xi32>
    %broadcast_in_dim3A_105 = vector.broadcast %reduce_sum3A_104 : i32 to vector<16xi32>
    %select_n3A_106 = arith.select %eq3A_100, %broadcast_in_dim3A_105, %select_n3A_97 : vector<16xi1>, vector<16xi32>
    %eq3A_107 = arith.constant 6 : i32
    %eq3A_108 = vector.broadcast %eq3A_107 : i32 to vector<16xi32>
    %eq3A_109 = arith.cmpi eq, %iota3A, %eq3A_108 : vector<16xi32>
    %reduce_sum3A_110 = arith.constant true
    %reduce_sum3A_111 = vector.broadcast %reduce_sum3A_110 : i1 to vector<16xi1>
    %reduce_sum3A_112 = tpu.scan <sum>, %scan3A_23#6 masked %reduce_sum3A_111 : vector<16xi32>, vector<16xi1> -> vector<16xi32>
    %reduce_sum3A_113 = vector.extract %reduce_sum3A_112[15] : i32 from vector<16xi32>
    %broadcast_in_dim3A_114 = vector.broadcast %reduce_sum3A_113 : i32 to vector<16xi32>
    %select_n3A_115 = arith.select %eq3A_109, %broadcast_in_dim3A_114, %select_n3A_106 : vector<16xi1>, vector<16xi32>
    %eq3A_116 = arith.constant 7 : i32
    %eq3A_117 = vector.broadcast %eq3A_116 : i32 to vector<16xi32>
    %eq3A_118 = arith.cmpi eq, %iota3A, %eq3A_117 : vector<16xi32>
    %reduce_sum3A_119 = arith.constant true
    %reduce_sum3A_120 = vector.broadcast %reduce_sum3A_119 : i1 to vector<16xi1>
    %reduce_sum3A_121 = tpu.scan <sum>, %scan3A_23#7 masked %reduce_sum3A_120 : vector<16xi32>, vector<16xi1> -> vector<16xi32>
    %reduce_sum3A_122 = vector.extract %reduce_sum3A_121[15] : i32 from vector<16xi32>
    %broadcast_in_dim3A_123 = vector.broadcast %reduce_sum3A_122 : i32 to vector<16xi32>
    %select_n3A_124 = arith.select %eq3A_118, %broadcast_in_dim3A_123, %select_n3A_115 : vector<16xi1>, vector<16xi32>
    %bitcast3A = vector.bitcast %select_n3A_124 : vector<16xi32> to vector<16xf32>
    %swap3A_125 = arith.constant 0 : index
    %swap3A_126 = tpu.vector_load %arg14[%swap3A_125] {strides = array<i32>} : memref<16xf32, #tpu.memory_space<vmem>>, vector<16xf32>,
    tpu.vector_store %arg14[%swap3A_125], %bitcast3A {strides = array<i32>} : memref<16xf32, #tpu.memory_space<vmem>>, vector<16xf32>,
    %mul3A_127 = arith.constant 16 : i32
    %mul3A_128 = arith.muli %arg1, %mul3A_127 : i32
    %add3A = arith.constant 512 : i32
    %add3A_129 = arith.addi %add3A, %mul3A_128 : i32
    "tpu.region"() ({
      %run_scoped3A = tpu.sem_alloc : memref<!tpu.dma_semaphore, #tpu.memory_space<semaphore_mem>>
      %dma_start3A_635 = tpu.memref_slice %arg29[%add3A_129] : memref<768xf32, #tpu.memory_space<vmem_shared>> -> memref<16xf32, #tpu.memory_space<vmem_shared>>
      %dma_start3A_636 = tpu.memref_slice %arg29[%add3A_129] : memref<768xf32, #tpu.memory_space<vmem_shared>> -> memref<16xf32, #tpu.memory_space<vmem_shared>>
      tpu.enqueue_dma source(%arg14 : memref<16xf32, #tpu.memory_space<vmem>>) target(%dma_start3A_636 : memref<16xf32, #tpu.memory_space<vmem_shared>>) target_semaphore(%run_scoped3A : memref<!tpu.dma_semaphore, #tpu.memory_space<semaphore_mem>>)
      %dma_wait3A_637 = tpu.memref_slice %arg29[%add3A_129] : memref<768xf32, #tpu.memory_space<vmem_shared>> -> memref<16xf32, #tpu.memory_space<vmem_shared>>
      %dma_wait3A_638 = tpu.memref_slice %arg29[%add3A_129] : memref<768xf32, #tpu.memory_space<vmem_shared>> -> memref<16xf32, #tpu.memory_space<vmem_shared>>
      tpu.wait_dma2 semaphore(%run_scoped3A : memref<!tpu.dma_semaphore, #tpu.memory_space<semaphore_mem>>) src(%arg14 : memref<16xf32, #tpu.memory_space<vmem>>) dst(%dma_wait3A_638 : memref<16xf32, #tpu.memory_space<vmem_shared>>)
      tpu.yield
    }) : () -> ()
    %barrier3A = arith.constant 0 : index
    tpu.barrier barrier_id(%barrier3A)
    "tpu.region"() ({
      %run_scoped3A = tpu.sem_alloc : memref<!tpu.dma_semaphore, #tpu.memory_space<semaphore_mem>>
      %dma_start3A_635 = arith.constant 512 : i32
      %dma_start3A_636 = tpu.memref_slice %arg29[%dma_start3A_635] : memref<768xf32, #tpu.memory_space<vmem_shared>> -> memref<256xf32, #tpu.memory_space<vmem_shared>>
      %dma_start3A_637 = arith.constant 512 : i32
      %dma_start3A_638 = tpu.memref_slice %arg29[%dma_start3A_637] : memref<768xf32, #tpu.memory_space<vmem_shared>> -> memref<256xf32, #tpu.memory_space<vmem_shared>>
      tpu.enqueue_dma source(%dma_start3A_638 : memref<256xf32, #tpu.memory_space<vmem_shared>>) target(%arg15 : memref<256xf32, #tpu.memory_space<vmem>>) target_semaphore(%run_scoped3A : memref<!tpu.dma_semaphore, #tpu.memory_space<semaphore_mem>>)
      %dma_wait3A_639 = arith.constant 512 : i32
      %dma_wait3A_640 = tpu.memref_slice %arg29[%dma_wait3A_639] : memref<768xf32, #tpu.memory_space<vmem_shared>> -> memref<256xf32, #tpu.memory_space<vmem_shared>>
      %dma_wait3A_641 = arith.constant 512 : i32
      %dma_wait3A_642 = tpu.memref_slice %arg29[%dma_wait3A_641] : memref<768xf32, #tpu.memory_space<vmem_shared>> -> memref<256xf32, #tpu.memory_space<vmem_shared>>
      tpu.wait_dma2 semaphore(%run_scoped3A : memref<!tpu.dma_semaphore, #tpu.memory_space<semaphore_mem>>) src(%dma_wait3A_642 : memref<256xf32, #tpu.memory_space<vmem_shared>>) dst(%arg15 : memref<256xf32, #tpu.memory_space<vmem>>)
      tpu.yield
    }) : () -> ()
    %mul3A_130 = arith.constant 16 : i32
    %mul3A_131 = vector.broadcast %mul3A_130 : i32 to vector<16xi32>
    %mul3A_132 = arith.muli %iota3A, %mul3A_131 : vector<16xi32>
    %add3A_133 = arith.constant 0 : i32
    %add3A_134 = vector.broadcast %add3A_133 : i32 to vector<16xi32>
    %add3A_135 = arith.addi %mul3A_132, %add3A_134 : vector<16xi32>
    %gather3A_136 = tpu.vector_load_idx %arg15[%add3A_135] : memref<256xf32, #tpu.memory_space<vmem>>[vector<16xi32>], vector<16xf32>,
    %bitcast3A_137 = vector.bitcast %gather3A_136 : vector<16xf32> to vector<16xi32>
    %reduce_sum3A_138 = arith.constant true
    %reduce_sum3A_139 = vector.broadcast %reduce_sum3A_138 : i1 to vector<16xi1>
    %reduce_sum3A_140 = tpu.scan <sum>, %bitcast3A_137 masked %reduce_sum3A_139 : vector<16xi32>, vector<16xi1> -> vector<16xi32>
    %reduce_sum3A_141 = vector.extract %reduce_sum3A_140[15] : i32 from vector<16xi32>
    %eq3A_142 = arith.constant 0 : i32
    %eq3A_143 = vector.broadcast %eq3A_142 : i32 to vector<16xi32>
    %eq3A_144 = arith.cmpi eq, %iota3A, %eq3A_143 : vector<16xi32>
    %broadcast_in_dim3A_145 = vector.broadcast %reduce_sum3A_141 : i32 to vector<16xi32>
    %select_n3A_146 = arith.select %eq3A_144, %broadcast_in_dim3A_145, %broadcast_in_dim3A_19 : vector<16xi1>, vector<16xi32>
    %add3A_147 = arith.constant 1 : i32
    %add3A_148 = vector.broadcast %add3A_147 : i32 to vector<16xi32>
    %add3A_149 = arith.addi %mul3A_132, %add3A_148 : vector<16xi32>
    %gather3A_150 = tpu.vector_load_idx %arg15[%add3A_149] : memref<256xf32, #tpu.memory_space<vmem>>[vector<16xi32>], vector<16xf32>,
    %bitcast3A_151 = vector.bitcast %gather3A_150 : vector<16xf32> to vector<16xi32>
    %reduce_sum3A_152 = arith.constant true
    %reduce_sum3A_153 = vector.broadcast %reduce_sum3A_152 : i1 to vector<16xi1>
    %reduce_sum3A_154 = tpu.scan <sum>, %bitcast3A_151 masked %reduce_sum3A_153 : vector<16xi32>, vector<16xi1> -> vector<16xi32>
    %reduce_sum3A_155 = vector.extract %reduce_sum3A_154[15] : i32 from vector<16xi32>
    %eq3A_156 = arith.constant 1 : i32
    %eq3A_157 = vector.broadcast %eq3A_156 : i32 to vector<16xi32>
    %eq3A_158 = arith.cmpi eq, %iota3A, %eq3A_157 : vector<16xi32>
    %broadcast_in_dim3A_159 = vector.broadcast %reduce_sum3A_155 : i32 to vector<16xi32>
    %select_n3A_160 = arith.select %eq3A_158, %broadcast_in_dim3A_159, %select_n3A_146 : vector<16xi1>, vector<16xi32>
    %add3A_161 = arith.constant 2 : i32
    %add3A_162 = vector.broadcast %add3A_161 : i32 to vector<16xi32>
    %add3A_163 = arith.addi %mul3A_132, %add3A_162 : vector<16xi32>
    %gather3A_164 = tpu.vector_load_idx %arg15[%add3A_163] : memref<256xf32, #tpu.memory_space<vmem>>[vector<16xi32>], vector<16xf32>,
    %bitcast3A_165 = vector.bitcast %gather3A_164 : vector<16xf32> to vector<16xi32>
    %reduce_sum3A_166 = arith.constant true
    %reduce_sum3A_167 = vector.broadcast %reduce_sum3A_166 : i1 to vector<16xi1>
    %reduce_sum3A_168 = tpu.scan <sum>, %bitcast3A_165 masked %reduce_sum3A_167 : vector<16xi32>, vector<16xi1> -> vector<16xi32>
    %reduce_sum3A_169 = vector.extract %reduce_sum3A_168[15] : i32 from vector<16xi32>
    %eq3A_170 = arith.constant 2 : i32
    %eq3A_171 = vector.broadcast %eq3A_170 : i32 to vector<16xi32>
    %eq3A_172 = arith.cmpi eq, %iota3A, %eq3A_171 : vector<16xi32>
    %broadcast_in_dim3A_173 = vector.broadcast %reduce_sum3A_169 : i32 to vector<16xi32>
    %select_n3A_174 = arith.select %eq3A_172, %broadcast_in_dim3A_173, %select_n3A_160 : vector<16xi1>, vector<16xi32>
    %add3A_175 = arith.constant 3 : i32
    %add3A_176 = vector.broadcast %add3A_175 : i32 to vector<16xi32>
    %add3A_177 = arith.addi %mul3A_132, %add3A_176 : vector<16xi32>
    %gather3A_178 = tpu.vector_load_idx %arg15[%add3A_177] : memref<256xf32, #tpu.memory_space<vmem>>[vector<16xi32>], vector<16xf32>,
    %bitcast3A_179 = vector.bitcast %gather3A_178 : vector<16xf32> to vector<16xi32>
    %reduce_sum3A_180 = arith.constant true
    %reduce_sum3A_181 = vector.broadcast %reduce_sum3A_180 : i1 to vector<16xi1>
    %reduce_sum3A_182 = tpu.scan <sum>, %bitcast3A_179 masked %reduce_sum3A_181 : vector<16xi32>, vector<16xi1> -> vector<16xi32>
    %reduce_sum3A_183 = vector.extract %reduce_sum3A_182[15] : i32 from vector<16xi32>
    %eq3A_184 = arith.constant 3 : i32
    %eq3A_185 = vector.broadcast %eq3A_184 : i32 to vector<16xi32>
    %eq3A_186 = arith.cmpi eq, %iota3A, %eq3A_185 : vector<16xi32>
    %broadcast_in_dim3A_187 = vector.broadcast %reduce_sum3A_183 : i32 to vector<16xi32>
    %select_n3A_188 = arith.select %eq3A_186, %broadcast_in_dim3A_187, %select_n3A_174 : vector<16xi1>, vector<16xi32>
    %add3A_189 = arith.constant 4 : i32
    %add3A_190 = vector.broadcast %add3A_189 : i32 to vector<16xi32>
    %add3A_191 = arith.addi %mul3A_132, %add3A_190 : vector<16xi32>
    %gather3A_192 = tpu.vector_load_idx %arg15[%add3A_191] : memref<256xf32, #tpu.memory_space<vmem>>[vector<16xi32>], vector<16xf32>,
    %bitcast3A_193 = vector.bitcast %gather3A_192 : vector<16xf32> to vector<16xi32>
    %reduce_sum3A_194 = arith.constant true
    %reduce_sum3A_195 = vector.broadcast %reduce_sum3A_194 : i1 to vector<16xi1>
    %reduce_sum3A_196 = tpu.scan <sum>, %bitcast3A_193 masked %reduce_sum3A_195 : vector<16xi32>, vector<16xi1> -> vector<16xi32>
    %reduce_sum3A_197 = vector.extract %reduce_sum3A_196[15] : i32 from vector<16xi32>
    %eq3A_198 = arith.constant 4 : i32
    %eq3A_199 = vector.broadcast %eq3A_198 : i32 to vector<16xi32>
    %eq3A_200 = arith.cmpi eq, %iota3A, %eq3A_199 : vector<16xi32>
    %broadcast_in_dim3A_201 = vector.broadcast %reduce_sum3A_197 : i32 to vector<16xi32>
    %select_n3A_202 = arith.select %eq3A_200, %broadcast_in_dim3A_201, %select_n3A_188 : vector<16xi1>, vector<16xi32>
    %add3A_203 = arith.constant 5 : i32
    %add3A_204 = vector.broadcast %add3A_203 : i32 to vector<16xi32>
    %add3A_205 = arith.addi %mul3A_132, %add3A_204 : vector<16xi32>
    %gather3A_206 = tpu.vector_load_idx %arg15[%add3A_205] : memref<256xf32, #tpu.memory_space<vmem>>[vector<16xi32>], vector<16xf32>,
    %bitcast3A_207 = vector.bitcast %gather3A_206 : vector<16xf32> to vector<16xi32>
    %reduce_sum3A_208 = arith.constant true
    %reduce_sum3A_209 = vector.broadcast %reduce_sum3A_208 : i1 to vector<16xi1>
    %reduce_sum3A_210 = tpu.scan <sum>, %bitcast3A_207 masked %reduce_sum3A_209 : vector<16xi32>, vector<16xi1> -> vector<16xi32>
    %reduce_sum3A_211 = vector.extract %reduce_sum3A_210[15] : i32 from vector<16xi32>
    %eq3A_212 = arith.constant 5 : i32
    %eq3A_213 = vector.broadcast %eq3A_212 : i32 to vector<16xi32>
    %eq3A_214 = arith.cmpi eq, %iota3A, %eq3A_213 : vector<16xi32>
    %broadcast_in_dim3A_215 = vector.broadcast %reduce_sum3A_211 : i32 to vector<16xi32>
    %select_n3A_216 = arith.select %eq3A_214, %broadcast_in_dim3A_215, %select_n3A_202 : vector<16xi1>, vector<16xi32>
    %add3A_217 = arith.constant 6 : i32
    %add3A_218 = vector.broadcast %add3A_217 : i32 to vector<16xi32>
    %add3A_219 = arith.addi %mul3A_132, %add3A_218 : vector<16xi32>
    %gather3A_220 = tpu.vector_load_idx %arg15[%add3A_219] : memref<256xf32, #tpu.memory_space<vmem>>[vector<16xi32>], vector<16xf32>,
    %bitcast3A_221 = vector.bitcast %gather3A_220 : vector<16xf32> to vector<16xi32>
    %reduce_sum3A_222 = arith.constant true
    %reduce_sum3A_223 = vector.broadcast %reduce_sum3A_222 : i1 to vector<16xi1>
    %reduce_sum3A_224 = tpu.scan <sum>, %bitcast3A_221 masked %reduce_sum3A_223 : vector<16xi32>, vector<16xi1> -> vector<16xi32>
    %reduce_sum3A_225 = vector.extract %reduce_sum3A_224[15] : i32 from vector<16xi32>
    %eq3A_226 = arith.constant 6 : i32
    %eq3A_227 = vector.broadcast %eq3A_226 : i32 to vector<16xi32>
    %eq3A_228 = arith.cmpi eq, %iota3A, %eq3A_227 : vector<16xi32>
    %broadcast_in_dim3A_229 = vector.broadcast %reduce_sum3A_225 : i32 to vector<16xi32>
    %select_n3A_230 = arith.select %eq3A_228, %broadcast_in_dim3A_229, %select_n3A_216 : vector<16xi1>, vector<16xi32>
    %add3A_231 = arith.constant 7 : i32
    %add3A_232 = vector.broadcast %add3A_231 : i32 to vector<16xi32>
    %add3A_233 = arith.addi %mul3A_132, %add3A_232 : vector<16xi32>
    %gather3A_234 = tpu.vector_load_idx %arg15[%add3A_233] : memref<256xf32, #tpu.memory_space<vmem>>[vector<16xi32>], vector<16xf32>,
    %bitcast3A_235 = vector.bitcast %gather3A_234 : vector<16xf32> to vector<16xi32>
    %reduce_sum3A_236 = arith.constant true
    %reduce_sum3A_237 = vector.broadcast %reduce_sum3A_236 : i1 to vector<16xi1>
    %reduce_sum3A_238 = tpu.scan <sum>, %bitcast3A_235 masked %reduce_sum3A_237 : vector<16xi32>, vector<16xi1> -> vector<16xi32>
    %reduce_sum3A_239 = vector.extract %reduce_sum3A_238[15] : i32 from vector<16xi32>
    %eq3A_240 = arith.constant 7 : i32
    %eq3A_241 = vector.broadcast %eq3A_240 : i32 to vector<16xi32>
    %eq3A_242 = arith.cmpi eq, %iota3A, %eq3A_241 : vector<16xi32>
    %broadcast_in_dim3A_243 = vector.broadcast %reduce_sum3A_239 : i32 to vector<16xi32>
    %select_n3A_244 = arith.select %eq3A_242, %broadcast_in_dim3A_243, %select_n3A_230 : vector<16xi1>, vector<16xi32>
    %ge3A = arith.constant 144 : i32
    %ge3A_245 = vector.broadcast %ge3A : i32 to vector<16xi32>
    %ge3A_246 = arith.cmpi sge, %select_n3A_244, %ge3A_245 : vector<16xi32>
    %le3A = arith.constant 7 : i32
    %le3A_247 = vector.broadcast %le3A : i32 to vector<16xi32>
    %le3A_248 = arith.cmpi sle, %iota3A, %le3A_247 : vector<16xi32>
    %and3A = arith.andi %ge3A_246, %le3A_248 : vector<16xi1>
    %jit3A = arith.constant 7 : i32
    %broadcast_in_dim3A_249 = vector.broadcast %jit3A : i32 to vector<16xi32>
    %select_n3A_250 = arith.select %and3A, %iota3A, %broadcast_in_dim3A_249 : vector<16xi1>, vector<16xi32>
    %reduce_min3A = arith.constant true
    %reduce_min3A_251 = vector.broadcast %reduce_min3A : i1 to vector<16xi1>
    %reduce_min3A_252 = arith.constant -2147483648 : i32
    %reduce_min3A_253 = vector.broadcast %reduce_min3A_252 : i32 to vector<16xi32>
    %reduce_min3A_254 = arith.xori %select_n3A_250, %reduce_min3A_253 : vector<16xi32>
    %reduce_min3A_255 = tpu.scan <min>, %reduce_min3A_254 masked %reduce_min3A_251 : vector<16xi32>, vector<16xi1> -> vector<16xi32>
    %reduce_min3A_256 = arith.xori %reduce_min3A_255, %reduce_min3A_253 : vector<16xi32>
    %reduce_min3A_257 = vector.extract %reduce_min3A_256[15] : i32 from vector<16xi32>
    %eq3A_258 = vector.broadcast %reduce_min3A_257 : i32 to vector<16xi32>
    %eq3A_259 = arith.cmpi eq, %iota3A, %eq3A_258 : vector<16xi32>
    %jit3A_260 = arith.constant 0 : i32
    %broadcast_in_dim3A_261 = vector.broadcast %jit3A_260 : i32 to vector<16xi32>
    %select_n3A_262 = arith.select %eq3A_259, %select_n3A_244, %broadcast_in_dim3A_261 : vector<16xi1>, vector<16xi32>
    %reduce_sum3A_263 = arith.constant true
    %reduce_sum3A_264 = vector.broadcast %reduce_sum3A_263 : i1 to vector<16xi1>
    %reduce_sum3A_265 = tpu.scan <sum>, %select_n3A_262 masked %reduce_sum3A_264 : vector<16xi32>, vector<16xi1> -> vector<16xi32>
    %reduce_sum3A_266 = vector.extract %reduce_sum3A_265[15] : i32 from vector<16xi32>
    %gt3A = arith.constant 192 : i32
    %gt3A_267 = arith.cmpi sgt, %reduce_sum3A_266, %gt3A : i32
    %ge3A_268 = arith.constant 1 : i32
    %ge3A_269 = arith.cmpi sge, %reduce_min3A_257, %ge3A_268 : i32
    %and3A_270 = arith.andi %gt3A_267, %ge3A_269 : i1
    %sub3A = arith.constant 1 : i32
    %sub3A_271 = arith.subi %reduce_min3A_257, %sub3A : i32
    %select_n3A_272 = arith.select %and3A_270, %sub3A_271, %reduce_min3A_257 : i32
    %eq3A_273 = vector.broadcast %select_n3A_272 : i32 to vector<16xi32>
    %eq3A_274 = arith.cmpi eq, %iota3A, %eq3A_273 : vector<16xi32>
    %jit3A_275 = arith.constant 0 : i32
    %broadcast_in_dim3A_276 = vector.broadcast %jit3A_275 : i32 to vector<16xi32>
    %select_n3A_277 = arith.select %eq3A_274, %select_n3A_244, %broadcast_in_dim3A_276 : vector<16xi1>, vector<16xi32>
    %reduce_sum3A_278 = arith.constant true
    %reduce_sum3A_279 = vector.broadcast %reduce_sum3A_278 : i1 to vector<16xi1>
    %reduce_sum3A_280 = tpu.scan <sum>, %select_n3A_277 masked %reduce_sum3A_279 : vector<16xi32>, vector<16xi1> -> vector<16xi32>
    %reduce_sum3A_281 = vector.extract %reduce_sum3A_280[15] : i32 from vector<16xi32>
    %le3A_282 = arith.constant 192 : i32
    %le3A_283 = arith.cmpi sle, %reduce_sum3A_281, %le3A_282 : i32
    %lt3A = arith.constant 7 : i32
    %lt3A_284 = arith.cmpi slt, %select_n3A_272, %lt3A : i32
    %broadcast_in_dim3A_285 = arith.constant 2.500000e-01 : f32
    %broadcast_in_dim3A_286 = vector.broadcast %broadcast_in_dim3A_285 : f32 to vector<16xf32>
    %eq3A_287 = arith.constant 0 : i32
    %eq3A_288 = vector.broadcast %eq3A_287 : i32 to vector<16xi32>
    %eq3A_289 = arith.cmpi eq, %iota3A, %eq3A_288 : vector<16xi32>
    %broadcast_in_dim3A_290 = arith.constant 0.991999983 : f32
    %broadcast_in_dim3A_291 = vector.broadcast %broadcast_in_dim3A_290 : f32 to vector<16xf32>
    %select_n3A_292 = arith.select %eq3A_289, %broadcast_in_dim3A_291, %broadcast_in_dim3A_286 : vector<16xi1>, vector<16xf32>
    %eq3A_293 = arith.constant 1 : i32
    %eq3A_294 = vector.broadcast %eq3A_293 : i32 to vector<16xi32>
    %eq3A_295 = arith.cmpi eq, %iota3A, %eq3A_294 : vector<16xi32>
    %broadcast_in_dim3A_296 = arith.constant 9.840000e-01 : f32
    %broadcast_in_dim3A_297 = vector.broadcast %broadcast_in_dim3A_296 : f32 to vector<16xf32>
    %select_n3A_298 = arith.select %eq3A_295, %broadcast_in_dim3A_297, %select_n3A_292 : vector<16xi1>, vector<16xf32>
    %eq3A_299 = arith.constant 2 : i32
    %eq3A_300 = vector.broadcast %eq3A_299 : i32 to vector<16xi32>
    %eq3A_301 = arith.cmpi eq, %iota3A, %eq3A_300 : vector<16xi32>
    %broadcast_in_dim3A_302 = arith.constant 9.700000e-01 : f32
    %broadcast_in_dim3A_303 = vector.broadcast %broadcast_in_dim3A_302 : f32 to vector<16xf32>
    %select_n3A_304 = arith.select %eq3A_301, %broadcast_in_dim3A_303, %select_n3A_298 : vector<16xi1>, vector<16xf32>
    %eq3A_305 = arith.constant 3 : i32
    %eq3A_306 = vector.broadcast %eq3A_305 : i32 to vector<16xi32>
    %eq3A_307 = arith.cmpi eq, %iota3A, %eq3A_306 : vector<16xi32>
    %broadcast_in_dim3A_308 = arith.constant 0.939999997 : f32
    %broadcast_in_dim3A_309 = vector.broadcast %broadcast_in_dim3A_308 : f32 to vector<16xf32>
    %select_n3A_310 = arith.select %eq3A_307, %broadcast_in_dim3A_309, %select_n3A_304 : vector<16xi1>, vector<16xf32>
    %eq3A_311 = arith.constant 4 : i32
    %eq3A_312 = vector.broadcast %eq3A_311 : i32 to vector<16xi32>
    %eq3A_313 = arith.cmpi eq, %iota3A, %eq3A_312 : vector<16xi32>
    %broadcast_in_dim3A_314 = arith.constant 0.879999995 : f32
    %broadcast_in_dim3A_315 = vector.broadcast %broadcast_in_dim3A_314 : f32 to vector<16xf32>
    %select_n3A_316 = arith.select %eq3A_313, %broadcast_in_dim3A_315, %select_n3A_310 : vector<16xi1>, vector<16xf32>
    %eq3A_317 = arith.constant 5 : i32
    %eq3A_318 = vector.broadcast %eq3A_317 : i32 to vector<16xi32>
    %eq3A_319 = arith.cmpi eq, %iota3A, %eq3A_318 : vector<16xi32>
    %broadcast_in_dim3A_320 = arith.constant 7.600000e-01 : f32
    %broadcast_in_dim3A_321 = vector.broadcast %broadcast_in_dim3A_320 : f32 to vector<16xf32>
    %select_n3A_322 = arith.select %eq3A_319, %broadcast_in_dim3A_321, %select_n3A_316 : vector<16xi1>, vector<16xf32>
    %eq3A_323 = arith.constant 6 : i32
    %eq3A_324 = vector.broadcast %eq3A_323 : i32 to vector<16xi32>
    %eq3A_325 = arith.cmpi eq, %iota3A, %eq3A_324 : vector<16xi32>
    %broadcast_in_dim3A_326 = arith.constant 5.200000e-01 : f32
    %broadcast_in_dim3A_327 = vector.broadcast %broadcast_in_dim3A_326 : f32 to vector<16xf32>
    %select_n3A_328 = arith.select %eq3A_325, %broadcast_in_dim3A_327, %select_n3A_322 : vector<16xi1>, vector<16xf32>
    %eq3A_329 = vector.broadcast %select_n3A_272 : i32 to vector<16xi32>
    %eq3A_330 = arith.cmpi eq, %iota3A, %eq3A_329 : vector<16xi32>
    %jit3A_331 = arith.constant 0.000000e+00 : f32
    %broadcast_in_dim3A_332 = vector.broadcast %jit3A_331 : f32 to vector<16xf32>
    %select_n3A_333 = arith.select %eq3A_330, %select_n3A_328, %broadcast_in_dim3A_332 : vector<16xi1>, vector<16xf32>
    %reduce_sum3A_334 = arith.constant true
    %reduce_sum3A_335 = vector.broadcast %reduce_sum3A_334 : i1 to vector<16xi1>
    %reduce_sum3A_336 = tpu.scan <sum>, %select_n3A_333 masked %reduce_sum3A_335 : vector<16xf32>, vector<16xi1> -> vector<16xf32>
    %reduce_sum3A_337 = vector.extract %reduce_sum3A_336[15] : f32 from vector<16xf32>
    %add3A_338 = vector.broadcast %select_n3A_272 : i32 to vector<16xi32>
    %add3A_339 = arith.addi %mul3A_132, %add3A_338 : vector<16xi32>
    %gather3A_340 = tpu.vector_load_idx %arg15[%add3A_339] : memref<256xf32, #tpu.memory_space<vmem>>[vector<16xi32>], vector<16xf32>,
    %bitcast3A_341 = vector.bitcast %gather3A_340 : vector<16xf32> to vector<16xi32>
    %add3A_342 = arith.constant 15 : i32
    %add3A_343 = vector.broadcast %add3A_342 : i32 to vector<16xi32>
    %add3A_344 = arith.addi %bitcast3A_341, %add3A_343 : vector<16xi32>
    %and3A_345 = arith.constant -16 : i32
    %and3A_346 = vector.broadcast %and3A_345 : i32 to vector<16xi32>
    %and3A_347 = arith.andi %add3A_344, %and3A_346 : vector<16xi32>
    %eq3A_348 = vector.broadcast %arg1 : i32 to vector<16xi32>
    %eq3A_349 = arith.cmpi eq, %iota3A, %eq3A_348 : vector<16xi32>
    %jit3A_350 = arith.constant 0 : i32
    %broadcast_in_dim3A_351 = vector.broadcast %jit3A_350 : i32 to vector<16xi32>
    %select_n3A_352 = arith.select %eq3A_349, %bitcast3A_341, %broadcast_in_dim3A_351 : vector<16xi1>, vector<16xi32>
    %reduce_sum3A_353 = arith.constant true
    %reduce_sum3A_354 = vector.broadcast %reduce_sum3A_353 : i1 to vector<16xi1>
    %reduce_sum3A_355 = tpu.scan <sum>, %select_n3A_352 masked %reduce_sum3A_354 : vector<16xi32>, vector<16xi1> -> vector<16xi32>
    %reduce_sum3A_356 = vector.extract %reduce_sum3A_355[15] : i32 from vector<16xi32>
    %eq3A_357 = vector.broadcast %arg1 : i32 to vector<16xi32>
    %eq3A_358 = arith.cmpi eq, %iota3A, %eq3A_357 : vector<16xi32>
    %jit3A_359 = arith.constant 0 : i32
    %broadcast_in_dim3A_360 = vector.broadcast %jit3A_359 : i32 to vector<16xi32>
    %select_n3A_361 = arith.select %eq3A_358, %and3A_347, %broadcast_in_dim3A_360 : vector<16xi1>, vector<16xi32>
    %reduce_sum3A_362 = arith.constant true
    %reduce_sum3A_363 = vector.broadcast %reduce_sum3A_362 : i1 to vector<16xi1>
    %reduce_sum3A_364 = tpu.scan <sum>, %select_n3A_361 masked %reduce_sum3A_363 : vector<16xi32>, vector<16xi1> -> vector<16xi32>
    %reduce_sum3A_365 = vector.extract %reduce_sum3A_364[15] : i32 from vector<16xi32>
    %lt3A_366 = vector.broadcast %arg1 : i32 to vector<16xi32>
    %lt3A_367 = arith.cmpi slt, %iota3A, %lt3A_366 : vector<16xi32>
    %jit3A_368 = arith.constant 0 : i32
    %broadcast_in_dim3A_369 = vector.broadcast %jit3A_368 : i32 to vector<16xi32>
    %select_n3A_370 = arith.select %lt3A_367, %and3A_347, %broadcast_in_dim3A_369 : vector<16xi1>, vector<16xi32>
    %reduce_sum3A_371 = arith.constant true
    %reduce_sum3A_372 = vector.broadcast %reduce_sum3A_371 : i1 to vector<16xi1>
    %reduce_sum3A_373 = tpu.scan <sum>, %select_n3A_370 masked %reduce_sum3A_372 : vector<16xi32>, vector<16xi1> -> vector<16xi32>
    %reduce_sum3A_374 = vector.extract %reduce_sum3A_373[15] : i32 from vector<16xi32>
    %multiple_of3A = tpu.assume_multiple %reduce_sum3A_374, 16 : i32
    %reduce_sum3A_375 = arith.constant true
    %reduce_sum3A_376 = vector.broadcast %reduce_sum3A_375 : i1 to vector<16xi1>
    %reduce_sum3A_377 = tpu.scan <sum>, %and3A_347 masked %reduce_sum3A_376 : vector<16xi32>, vector<16xi1> -> vector<16xi32>
    %reduce_sum3A_378 = vector.extract %reduce_sum3A_377[15] : i32 from vector<16xi32>
    %jit3A_379 = arith.constant 80 : i32
    %jit3A_380 = arith.constant 0 : i32
    %select_n3A_381 = arith.select %le3A_283, %jit3A_379, %jit3A_380 : i32
    %while3A = arith.constant 0 : i32
    %while3A_382 = arith.subi %select_n3A_381, %while3A : i32
    %while3A_383 = arith.addi %while3A, %while3A_382 : i32
    %while3A_384 = arith.constant 1 : i32
    %while3A_385 = arith.divsi %while3A_382, %while3A_384 : i32
    %while3A_386 = arith.muli %while3A_385, %while3A_384 : i32
    %while3A_387 = arith.addi %while3A, %while3A_386 : i32
    %while3A_388 = arith.constant 1 : i32
    %while3A_389 = scf.for %while3A_635 = %while3A to %while3A_387 step %while3A_388 iter_args(%while3A_636 = %multiple_of3A) -> (i32)  : i32 {
      %mul3A_637 = arith.constant 16 : i32
      %mul3A_638 = arith.muli %while3A_635, %mul3A_637 : i32
      %get3A_639 = arith.index_cast %mul3A_638 : i32 to index
      %get3A_640 = tpu.vector_load %arg12[%get3A_639] {strides = array<i32>} : memref<1280xf32, #tpu.memory_space<vmem>>, vector<16xf32>,
      %gt3A_641 = vector.broadcast %reduce_sum3A_337 : f32 to vector<16xf32>
      %gt3A_642 = arith.cmpf ogt, %get3A_640, %gt3A_641 : vector<16xf32>
      %jit3A_643 = arith.constant 1 : i32
      %jit3A_644 = arith.constant 0 : i32
      %broadcast_in_dim3A_645 = vector.broadcast %jit3A_643 : i32 to vector<16xi32>
      %broadcast_in_dim3A_646 = vector.broadcast %jit3A_644 : i32 to vector<16xi32>
      %select_n3A_647 = arith.select %gt3A_642, %broadcast_in_dim3A_645, %broadcast_in_dim3A_646 : vector<16xi1>, vector<16xi32>
      %broadcast_in_dim3A_648 = arith.constant true
      %broadcast_in_dim3A_649 = vector.broadcast %broadcast_in_dim3A_648 : i1 to vector<16xi1>
      %masked_cumsum3A = tpu.scan <sum>, %select_n3A_647 masked %broadcast_in_dim3A_649 : vector<16xi32>, vector<16xi1> -> vector<16xi32>
      %add3A_650 = vector.broadcast %while3A_636 : i32 to vector<16xi32>
      %add3A_651 = arith.addi %add3A_650, %masked_cumsum3A : vector<16xi32>
      %sub3A_652 = arith.constant 1 : i32
      %sub3A_653 = vector.broadcast %sub3A_652 : i32 to vector<16xi32>
      %sub3A_654 = arith.subi %add3A_651, %sub3A_653 : vector<16xi32>
      tpu.vector_store_idx %arg23[%sub3A_654], %get3A_640 masked %gt3A_642 : memref<2048xf32, #tpu.memory_space<vmem>>[vector<16xi32>], vector<16xf32>, vector<16xi1>
      %get3A_655 = arith.index_cast %mul3A_638 : i32 to index
      %get3A_656 = tpu.vector_load %arg8[%get3A_655] {strides = array<i32>} : memref<1280xf32, #tpu.memory_space<vmem>>, vector<16xf32>,
      tpu.vector_store_idx %arg19[%sub3A_654], %get3A_656 masked %gt3A_642 : memref<2048xf32, #tpu.memory_space<vmem>>[vector<16xi32>], vector<16xf32>, vector<16xi1>
      %get3A_657 = arith.index_cast %mul3A_638 : i32 to index
      %get3A_658 = tpu.vector_load %arg9[%get3A_657] {strides = array<i32>} : memref<1280xf32, #tpu.memory_space<vmem>>, vector<16xf32>,
      tpu.vector_store_idx %arg20[%sub3A_654], %get3A_658 masked %gt3A_642 : memref<2048xf32, #tpu.memory_space<vmem>>[vector<16xi32>], vector<16xf32>, vector<16xi1>
      %get3A_659 = arith.index_cast %mul3A_638 : i32 to index
      %get3A_660 = tpu.vector_load %arg10[%get3A_659] {strides = array<i32>} : memref<1280xf32, #tpu.memory_space<vmem>>, vector<16xf32>,
      tpu.vector_store_idx %arg21[%sub3A_654], %get3A_660 masked %gt3A_642 : memref<2048xf32, #tpu.memory_space<vmem>>[vector<16xi32>], vector<16xf32>, vector<16xi1>
      %get3A_661 = arith.index_cast %mul3A_638 : i32 to index
      %get3A_662 = tpu.vector_load %arg11[%get3A_661] {strides = array<i32>} : memref<1280xf32, #tpu.memory_space<vmem>>, vector<16xf32>,
      tpu.vector_store_idx %arg22[%sub3A_654], %get3A_662 masked %gt3A_642 : memref<2048xf32, #tpu.memory_space<vmem>>[vector<16xi32>], vector<16xf32>, vector<16xi1>
      %reduce_sum3A_663 = arith.constant true
      %reduce_sum3A_664 = vector.broadcast %reduce_sum3A_663 : i1 to vector<16xi1>
      %reduce_sum3A_665 = tpu.scan <sum>, %select_n3A_647 masked %reduce_sum3A_664 : vector<16xi32>, vector<16xi1> -> vector<16xi32>
      %reduce_sum3A_666 = vector.extract %reduce_sum3A_665[15] : i32 from vector<16xi32>
      %add3A_667 = arith.addi %while3A_636, %reduce_sum3A_666 : i32
      scf.yield %add3A_667 : i32
    }
    %while3A_390 = arith.constant 1 : i32
    %while3A_391 = scf.for %while3A_635 = %while3A_387 to %while3A_383 step %while3A_390 iter_args(%while3A_636 = %while3A_389) -> (i32)  : i32 {
      %mul3A_637 = arith.constant 16 : i32
      %mul3A_638 = arith.muli %while3A_635, %mul3A_637 : i32
      %get3A_639 = arith.index_cast %mul3A_638 : i32 to index
      %get3A_640 = tpu.vector_load %arg12[%get3A_639] {strides = array<i32>} : memref<1280xf32, #tpu.memory_space<vmem>>, vector<16xf32>,
      %gt3A_641 = vector.broadcast %reduce_sum3A_337 : f32 to vector<16xf32>
      %gt3A_642 = arith.cmpf ogt, %get3A_640, %gt3A_641 : vector<16xf32>
      %jit3A_643 = arith.constant 1 : i32
      %jit3A_644 = arith.constant 0 : i32
      %broadcast_in_dim3A_645 = vector.broadcast %jit3A_643 : i32 to vector<16xi32>
      %broadcast_in_dim3A_646 = vector.broadcast %jit3A_644 : i32 to vector<16xi32>
      %select_n3A_647 = arith.select %gt3A_642, %broadcast_in_dim3A_645, %broadcast_in_dim3A_646 : vector<16xi1>, vector<16xi32>
      %broadcast_in_dim3A_648 = arith.constant true
      %broadcast_in_dim3A_649 = vector.broadcast %broadcast_in_dim3A_648 : i1 to vector<16xi1>
      %masked_cumsum3A = tpu.scan <sum>, %select_n3A_647 masked %broadcast_in_dim3A_649 : vector<16xi32>, vector<16xi1> -> vector<16xi32>
      %add3A_650 = vector.broadcast %while3A_636 : i32 to vector<16xi32>
      %add3A_651 = arith.addi %add3A_650, %masked_cumsum3A : vector<16xi32>
      %sub3A_652 = arith.constant 1 : i32
      %sub3A_653 = vector.broadcast %sub3A_652 : i32 to vector<16xi32>
      %sub3A_654 = arith.subi %add3A_651, %sub3A_653 : vector<16xi32>
      tpu.vector_store_idx %arg23[%sub3A_654], %get3A_640 masked %gt3A_642 : memref<2048xf32, #tpu.memory_space<vmem>>[vector<16xi32>], vector<16xf32>, vector<16xi1>
      %get3A_655 = arith.index_cast %mul3A_638 : i32 to index
      %get3A_656 = tpu.vector_load %arg8[%get3A_655] {strides = array<i32>} : memref<1280xf32, #tpu.memory_space<vmem>>, vector<16xf32>,
      tpu.vector_store_idx %arg19[%sub3A_654], %get3A_656 masked %gt3A_642 : memref<2048xf32, #tpu.memory_space<vmem>>[vector<16xi32>], vector<16xf32>, vector<16xi1>
      %get3A_657 = arith.index_cast %mul3A_638 : i32 to index
      %get3A_658 = tpu.vector_load %arg9[%get3A_657] {strides = array<i32>} : memref<1280xf32, #tpu.memory_space<vmem>>, vector<16xf32>,
      tpu.vector_store_idx %arg20[%sub3A_654], %get3A_658 masked %gt3A_642 : memref<2048xf32, #tpu.memory_space<vmem>>[vector<16xi32>], vector<16xf32>, vector<16xi1>
      %get3A_659 = arith.index_cast %mul3A_638 : i32 to index
      %get3A_660 = tpu.vector_load %arg10[%get3A_659] {strides = array<i32>} : memref<1280xf32, #tpu.memory_space<vmem>>, vector<16xf32>,
      tpu.vector_store_idx %arg21[%sub3A_654], %get3A_660 masked %gt3A_642 : memref<2048xf32, #tpu.memory_space<vmem>>[vector<16xi32>], vector<16xf32>, vector<16xi1>
      %get3A_661 = arith.index_cast %mul3A_638 : i32 to index
      %get3A_662 = tpu.vector_load %arg11[%get3A_661] {strides = array<i32>} : memref<1280xf32, #tpu.memory_space<vmem>>, vector<16xf32>,
      tpu.vector_store_idx %arg22[%sub3A_654], %get3A_662 masked %gt3A_642 : memref<2048xf32, #tpu.memory_space<vmem>>[vector<16xi32>], vector<16xf32>, vector<16xi1>
      %reduce_sum3A_663 = arith.constant true
      %reduce_sum3A_664 = vector.broadcast %reduce_sum3A_663 : i1 to vector<16xi1>
      %reduce_sum3A_665 = tpu.scan <sum>, %select_n3A_647 masked %reduce_sum3A_664 : vector<16xi32>, vector<16xi1> -> vector<16xi32>
      %reduce_sum3A_666 = vector.extract %reduce_sum3A_665[15] : i32 from vector<16xi32>
      %add3A_667 = arith.addi %while3A_636, %reduce_sum3A_666 : i32
      scf.yield %add3A_667 : i32
    }
    %add3A_392 = arith.addi %multiple_of3A, %reduce_sum3A_356 : i32
    %add3A_393 = vector.broadcast %add3A_392 : i32 to vector<16xi32>
    %add3A_394 = arith.addi %add3A_393, %iota3A : vector<16xi32>
    %broadcast_in_dim3A_395 = arith.constant 0xFF800000 : f32
    %broadcast_in_dim3A_396 = vector.broadcast %broadcast_in_dim3A_395 : f32 to vector<16xf32>
    %sub3A_397 = arith.subi %reduce_sum3A_365, %reduce_sum3A_356 : i32
    %lt3A_398 = vector.broadcast %sub3A_397 : i32 to vector<16xi32>
    %lt3A_399 = arith.cmpi slt, %iota3A, %lt3A_398 : vector<16xi32>
    %and3A_400 = vector.broadcast %le3A_283 : i1 to vector<16xi1>
    %and3A_401 = arith.andi %lt3A_399, %and3A_400 : vector<16xi1>
    tpu.vector_store_idx %arg23[%add3A_394], %broadcast_in_dim3A_396 masked %and3A_401 : memref<2048xf32, #tpu.memory_space<vmem>>[vector<16xi32>], vector<16xf32>, vector<16xi1>
    %jit3A_402 = arith.constant 16 : i32
    %div3A = arith.divsi %reduce_sum3A_365, %jit3A_402 : i32
    %sign3A = arith.constant 0 : i32
    %sign3A_403 = arith.cmpi sgt, %reduce_sum3A_365, %sign3A : i32
    %sign3A_404 = arith.extui %sign3A_403 : i1 to i32
    %sign3A_405 = arith.constant 0 : i32
    %sign3A_406 = arith.cmpi slt, %reduce_sum3A_365, %sign3A_405 : i32
    %sign3A_407 = arith.extui %sign3A_406 : i1 to i32
    %sign3A_408 = arith.subi %sign3A_404, %sign3A_407 : i32
    %sign3A_409 = arith.constant 0 : i32
    %sign3A_410 = arith.cmpi sgt, %jit3A_402, %sign3A_409 : i32
    %sign3A_411 = arith.extui %sign3A_410 : i1 to i32
    %sign3A_412 = arith.constant 0 : i32
    %sign3A_413 = arith.cmpi slt, %jit3A_402, %sign3A_412 : i32
    %sign3A_414 = arith.extui %sign3A_413 : i1 to i32
    %sign3A_415 = arith.subi %sign3A_411, %sign3A_414 : i32
    %ne3A = arith.cmpi ne, %sign3A_408, %sign3A_415 : i32
    %rem3A = arith.remsi %reduce_sum3A_365, %jit3A_402 : i32
    %ne3A_416 = arith.constant 0 : i32
    %ne3A_417 = arith.cmpi ne, %rem3A, %ne3A_416 : i32
    %and3A_418 = arith.andi %ne3A, %ne3A_417 : i1
    %sub3A_419 = arith.constant 1 : i32
    %sub3A_420 = arith.subi %div3A, %sub3A_419 : i32
    %select_n3A_421 = arith.select %and3A_418, %sub3A_420, %div3A : i32
    %jit3A_422 = arith.constant 0 : i32
    %select_n3A_423 = arith.select %le3A_283, %select_n3A_421, %jit3A_422 : i32
    %while3A_424 = arith.constant 0 : i32
    %while3A_425 = arith.constant 0 : i32
    %while3A_426 = arith.subi %select_n3A_423, %while3A_425 : i32
    %while3A_427 = arith.addi %while3A_425, %while3A_426 : i32
    %while3A_428 = arith.constant 1 : i32
    %while3A_429 = arith.divsi %while3A_426, %while3A_428 : i32
    %while3A_430 = arith.muli %while3A_429, %while3A_428 : i32
    %while3A_431 = arith.addi %while3A_425, %while3A_430 : i32
    %while3A_432 = arith.constant 1 : i32
    scf.for %while3A_635 = %while3A_425 to %while3A_431 step %while3A_432  : i32 {
      %mul3A_636 = arith.constant 16 : i32
      %mul3A_637 = arith.muli %while3A_635, %mul3A_636 : i32
      %add3A_638 = arith.addi %multiple_of3A, %mul3A_637 : i32
      "tpu.region"() ({
        %run_scoped3A = tpu.sem_alloc : memref<!tpu.dma_semaphore, #tpu.memory_space<semaphore_mem>>
        %dma_start3A_639 = tpu.memref_slice %arg23[%add3A_638] : memref<2048xf32, #tpu.memory_space<vmem>> -> memref<16xf32, #tpu.memory_space<vmem>>
        %dma_start3A_640 = tpu.memref_slice %arg34[%add3A_638] : memref<2048xf32, #tpu.memory_space<vmem_shared>> -> memref<16xf32, #tpu.memory_space<vmem_shared>>
        %dma_start3A_641 = tpu.memref_slice %arg34[%add3A_638] : memref<2048xf32, #tpu.memory_space<vmem_shared>> -> memref<16xf32, #tpu.memory_space<vmem_shared>>
        %dma_start3A_642 = tpu.memref_slice %arg23[%add3A_638] : memref<2048xf32, #tpu.memory_space<vmem>> -> memref<16xf32, #tpu.memory_space<vmem>>
        tpu.enqueue_dma source(%dma_start3A_642 : memref<16xf32, #tpu.memory_space<vmem>>) target(%dma_start3A_641 : memref<16xf32, #tpu.memory_space<vmem_shared>>) target_semaphore(%run_scoped3A : memref<!tpu.dma_semaphore, #tpu.memory_space<semaphore_mem>>)
        %dma_wait3A_643 = tpu.memref_slice %arg23[%add3A_638] : memref<2048xf32, #tpu.memory_space<vmem>> -> memref<16xf32, #tpu.memory_space<vmem>>
        %dma_wait3A_644 = tpu.memref_slice %arg34[%add3A_638] : memref<2048xf32, #tpu.memory_space<vmem_shared>> -> memref<16xf32, #tpu.memory_space<vmem_shared>>
        %dma_wait3A_645 = tpu.memref_slice %arg34[%add3A_638] : memref<2048xf32, #tpu.memory_space<vmem_shared>> -> memref<16xf32, #tpu.memory_space<vmem_shared>>
        %dma_wait3A_646 = tpu.memref_slice %arg23[%add3A_638] : memref<2048xf32, #tpu.memory_space<vmem>> -> memref<16xf32, #tpu.memory_space<vmem>>
        tpu.wait_dma2 semaphore(%run_scoped3A : memref<!tpu.dma_semaphore, #tpu.memory_space<semaphore_mem>>) src(%dma_wait3A_646 : memref<16xf32, #tpu.memory_space<vmem>>) dst(%dma_wait3A_645 : memref<16xf32, #tpu.memory_space<vmem_shared>>)
        tpu.yield
      }) : () -> ()
      "tpu.region"() ({
        %run_scoped3A = tpu.sem_alloc : memref<!tpu.dma_semaphore, #tpu.memory_space<semaphore_mem>>
        %dma_start3A_639 = tpu.memref_slice %arg19[%add3A_638] : memref<2048xf32, #tpu.memory_space<vmem>> -> memref<16xf32, #tpu.memory_space<vmem>>
        %dma_start3A_640 = tpu.memref_slice %arg30[%add3A_638] : memref<2048xf32, #tpu.memory_space<vmem_shared>> -> memref<16xf32, #tpu.memory_space<vmem_shared>>
        %dma_start3A_641 = tpu.memref_slice %arg30[%add3A_638] : memref<2048xf32, #tpu.memory_space<vmem_shared>> -> memref<16xf32, #tpu.memory_space<vmem_shared>>
        %dma_start3A_642 = tpu.memref_slice %arg19[%add3A_638] : memref<2048xf32, #tpu.memory_space<vmem>> -> memref<16xf32, #tpu.memory_space<vmem>>
        tpu.enqueue_dma source(%dma_start3A_642 : memref<16xf32, #tpu.memory_space<vmem>>) target(%dma_start3A_641 : memref<16xf32, #tpu.memory_space<vmem_shared>>) target_semaphore(%run_scoped3A : memref<!tpu.dma_semaphore, #tpu.memory_space<semaphore_mem>>)
        %dma_wait3A_643 = tpu.memref_slice %arg19[%add3A_638] : memref<2048xf32, #tpu.memory_space<vmem>> -> memref<16xf32, #tpu.memory_space<vmem>>
        %dma_wait3A_644 = tpu.memref_slice %arg30[%add3A_638] : memref<2048xf32, #tpu.memory_space<vmem_shared>> -> memref<16xf32, #tpu.memory_space<vmem_shared>>
        %dma_wait3A_645 = tpu.memref_slice %arg30[%add3A_638] : memref<2048xf32, #tpu.memory_space<vmem_shared>> -> memref<16xf32, #tpu.memory_space<vmem_shared>>
        %dma_wait3A_646 = tpu.memref_slice %arg19[%add3A_638] : memref<2048xf32, #tpu.memory_space<vmem>> -> memref<16xf32, #tpu.memory_space<vmem>>
        tpu.wait_dma2 semaphore(%run_scoped3A : memref<!tpu.dma_semaphore, #tpu.memory_space<semaphore_mem>>) src(%dma_wait3A_646 : memref<16xf32, #tpu.memory_space<vmem>>) dst(%dma_wait3A_645 : memref<16xf32, #tpu.memory_space<vmem_shared>>)
        tpu.yield
      }) : () -> ()
      "tpu.region"() ({
        %run_scoped3A = tpu.sem_alloc : memref<!tpu.dma_semaphore, #tpu.memory_space<semaphore_mem>>
        %dma_start3A_639 = tpu.memref_slice %arg20[%add3A_638] : memref<2048xf32, #tpu.memory_space<vmem>> -> memref<16xf32, #tpu.memory_space<vmem>>
        %dma_start3A_640 = tpu.memref_slice %arg31[%add3A_638] : memref<2048xf32, #tpu.memory_space<vmem_shared>> -> memref<16xf32, #tpu.memory_space<vmem_shared>>
        %dma_start3A_641 = tpu.memref_slice %arg31[%add3A_638] : memref<2048xf32, #tpu.memory_space<vmem_shared>> -> memref<16xf32, #tpu.memory_space<vmem_shared>>
        %dma_start3A_642 = tpu.memref_slice %arg20[%add3A_638] : memref<2048xf32, #tpu.memory_space<vmem>> -> memref<16xf32, #tpu.memory_space<vmem>>
        tpu.enqueue_dma source(%dma_start3A_642 : memref<16xf32, #tpu.memory_space<vmem>>) target(%dma_start3A_641 : memref<16xf32, #tpu.memory_space<vmem_shared>>) target_semaphore(%run_scoped3A : memref<!tpu.dma_semaphore, #tpu.memory_space<semaphore_mem>>)
        %dma_wait3A_643 = tpu.memref_slice %arg20[%add3A_638] : memref<2048xf32, #tpu.memory_space<vmem>> -> memref<16xf32, #tpu.memory_space<vmem>>
        %dma_wait3A_644 = tpu.memref_slice %arg31[%add3A_638] : memref<2048xf32, #tpu.memory_space<vmem_shared>> -> memref<16xf32, #tpu.memory_space<vmem_shared>>
        %dma_wait3A_645 = tpu.memref_slice %arg31[%add3A_638] : memref<2048xf32, #tpu.memory_space<vmem_shared>> -> memref<16xf32, #tpu.memory_space<vmem_shared>>
        %dma_wait3A_646 = tpu.memref_slice %arg20[%add3A_638] : memref<2048xf32, #tpu.memory_space<vmem>> -> memref<16xf32, #tpu.memory_space<vmem>>
        tpu.wait_dma2 semaphore(%run_scoped3A : memref<!tpu.dma_semaphore, #tpu.memory_space<semaphore_mem>>) src(%dma_wait3A_646 : memref<16xf32, #tpu.memory_space<vmem>>) dst(%dma_wait3A_645 : memref<16xf32, #tpu.memory_space<vmem_shared>>)
        tpu.yield
      }) : () -> ()
      "tpu.region"() ({
        %run_scoped3A = tpu.sem_alloc : memref<!tpu.dma_semaphore, #tpu.memory_space<semaphore_mem>>
        %dma_start3A_639 = tpu.memref_slice %arg21[%add3A_638] : memref<2048xf32, #tpu.memory_space<vmem>> -> memref<16xf32, #tpu.memory_space<vmem>>
        %dma_start3A_640 = tpu.memref_slice %arg32[%add3A_638] : memref<2048xf32, #tpu.memory_space<vmem_shared>> -> memref<16xf32, #tpu.memory_space<vmem_shared>>
        %dma_start3A_641 = tpu.memref_slice %arg32[%add3A_638] : memref<2048xf32, #tpu.memory_space<vmem_shared>> -> memref<16xf32, #tpu.memory_space<vmem_shared>>
        %dma_start3A_642 = tpu.memref_slice %arg21[%add3A_638] : memref<2048xf32, #tpu.memory_space<vmem>> -> memref<16xf32, #tpu.memory_space<vmem>>
        tpu.enqueue_dma source(%dma_start3A_642 : memref<16xf32, #tpu.memory_space<vmem>>) target(%dma_start3A_641 : memref<16xf32, #tpu.memory_space<vmem_shared>>) target_semaphore(%run_scoped3A : memref<!tpu.dma_semaphore, #tpu.memory_space<semaphore_mem>>)
        %dma_wait3A_643 = tpu.memref_slice %arg21[%add3A_638] : memref<2048xf32, #tpu.memory_space<vmem>> -> memref<16xf32, #tpu.memory_space<vmem>>
        %dma_wait3A_644 = tpu.memref_slice %arg32[%add3A_638] : memref<2048xf32, #tpu.memory_space<vmem_shared>> -> memref<16xf32, #tpu.memory_space<vmem_shared>>
        %dma_wait3A_645 = tpu.memref_slice %arg32[%add3A_638] : memref<2048xf32, #tpu.memory_space<vmem_shared>> -> memref<16xf32, #tpu.memory_space<vmem_shared>>
        %dma_wait3A_646 = tpu.memref_slice %arg21[%add3A_638] : memref<2048xf32, #tpu.memory_space<vmem>> -> memref<16xf32, #tpu.memory_space<vmem>>
        tpu.wait_dma2 semaphore(%run_scoped3A : memref<!tpu.dma_semaphore, #tpu.memory_space<semaphore_mem>>) src(%dma_wait3A_646 : memref<16xf32, #tpu.memory_space<vmem>>) dst(%dma_wait3A_645 : memref<16xf32, #tpu.memory_space<vmem_shared>>)
        tpu.yield
      }) : () -> ()
      "tpu.region"() ({
        %run_scoped3A = tpu.sem_alloc : memref<!tpu.dma_semaphore, #tpu.memory_space<semaphore_mem>>
        %dma_start3A_639 = tpu.memref_slice %arg22[%add3A_638] : memref<2048xf32, #tpu.memory_space<vmem>> -> memref<16xf32, #tpu.memory_space<vmem>>
        %dma_start3A_640 = tpu.memref_slice %arg33[%add3A_638] : memref<2048xf32, #tpu.memory_space<vmem_shared>> -> memref<16xf32, #tpu.memory_space<vmem_shared>>
        %dma_start3A_641 = tpu.memref_slice %arg33[%add3A_638] : memref<2048xf32, #tpu.memory_space<vmem_shared>> -> memref<16xf32, #tpu.memory_space<vmem_shared>>
        %dma_start3A_642 = tpu.memref_slice %arg22[%add3A_638] : memref<2048xf32, #tpu.memory_space<vmem>> -> memref<16xf32, #tpu.memory_space<vmem>>
        tpu.enqueue_dma source(%dma_start3A_642 : memref<16xf32, #tpu.memory_space<vmem>>) target(%dma_start3A_641 : memref<16xf32, #tpu.memory_space<vmem_shared>>) target_semaphore(%run_scoped3A : memref<!tpu.dma_semaphore, #tpu.memory_space<semaphore_mem>>)
        %dma_wait3A_643 = tpu.memref_slice %arg22[%add3A_638] : memref<2048xf32, #tpu.memory_space<vmem>> -> memref<16xf32, #tpu.memory_space<vmem>>
        %dma_wait3A_644 = tpu.memref_slice %arg33[%add3A_638] : memref<2048xf32, #tpu.memory_space<vmem_shared>> -> memref<16xf32, #tpu.memory_space<vmem_shared>>
        %dma_wait3A_645 = tpu.memref_slice %arg33[%add3A_638] : memref<2048xf32, #tpu.memory_space<vmem_shared>> -> memref<16xf32, #tpu.memory_space<vmem_shared>>
        %dma_wait3A_646 = tpu.memref_slice %arg22[%add3A_638] : memref<2048xf32, #tpu.memory_space<vmem>> -> memref<16xf32, #tpu.memory_space<vmem>>
        tpu.wait_dma2 semaphore(%run_scoped3A : memref<!tpu.dma_semaphore, #tpu.memory_space<semaphore_mem>>) src(%dma_wait3A_646 : memref<16xf32, #tpu.memory_space<vmem>>) dst(%dma_wait3A_645 : memref<16xf32, #tpu.memory_space<vmem_shared>>)
        tpu.yield
      }) : () -> ()
    }
    %while3A_433 = arith.constant 1 : i32
    scf.for %while3A_635 = %while3A_431 to %while3A_427 step %while3A_433  : i32 {
      %mul3A_636 = arith.constant 16 : i32
      %mul3A_637 = arith.muli %while3A_635, %mul3A_636 : i32
      %add3A_638 = arith.addi %multiple_of3A, %mul3A_637 : i32
      "tpu.region"() ({
        %run_scoped3A = tpu.sem_alloc : memref<!tpu.dma_semaphore, #tpu.memory_space<semaphore_mem>>
        %dma_start3A_639 = tpu.memref_slice %arg23[%add3A_638] : memref<2048xf32, #tpu.memory_space<vmem>> -> memref<16xf32, #tpu.memory_space<vmem>>
        %dma_start3A_640 = tpu.memref_slice %arg34[%add3A_638] : memref<2048xf32, #tpu.memory_space<vmem_shared>> -> memref<16xf32, #tpu.memory_space<vmem_shared>>
        %dma_start3A_641 = tpu.memref_slice %arg34[%add3A_638] : memref<2048xf32, #tpu.memory_space<vmem_shared>> -> memref<16xf32, #tpu.memory_space<vmem_shared>>
        %dma_start3A_642 = tpu.memref_slice %arg23[%add3A_638] : memref<2048xf32, #tpu.memory_space<vmem>> -> memref<16xf32, #tpu.memory_space<vmem>>
        tpu.enqueue_dma source(%dma_start3A_642 : memref<16xf32, #tpu.memory_space<vmem>>) target(%dma_start3A_641 : memref<16xf32, #tpu.memory_space<vmem_shared>>) target_semaphore(%run_scoped3A : memref<!tpu.dma_semaphore, #tpu.memory_space<semaphore_mem>>)
        %dma_wait3A_643 = tpu.memref_slice %arg23[%add3A_638] : memref<2048xf32, #tpu.memory_space<vmem>> -> memref<16xf32, #tpu.memory_space<vmem>>
        %dma_wait3A_644 = tpu.memref_slice %arg34[%add3A_638] : memref<2048xf32, #tpu.memory_space<vmem_shared>> -> memref<16xf32, #tpu.memory_space<vmem_shared>>
        %dma_wait3A_645 = tpu.memref_slice %arg34[%add3A_638] : memref<2048xf32, #tpu.memory_space<vmem_shared>> -> memref<16xf32, #tpu.memory_space<vmem_shared>>
        %dma_wait3A_646 = tpu.memref_slice %arg23[%add3A_638] : memref<2048xf32, #tpu.memory_space<vmem>> -> memref<16xf32, #tpu.memory_space<vmem>>
        tpu.wait_dma2 semaphore(%run_scoped3A : memref<!tpu.dma_semaphore, #tpu.memory_space<semaphore_mem>>) src(%dma_wait3A_646 : memref<16xf32, #tpu.memory_space<vmem>>) dst(%dma_wait3A_645 : memref<16xf32, #tpu.memory_space<vmem_shared>>)
        tpu.yield
      }) : () -> ()
      "tpu.region"() ({
        %run_scoped3A = tpu.sem_alloc : memref<!tpu.dma_semaphore, #tpu.memory_space<semaphore_mem>>
        %dma_start3A_639 = tpu.memref_slice %arg19[%add3A_638] : memref<2048xf32, #tpu.memory_space<vmem>> -> memref<16xf32, #tpu.memory_space<vmem>>
        %dma_start3A_640 = tpu.memref_slice %arg30[%add3A_638] : memref<2048xf32, #tpu.memory_space<vmem_shared>> -> memref<16xf32, #tpu.memory_space<vmem_shared>>
        %dma_start3A_641 = tpu.memref_slice %arg30[%add3A_638] : memref<2048xf32, #tpu.memory_space<vmem_shared>> -> memref<16xf32, #tpu.memory_space<vmem_shared>>
        %dma_start3A_642 = tpu.memref_slice %arg19[%add3A_638] : memref<2048xf32, #tpu.memory_space<vmem>> -> memref<16xf32, #tpu.memory_space<vmem>>
        tpu.enqueue_dma source(%dma_start3A_642 : memref<16xf32, #tpu.memory_space<vmem>>) target(%dma_start3A_641 : memref<16xf32, #tpu.memory_space<vmem_shared>>) target_semaphore(%run_scoped3A : memref<!tpu.dma_semaphore, #tpu.memory_space<semaphore_mem>>)
        %dma_wait3A_643 = tpu.memref_slice %arg19[%add3A_638] : memref<2048xf32, #tpu.memory_space<vmem>> -> memref<16xf32, #tpu.memory_space<vmem>>
        %dma_wait3A_644 = tpu.memref_slice %arg30[%add3A_638] : memref<2048xf32, #tpu.memory_space<vmem_shared>> -> memref<16xf32, #tpu.memory_space<vmem_shared>>
        %dma_wait3A_645 = tpu.memref_slice %arg30[%add3A_638] : memref<2048xf32, #tpu.memory_space<vmem_shared>> -> memref<16xf32, #tpu.memory_space<vmem_shared>>
        %dma_wait3A_646 = tpu.memref_slice %arg19[%add3A_638] : memref<2048xf32, #tpu.memory_space<vmem>> -> memref<16xf32, #tpu.memory_space<vmem>>
        tpu.wait_dma2 semaphore(%run_scoped3A : memref<!tpu.dma_semaphore, #tpu.memory_space<semaphore_mem>>) src(%dma_wait3A_646 : memref<16xf32, #tpu.memory_space<vmem>>) dst(%dma_wait3A_645 : memref<16xf32, #tpu.memory_space<vmem_shared>>)
        tpu.yield
      }) : () -> ()
      "tpu.region"() ({
        %run_scoped3A = tpu.sem_alloc : memref<!tpu.dma_semaphore, #tpu.memory_space<semaphore_mem>>
        %dma_start3A_639 = tpu.memref_slice %arg20[%add3A_638] : memref<2048xf32, #tpu.memory_space<vmem>> -> memref<16xf32, #tpu.memory_space<vmem>>
        %dma_start3A_640 = tpu.memref_slice %arg31[%add3A_638] : memref<2048xf32, #tpu.memory_space<vmem_shared>> -> memref<16xf32, #tpu.memory_space<vmem_shared>>
        %dma_start3A_641 = tpu.memref_slice %arg31[%add3A_638] : memref<2048xf32, #tpu.memory_space<vmem_shared>> -> memref<16xf32, #tpu.memory_space<vmem_shared>>
        %dma_start3A_642 = tpu.memref_slice %arg20[%add3A_638] : memref<2048xf32, #tpu.memory_space<vmem>> -> memref<16xf32, #tpu.memory_space<vmem>>
        tpu.enqueue_dma source(%dma_start3A_642 : memref<16xf32, #tpu.memory_space<vmem>>) target(%dma_start3A_641 : memref<16xf32, #tpu.memory_space<vmem_shared>>) target_semaphore(%run_scoped3A : memref<!tpu.dma_semaphore, #tpu.memory_space<semaphore_mem>>)
        %dma_wait3A_643 = tpu.memref_slice %arg20[%add3A_638] : memref<2048xf32, #tpu.memory_space<vmem>> -> memref<16xf32, #tpu.memory_space<vmem>>
        %dma_wait3A_644 = tpu.memref_slice %arg31[%add3A_638] : memref<2048xf32, #tpu.memory_space<vmem_shared>> -> memref<16xf32, #tpu.memory_space<vmem_shared>>
        %dma_wait3A_645 = tpu.memref_slice %arg31[%add3A_638] : memref<2048xf32, #tpu.memory_space<vmem_shared>> -> memref<16xf32, #tpu.memory_space<vmem_shared>>
        %dma_wait3A_646 = tpu.memref_slice %arg20[%add3A_638] : memref<2048xf32, #tpu.memory_space<vmem>> -> memref<16xf32, #tpu.memory_space<vmem>>
        tpu.wait_dma2 semaphore(%run_scoped3A : memref<!tpu.dma_semaphore, #tpu.memory_space<semaphore_mem>>) src(%dma_wait3A_646 : memref<16xf32, #tpu.memory_space<vmem>>) dst(%dma_wait3A_645 : memref<16xf32, #tpu.memory_space<vmem_shared>>)
        tpu.yield
      }) : () -> ()
      "tpu.region"() ({
        %run_scoped3A = tpu.sem_alloc : memref<!tpu.dma_semaphore, #tpu.memory_space<semaphore_mem>>
        %dma_start3A_639 = tpu.memref_slice %arg21[%add3A_638] : memref<2048xf32, #tpu.memory_space<vmem>> -> memref<16xf32, #tpu.memory_space<vmem>>
        %dma_start3A_640 = tpu.memref_slice %arg32[%add3A_638] : memref<2048xf32, #tpu.memory_space<vmem_shared>> -> memref<16xf32, #tpu.memory_space<vmem_shared>>
        %dma_start3A_641 = tpu.memref_slice %arg32[%add3A_638] : memref<2048xf32, #tpu.memory_space<vmem_shared>> -> memref<16xf32, #tpu.memory_space<vmem_shared>>
        %dma_start3A_642 = tpu.memref_slice %arg21[%add3A_638] : memref<2048xf32, #tpu.memory_space<vmem>> -> memref<16xf32, #tpu.memory_space<vmem>>
        tpu.enqueue_dma source(%dma_start3A_642 : memref<16xf32, #tpu.memory_space<vmem>>) target(%dma_start3A_641 : memref<16xf32, #tpu.memory_space<vmem_shared>>) target_semaphore(%run_scoped3A : memref<!tpu.dma_semaphore, #tpu.memory_space<semaphore_mem>>)
        %dma_wait3A_643 = tpu.memref_slice %arg21[%add3A_638] : memref<2048xf32, #tpu.memory_space<vmem>> -> memref<16xf32, #tpu.memory_space<vmem>>
        %dma_wait3A_644 = tpu.memref_slice %arg32[%add3A_638] : memref<2048xf32, #tpu.memory_space<vmem_shared>> -> memref<16xf32, #tpu.memory_space<vmem_shared>>
        %dma_wait3A_645 = tpu.memref_slice %arg32[%add3A_638] : memref<2048xf32, #tpu.memory_space<vmem_shared>> -> memref<16xf32, #tpu.memory_space<vmem_shared>>
        %dma_wait3A_646 = tpu.memref_slice %arg21[%add3A_638] : memref<2048xf32, #tpu.memory_space<vmem>> -> memref<16xf32, #tpu.memory_space<vmem>>
        tpu.wait_dma2 semaphore(%run_scoped3A : memref<!tpu.dma_semaphore, #tpu.memory_space<semaphore_mem>>) src(%dma_wait3A_646 : memref<16xf32, #tpu.memory_space<vmem>>) dst(%dma_wait3A_645 : memref<16xf32, #tpu.memory_space<vmem_shared>>)
        tpu.yield
      }) : () -> ()
      "tpu.region"() ({
        %run_scoped3A = tpu.sem_alloc : memref<!tpu.dma_semaphore, #tpu.memory_space<semaphore_mem>>
        %dma_start3A_639 = tpu.memref_slice %arg22[%add3A_638] : memref<2048xf32, #tpu.memory_space<vmem>> -> memref<16xf32, #tpu.memory_space<vmem>>
        %dma_start3A_640 = tpu.memref_slice %arg33[%add3A_638] : memref<2048xf32, #tpu.memory_space<vmem_shared>> -> memref<16xf32, #tpu.memory_space<vmem_shared>>
        %dma_start3A_641 = tpu.memref_slice %arg33[%add3A_638] : memref<2048xf32, #tpu.memory_space<vmem_shared>> -> memref<16xf32, #tpu.memory_space<vmem_shared>>
        %dma_start3A_642 = tpu.memref_slice %arg22[%add3A_638] : memref<2048xf32, #tpu.memory_space<vmem>> -> memref<16xf32, #tpu.memory_space<vmem>>
        tpu.enqueue_dma source(%dma_start3A_642 : memref<16xf32, #tpu.memory_space<vmem>>) target(%dma_start3A_641 : memref<16xf32, #tpu.memory_space<vmem_shared>>) target_semaphore(%run_scoped3A : memref<!tpu.dma_semaphore, #tpu.memory_space<semaphore_mem>>)
        %dma_wait3A_643 = tpu.memref_slice %arg22[%add3A_638] : memref<2048xf32, #tpu.memory_space<vmem>> -> memref<16xf32, #tpu.memory_space<vmem>>
        %dma_wait3A_644 = tpu.memref_slice %arg33[%add3A_638] : memref<2048xf32, #tpu.memory_space<vmem_shared>> -> memref<16xf32, #tpu.memory_space<vmem_shared>>
        %dma_wait3A_645 = tpu.memref_slice %arg33[%add3A_638] : memref<2048xf32, #tpu.memory_space<vmem_shared>> -> memref<16xf32, #tpu.memory_space<vmem_shared>>
        %dma_wait3A_646 = tpu.memref_slice %arg22[%add3A_638] : memref<2048xf32, #tpu.memory_space<vmem>> -> memref<16xf32, #tpu.memory_space<vmem>>
        tpu.wait_dma2 semaphore(%run_scoped3A : memref<!tpu.dma_semaphore, #tpu.memory_space<semaphore_mem>>) src(%dma_wait3A_646 : memref<16xf32, #tpu.memory_space<vmem>>) dst(%dma_wait3A_645 : memref<16xf32, #tpu.memory_space<vmem_shared>>)
        tpu.yield
      }) : () -> ()
    }
    %barrier3A_434 = arith.constant 0 : index
    tpu.barrier barrier_id(%barrier3A_434)
    "tpu.region"() ({
      %run_scoped3A = tpu.sem_alloc : memref<!tpu.dma_semaphore, #tpu.memory_space<semaphore_mem>>
      %dma_start3A_635 = arith.constant 0 : i32
      %dma_start3A_636 = tpu.memref_slice %arg34[%dma_start3A_635] : memref<2048xf32, #tpu.memory_space<vmem_shared>> -> memref<2048xf32, #tpu.memory_space<vmem_shared>>
      %dma_start3A_637 = arith.constant 0 : i32
      %dma_start3A_638 = tpu.memref_slice %arg34[%dma_start3A_637] : memref<2048xf32, #tpu.memory_space<vmem_shared>> -> memref<2048xf32, #tpu.memory_space<vmem_shared>>
      tpu.enqueue_dma source(%dma_start3A_638 : memref<2048xf32, #tpu.memory_space<vmem_shared>>) target(%arg23 : memref<2048xf32, #tpu.memory_space<vmem>>) target_semaphore(%run_scoped3A : memref<!tpu.dma_semaphore, #tpu.memory_space<semaphore_mem>>)
      %dma_wait3A_639 = arith.constant 0 : i32
      %dma_wait3A_640 = tpu.memref_slice %arg34[%dma_wait3A_639] : memref<2048xf32, #tpu.memory_space<vmem_shared>> -> memref<2048xf32, #tpu.memory_space<vmem_shared>>
      %dma_wait3A_641 = arith.constant 0 : i32
      %dma_wait3A_642 = tpu.memref_slice %arg34[%dma_wait3A_641] : memref<2048xf32, #tpu.memory_space<vmem_shared>> -> memref<2048xf32, #tpu.memory_space<vmem_shared>>
      tpu.wait_dma2 semaphore(%run_scoped3A : memref<!tpu.dma_semaphore, #tpu.memory_space<semaphore_mem>>) src(%dma_wait3A_642 : memref<2048xf32, #tpu.memory_space<vmem_shared>>) dst(%arg23 : memref<2048xf32, #tpu.memory_space<vmem>>)
      tpu.yield
    }) : () -> ()
    "tpu.region"() ({
      %run_scoped3A = tpu.sem_alloc : memref<!tpu.dma_semaphore, #tpu.memory_space<semaphore_mem>>
      %dma_start3A_635 = arith.constant 0 : i32
      %dma_start3A_636 = tpu.memref_slice %arg30[%dma_start3A_635] : memref<2048xf32, #tpu.memory_space<vmem_shared>> -> memref<2048xf32, #tpu.memory_space<vmem_shared>>
      %dma_start3A_637 = arith.constant 0 : i32
      %dma_start3A_638 = tpu.memref_slice %arg30[%dma_start3A_637] : memref<2048xf32, #tpu.memory_space<vmem_shared>> -> memref<2048xf32, #tpu.memory_space<vmem_shared>>
      tpu.enqueue_dma source(%dma_start3A_638 : memref<2048xf32, #tpu.memory_space<vmem_shared>>) target(%arg19 : memref<2048xf32, #tpu.memory_space<vmem>>) target_semaphore(%run_scoped3A : memref<!tpu.dma_semaphore, #tpu.memory_space<semaphore_mem>>)
      %dma_wait3A_639 = arith.constant 0 : i32
      %dma_wait3A_640 = tpu.memref_slice %arg30[%dma_wait3A_639] : memref<2048xf32, #tpu.memory_space<vmem_shared>> -> memref<2048xf32, #tpu.memory_space<vmem_shared>>
      %dma_wait3A_641 = arith.constant 0 : i32
      %dma_wait3A_642 = tpu.memref_slice %arg30[%dma_wait3A_641] : memref<2048xf32, #tpu.memory_space<vmem_shared>> -> memref<2048xf32, #tpu.memory_space<vmem_shared>>
      tpu.wait_dma2 semaphore(%run_scoped3A : memref<!tpu.dma_semaphore, #tpu.memory_space<semaphore_mem>>) src(%dma_wait3A_642 : memref<2048xf32, #tpu.memory_space<vmem_shared>>) dst(%arg19 : memref<2048xf32, #tpu.memory_space<vmem>>)
      tpu.yield
    }) : () -> ()
    "tpu.region"() ({
      %run_scoped3A = tpu.sem_alloc : memref<!tpu.dma_semaphore, #tpu.memory_space<semaphore_mem>>
      %dma_start3A_635 = arith.constant 0 : i32
      %dma_start3A_636 = tpu.memref_slice %arg31[%dma_start3A_635] : memref<2048xf32, #tpu.memory_space<vmem_shared>> -> memref<2048xf32, #tpu.memory_space<vmem_shared>>
      %dma_start3A_637 = arith.constant 0 : i32
      %dma_start3A_638 = tpu.memref_slice %arg31[%dma_start3A_637] : memref<2048xf32, #tpu.memory_space<vmem_shared>> -> memref<2048xf32, #tpu.memory_space<vmem_shared>>
      tpu.enqueue_dma source(%dma_start3A_638 : memref<2048xf32, #tpu.memory_space<vmem_shared>>) target(%arg20 : memref<2048xf32, #tpu.memory_space<vmem>>) target_semaphore(%run_scoped3A : memref<!tpu.dma_semaphore, #tpu.memory_space<semaphore_mem>>)
      %dma_wait3A_639 = arith.constant 0 : i32
      %dma_wait3A_640 = tpu.memref_slice %arg31[%dma_wait3A_639] : memref<2048xf32, #tpu.memory_space<vmem_shared>> -> memref<2048xf32, #tpu.memory_space<vmem_shared>>
      %dma_wait3A_641 = arith.constant 0 : i32
      %dma_wait3A_642 = tpu.memref_slice %arg31[%dma_wait3A_641] : memref<2048xf32, #tpu.memory_space<vmem_shared>> -> memref<2048xf32, #tpu.memory_space<vmem_shared>>
      tpu.wait_dma2 semaphore(%run_scoped3A : memref<!tpu.dma_semaphore, #tpu.memory_space<semaphore_mem>>) src(%dma_wait3A_642 : memref<2048xf32, #tpu.memory_space<vmem_shared>>) dst(%arg20 : memref<2048xf32, #tpu.memory_space<vmem>>)
      tpu.yield
    }) : () -> ()
    "tpu.region"() ({
      %run_scoped3A = tpu.sem_alloc : memref<!tpu.dma_semaphore, #tpu.memory_space<semaphore_mem>>
      %dma_start3A_635 = arith.constant 0 : i32
      %dma_start3A_636 = tpu.memref_slice %arg32[%dma_start3A_635] : memref<2048xf32, #tpu.memory_space<vmem_shared>> -> memref<2048xf32, #tpu.memory_space<vmem_shared>>
      %dma_start3A_637 = arith.constant 0 : i32
      %dma_start3A_638 = tpu.memref_slice %arg32[%dma_start3A_637] : memref<2048xf32, #tpu.memory_space<vmem_shared>> -> memref<2048xf32, #tpu.memory_space<vmem_shared>>
      tpu.enqueue_dma source(%dma_start3A_638 : memref<2048xf32, #tpu.memory_space<vmem_shared>>) target(%arg21 : memref<2048xf32, #tpu.memory_space<vmem>>) target_semaphore(%run_scoped3A : memref<!tpu.dma_semaphore, #tpu.memory_space<semaphore_mem>>)
      %dma_wait3A_639 = arith.constant 0 : i32
      %dma_wait3A_640 = tpu.memref_slice %arg32[%dma_wait3A_639] : memref<2048xf32, #tpu.memory_space<vmem_shared>> -> memref<2048xf32, #tpu.memory_space<vmem_shared>>
      %dma_wait3A_641 = arith.constant 0 : i32
      %dma_wait3A_642 = tpu.memref_slice %arg32[%dma_wait3A_641] : memref<2048xf32, #tpu.memory_space<vmem_shared>> -> memref<2048xf32, #tpu.memory_space<vmem_shared>>
      tpu.wait_dma2 semaphore(%run_scoped3A : memref<!tpu.dma_semaphore, #tpu.memory_space<semaphore_mem>>) src(%dma_wait3A_642 : memref<2048xf32, #tpu.memory_space<vmem_shared>>) dst(%arg21 : memref<2048xf32, #tpu.memory_space<vmem>>)
      tpu.yield
    }) : () -> ()
    "tpu.region"() ({
      %run_scoped3A = tpu.sem_alloc : memref<!tpu.dma_semaphore, #tpu.memory_space<semaphore_mem>>
      %dma_start3A_635 = arith.constant 0 : i32
      %dma_start3A_636 = tpu.memref_slice %arg33[%dma_start3A_635] : memref<2048xf32, #tpu.memory_space<vmem_shared>> -> memref<2048xf32, #tpu.memory_space<vmem_shared>>
      %dma_start3A_637 = arith.constant 0 : i32
      %dma_start3A_638 = tpu.memref_slice %arg33[%dma_start3A_637] : memref<2048xf32, #tpu.memory_space<vmem_shared>> -> memref<2048xf32, #tpu.memory_space<vmem_shared>>
      tpu.enqueue_dma source(%dma_start3A_638 : memref<2048xf32, #tpu.memory_space<vmem_shared>>) target(%arg22 : memref<2048xf32, #tpu.memory_space<vmem>>) target_semaphore(%run_scoped3A : memref<!tpu.dma_semaphore, #tpu.memory_space<semaphore_mem>>)
      %dma_wait3A_639 = arith.constant 0 : i32
      %dma_wait3A_640 = tpu.memref_slice %arg33[%dma_wait3A_639] : memref<2048xf32, #tpu.memory_space<vmem_shared>> -> memref<2048xf32, #tpu.memory_space<vmem_shared>>
      %dma_wait3A_641 = arith.constant 0 : i32
      %dma_wait3A_642 = tpu.memref_slice %arg33[%dma_wait3A_641] : memref<2048xf32, #tpu.memory_space<vmem_shared>> -> memref<2048xf32, #tpu.memory_space<vmem_shared>>
      tpu.wait_dma2 semaphore(%run_scoped3A : memref<!tpu.dma_semaphore, #tpu.memory_space<semaphore_mem>>) src(%dma_wait3A_642 : memref<2048xf32, #tpu.memory_space<vmem_shared>>) dst(%arg22 : memref<2048xf32, #tpu.memory_space<vmem>>)
      tpu.yield
    }) : () -> ()
    %broadcast_in_dim3A_435 = arith.constant 0xFF800000 : f32
    %broadcast_in_dim3A_436 = vector.broadcast %broadcast_in_dim3A_435 : f32 to vector<16xf32>
    %swap3A_437 = arith.constant 0 : index
    %swap3A_438 = tpu.vector_load %arg28[%swap3A_437] {strides = array<i32>} : memref<192xf32, #tpu.memory_space<vmem>>, vector<16xf32>,
    tpu.vector_store %arg28[%swap3A_437], %broadcast_in_dim3A_436 {strides = array<i32>} : memref<192xf32, #tpu.memory_space<vmem>>, vector<16xf32>,
    %broadcast_in_dim3A_439 = arith.constant 0xFF800000 : f32
    %broadcast_in_dim3A_440 = vector.broadcast %broadcast_in_dim3A_439 : f32 to vector<16xf32>
    %swap3A_441 = arith.constant 16 : index
    %swap3A_442 = tpu.vector_load %arg28[%swap3A_441] {strides = array<i32>} : memref<192xf32, #tpu.memory_space<vmem>>, vector<16xf32>,
    tpu.vector_store %arg28[%swap3A_441], %broadcast_in_dim3A_440 {strides = array<i32>} : memref<192xf32, #tpu.memory_space<vmem>>, vector<16xf32>,
    %broadcast_in_dim3A_443 = arith.constant 0xFF800000 : f32
    %broadcast_in_dim3A_444 = vector.broadcast %broadcast_in_dim3A_443 : f32 to vector<16xf32>
    %swap3A_445 = arith.constant 32 : index
    %swap3A_446 = tpu.vector_load %arg28[%swap3A_445] {strides = array<i32>} : memref<192xf32, #tpu.memory_space<vmem>>, vector<16xf32>,
    tpu.vector_store %arg28[%swap3A_445], %broadcast_in_dim3A_444 {strides = array<i32>} : memref<192xf32, #tpu.memory_space<vmem>>, vector<16xf32>,
    %broadcast_in_dim3A_447 = arith.constant 0xFF800000 : f32
    %broadcast_in_dim3A_448 = vector.broadcast %broadcast_in_dim3A_447 : f32 to vector<16xf32>
    %swap3A_449 = arith.constant 48 : index
    %swap3A_450 = tpu.vector_load %arg28[%swap3A_449] {strides = array<i32>} : memref<192xf32, #tpu.memory_space<vmem>>, vector<16xf32>,
    tpu.vector_store %arg28[%swap3A_449], %broadcast_in_dim3A_448 {strides = array<i32>} : memref<192xf32, #tpu.memory_space<vmem>>, vector<16xf32>,
    %broadcast_in_dim3A_451 = arith.constant 0xFF800000 : f32
    %broadcast_in_dim3A_452 = vector.broadcast %broadcast_in_dim3A_451 : f32 to vector<16xf32>
    %swap3A_453 = arith.constant 64 : index
    %swap3A_454 = tpu.vector_load %arg28[%swap3A_453] {strides = array<i32>} : memref<192xf32, #tpu.memory_space<vmem>>, vector<16xf32>,
    tpu.vector_store %arg28[%swap3A_453], %broadcast_in_dim3A_452 {strides = array<i32>} : memref<192xf32, #tpu.memory_space<vmem>>, vector<16xf32>,
    %broadcast_in_dim3A_455 = arith.constant 0xFF800000 : f32
    %broadcast_in_dim3A_456 = vector.broadcast %broadcast_in_dim3A_455 : f32 to vector<16xf32>
    %swap3A_457 = arith.constant 80 : index
    %swap3A_458 = tpu.vector_load %arg28[%swap3A_457] {strides = array<i32>} : memref<192xf32, #tpu.memory_space<vmem>>, vector<16xf32>,
    tpu.vector_store %arg28[%swap3A_457], %broadcast_in_dim3A_456 {strides = array<i32>} : memref<192xf32, #tpu.memory_space<vmem>>, vector<16xf32>,
    %broadcast_in_dim3A_459 = arith.constant 0xFF800000 : f32
    %broadcast_in_dim3A_460 = vector.broadcast %broadcast_in_dim3A_459 : f32 to vector<16xf32>
    %swap3A_461 = arith.constant 96 : index
    %swap3A_462 = tpu.vector_load %arg28[%swap3A_461] {strides = array<i32>} : memref<192xf32, #tpu.memory_space<vmem>>, vector<16xf32>,
    tpu.vector_store %arg28[%swap3A_461], %broadcast_in_dim3A_460 {strides = array<i32>} : memref<192xf32, #tpu.memory_space<vmem>>, vector<16xf32>,
    %broadcast_in_dim3A_463 = arith.constant 0xFF800000 : f32
    %broadcast_in_dim3A_464 = vector.broadcast %broadcast_in_dim3A_463 : f32 to vector<16xf32>
    %swap3A_465 = arith.constant 112 : index
    %swap3A_466 = tpu.vector_load %arg28[%swap3A_465] {strides = array<i32>} : memref<192xf32, #tpu.memory_space<vmem>>, vector<16xf32>,
    tpu.vector_store %arg28[%swap3A_465], %broadcast_in_dim3A_464 {strides = array<i32>} : memref<192xf32, #tpu.memory_space<vmem>>, vector<16xf32>,
    %broadcast_in_dim3A_467 = arith.constant 0xFF800000 : f32
    %broadcast_in_dim3A_468 = vector.broadcast %broadcast_in_dim3A_467 : f32 to vector<16xf32>
    %swap3A_469 = arith.constant 128 : index
    %swap3A_470 = tpu.vector_load %arg28[%swap3A_469] {strides = array<i32>} : memref<192xf32, #tpu.memory_space<vmem>>, vector<16xf32>,
    tpu.vector_store %arg28[%swap3A_469], %broadcast_in_dim3A_468 {strides = array<i32>} : memref<192xf32, #tpu.memory_space<vmem>>, vector<16xf32>,
    %broadcast_in_dim3A_471 = arith.constant 0xFF800000 : f32
    %broadcast_in_dim3A_472 = vector.broadcast %broadcast_in_dim3A_471 : f32 to vector<16xf32>
    %swap3A_473 = arith.constant 144 : index
    %swap3A_474 = tpu.vector_load %arg28[%swap3A_473] {strides = array<i32>} : memref<192xf32, #tpu.memory_space<vmem>>, vector<16xf32>,
    tpu.vector_store %arg28[%swap3A_473], %broadcast_in_dim3A_472 {strides = array<i32>} : memref<192xf32, #tpu.memory_space<vmem>>, vector<16xf32>,
    %broadcast_in_dim3A_475 = arith.constant 0xFF800000 : f32
    %broadcast_in_dim3A_476 = vector.broadcast %broadcast_in_dim3A_475 : f32 to vector<16xf32>
    %swap3A_477 = arith.constant 160 : index
    %swap3A_478 = tpu.vector_load %arg28[%swap3A_477] {strides = array<i32>} : memref<192xf32, #tpu.memory_space<vmem>>, vector<16xf32>,
    tpu.vector_store %arg28[%swap3A_477], %broadcast_in_dim3A_476 {strides = array<i32>} : memref<192xf32, #tpu.memory_space<vmem>>, vector<16xf32>,
    %broadcast_in_dim3A_479 = arith.constant 0xFF800000 : f32
    %broadcast_in_dim3A_480 = vector.broadcast %broadcast_in_dim3A_479 : f32 to vector<16xf32>
    %swap3A_481 = arith.constant 176 : index
    %swap3A_482 = tpu.vector_load %arg28[%swap3A_481] {strides = array<i32>} : memref<192xf32, #tpu.memory_space<vmem>>, vector<16xf32>,
    tpu.vector_store %arg28[%swap3A_481], %broadcast_in_dim3A_480 {strides = array<i32>} : memref<192xf32, #tpu.memory_space<vmem>>, vector<16xf32>,
    %jit3A_483 = arith.constant 16 : i32
    %div3A_484 = arith.divsi %reduce_sum3A_378, %jit3A_483 : i32
    %sign3A_485 = arith.constant 0 : i32
    %sign3A_486 = arith.cmpi sgt, %reduce_sum3A_378, %sign3A_485 : i32
    %sign3A_487 = arith.extui %sign3A_486 : i1 to i32
    %sign3A_488 = arith.constant 0 : i32
    %sign3A_489 = arith.cmpi slt, %reduce_sum3A_378, %sign3A_488 : i32
    %sign3A_490 = arith.extui %sign3A_489 : i1 to i32
    %sign3A_491 = arith.subi %sign3A_487, %sign3A_490 : i32
    %sign3A_492 = arith.constant 0 : i32
    %sign3A_493 = arith.cmpi sgt, %jit3A_483, %sign3A_492 : i32
    %sign3A_494 = arith.extui %sign3A_493 : i1 to i32
    %sign3A_495 = arith.constant 0 : i32
    %sign3A_496 = arith.cmpi slt, %jit3A_483, %sign3A_495 : i32
    %sign3A_497 = arith.extui %sign3A_496 : i1 to i32
    %sign3A_498 = arith.subi %sign3A_494, %sign3A_497 : i32
    %ne3A_499 = arith.cmpi ne, %sign3A_491, %sign3A_498 : i32
    %rem3A_500 = arith.remsi %reduce_sum3A_378, %jit3A_483 : i32
    %ne3A_501 = arith.constant 0 : i32
    %ne3A_502 = arith.cmpi ne, %rem3A_500, %ne3A_501 : i32
    %and3A_503 = arith.andi %ne3A_499, %ne3A_502 : i1
    %sub3A_504 = arith.constant 1 : i32
    %sub3A_505 = arith.subi %div3A_484, %sub3A_504 : i32
    %select_n3A_506 = arith.select %and3A_503, %sub3A_505, %div3A_484 : i32
    %jit3A_507 = arith.constant 0 : i32
    %select_n3A_508 = arith.select %le3A_283, %select_n3A_506, %jit3A_507 : i32
    %while3A_509 = arith.constant 0 : i32
    %while3A_510 = arith.constant 0 : i32
    %while3A_511 = arith.subi %select_n3A_508, %while3A_509 : i32
    %while3A_512 = arith.addi %while3A_509, %while3A_511 : i32
    %while3A_513 = arith.constant 1 : i32
    %while3A_514 = arith.divsi %while3A_511, %while3A_513 : i32
    %while3A_515 = arith.muli %while3A_514, %while3A_513 : i32
    %while3A_516 = arith.addi %while3A_509, %while3A_515 : i32
    %while3A_517 = arith.constant 1 : i32
    %while3A_518 = scf.for %while3A_635 = %while3A_509 to %while3A_516 step %while3A_517 iter_args(%while3A_636 = %while3A_510) -> (i32)  : i32 {
      %mul3A_637 = arith.constant 16 : i32
      %mul3A_638 = arith.muli %while3A_635, %mul3A_637 : i32
      %get3A_639 = arith.index_cast %mul3A_638 : i32 to index
      %get3A_640 = tpu.vector_load %arg23[%get3A_639] {strides = array<i32>} : memref<2048xf32, #tpu.memory_space<vmem>>, vector<16xf32>,
      %gt3A_641 = arith.constant 0xFF800000 : f32
      %gt3A_642 = vector.broadcast %gt3A_641 : f32 to vector<16xf32>
      %gt3A_643 = arith.cmpf ogt, %get3A_640, %gt3A_642 : vector<16xf32>
      %jit3A_644 = arith.constant 1 : i32
      %jit3A_645 = arith.constant 0 : i32
      %broadcast_in_dim3A_646 = vector.broadcast %jit3A_644 : i32 to vector<16xi32>
      %broadcast_in_dim3A_647 = vector.broadcast %jit3A_645 : i32 to vector<16xi32>
      %select_n3A_648 = arith.select %gt3A_643, %broadcast_in_dim3A_646, %broadcast_in_dim3A_647 : vector<16xi1>, vector<16xi32>
      %broadcast_in_dim3A_649 = arith.constant true
      %broadcast_in_dim3A_650 = vector.broadcast %broadcast_in_dim3A_649 : i1 to vector<16xi1>
      %masked_cumsum3A = tpu.scan <sum>, %select_n3A_648 masked %broadcast_in_dim3A_650 : vector<16xi32>, vector<16xi1> -> vector<16xi32>
      %add3A_651 = vector.broadcast %while3A_636 : i32 to vector<16xi32>
      %add3A_652 = arith.addi %add3A_651, %masked_cumsum3A : vector<16xi32>
      %sub3A_653 = arith.constant 1 : i32
      %sub3A_654 = vector.broadcast %sub3A_653 : i32 to vector<16xi32>
      %sub3A_655 = arith.subi %add3A_652, %sub3A_654 : vector<16xi32>
      tpu.vector_store_idx %arg28[%sub3A_655], %get3A_640 masked %gt3A_643 : memref<192xf32, #tpu.memory_space<vmem>>[vector<16xi32>], vector<16xf32>, vector<16xi1>
      %get3A_656 = arith.index_cast %mul3A_638 : i32 to index
      %get3A_657 = tpu.vector_load %arg19[%get3A_656] {strides = array<i32>} : memref<2048xf32, #tpu.memory_space<vmem>>, vector<16xf32>,
      tpu.vector_store_idx %arg24[%sub3A_655], %get3A_657 masked %gt3A_643 : memref<192xf32, #tpu.memory_space<vmem>>[vector<16xi32>], vector<16xf32>, vector<16xi1>
      %get3A_658 = arith.index_cast %mul3A_638 : i32 to index
      %get3A_659 = tpu.vector_load %arg20[%get3A_658] {strides = array<i32>} : memref<2048xf32, #tpu.memory_space<vmem>>, vector<16xf32>,
      tpu.vector_store_idx %arg25[%sub3A_655], %get3A_659 masked %gt3A_643 : memref<192xf32, #tpu.memory_space<vmem>>[vector<16xi32>], vector<16xf32>, vector<16xi1>
      %get3A_660 = arith.index_cast %mul3A_638 : i32 to index
      %get3A_661 = tpu.vector_load %arg21[%get3A_660] {strides = array<i32>} : memref<2048xf32, #tpu.memory_space<vmem>>, vector<16xf32>,
      tpu.vector_store_idx %arg26[%sub3A_655], %get3A_661 masked %gt3A_643 : memref<192xf32, #tpu.memory_space<vmem>>[vector<16xi32>], vector<16xf32>, vector<16xi1>
      %get3A_662 = arith.index_cast %mul3A_638 : i32 to index
      %get3A_663 = tpu.vector_load %arg22[%get3A_662] {strides = array<i32>} : memref<2048xf32, #tpu.memory_space<vmem>>, vector<16xf32>,
      tpu.vector_store_idx %arg27[%sub3A_655], %get3A_663 masked %gt3A_643 : memref<192xf32, #tpu.memory_space<vmem>>[vector<16xi32>], vector<16xf32>, vector<16xi1>
      %reduce_sum3A_664 = arith.constant true
      %reduce_sum3A_665 = vector.broadcast %reduce_sum3A_664 : i1 to vector<16xi1>
      %reduce_sum3A_666 = tpu.scan <sum>, %select_n3A_648 masked %reduce_sum3A_665 : vector<16xi32>, vector<16xi1> -> vector<16xi32>
      %reduce_sum3A_667 = vector.extract %reduce_sum3A_666[15] : i32 from vector<16xi32>
      %add3A_668 = arith.addi %while3A_636, %reduce_sum3A_667 : i32
      scf.yield %add3A_668 : i32
    }
    %while3A_519 = arith.constant 1 : i32
    %while3A_520 = scf.for %while3A_635 = %while3A_516 to %while3A_512 step %while3A_519 iter_args(%while3A_636 = %while3A_518) -> (i32)  : i32 {
      %mul3A_637 = arith.constant 16 : i32
      %mul3A_638 = arith.muli %while3A_635, %mul3A_637 : i32
      %get3A_639 = arith.index_cast %mul3A_638 : i32 to index
      %get3A_640 = tpu.vector_load %arg23[%get3A_639] {strides = array<i32>} : memref<2048xf32, #tpu.memory_space<vmem>>, vector<16xf32>,
      %gt3A_641 = arith.constant 0xFF800000 : f32
      %gt3A_642 = vector.broadcast %gt3A_641 : f32 to vector<16xf32>
      %gt3A_643 = arith.cmpf ogt, %get3A_640, %gt3A_642 : vector<16xf32>
      %jit3A_644 = arith.constant 1 : i32
      %jit3A_645 = arith.constant 0 : i32
      %broadcast_in_dim3A_646 = vector.broadcast %jit3A_644 : i32 to vector<16xi32>
      %broadcast_in_dim3A_647 = vector.broadcast %jit3A_645 : i32 to vector<16xi32>
      %select_n3A_648 = arith.select %gt3A_643, %broadcast_in_dim3A_646, %broadcast_in_dim3A_647 : vector<16xi1>, vector<16xi32>
      %broadcast_in_dim3A_649 = arith.constant true
      %broadcast_in_dim3A_650 = vector.broadcast %broadcast_in_dim3A_649 : i1 to vector<16xi1>
      %masked_cumsum3A = tpu.scan <sum>, %select_n3A_648 masked %broadcast_in_dim3A_650 : vector<16xi32>, vector<16xi1> -> vector<16xi32>
      %add3A_651 = vector.broadcast %while3A_636 : i32 to vector<16xi32>
      %add3A_652 = arith.addi %add3A_651, %masked_cumsum3A : vector<16xi32>
      %sub3A_653 = arith.constant 1 : i32
      %sub3A_654 = vector.broadcast %sub3A_653 : i32 to vector<16xi32>
      %sub3A_655 = arith.subi %add3A_652, %sub3A_654 : vector<16xi32>
      tpu.vector_store_idx %arg28[%sub3A_655], %get3A_640 masked %gt3A_643 : memref<192xf32, #tpu.memory_space<vmem>>[vector<16xi32>], vector<16xf32>, vector<16xi1>
      %get3A_656 = arith.index_cast %mul3A_638 : i32 to index
      %get3A_657 = tpu.vector_load %arg19[%get3A_656] {strides = array<i32>} : memref<2048xf32, #tpu.memory_space<vmem>>, vector<16xf32>,
      tpu.vector_store_idx %arg24[%sub3A_655], %get3A_657 masked %gt3A_643 : memref<192xf32, #tpu.memory_space<vmem>>[vector<16xi32>], vector<16xf32>, vector<16xi1>
      %get3A_658 = arith.index_cast %mul3A_638 : i32 to index
      %get3A_659 = tpu.vector_load %arg20[%get3A_658] {strides = array<i32>} : memref<2048xf32, #tpu.memory_space<vmem>>, vector<16xf32>,
      tpu.vector_store_idx %arg25[%sub3A_655], %get3A_659 masked %gt3A_643 : memref<192xf32, #tpu.memory_space<vmem>>[vector<16xi32>], vector<16xf32>, vector<16xi1>
      %get3A_660 = arith.index_cast %mul3A_638 : i32 to index
      %get3A_661 = tpu.vector_load %arg21[%get3A_660] {strides = array<i32>} : memref<2048xf32, #tpu.memory_space<vmem>>, vector<16xf32>,
      tpu.vector_store_idx %arg26[%sub3A_655], %get3A_661 masked %gt3A_643 : memref<192xf32, #tpu.memory_space<vmem>>[vector<16xi32>], vector<16xf32>, vector<16xi1>
      %get3A_662 = arith.index_cast %mul3A_638 : i32 to index
      %get3A_663 = tpu.vector_load %arg22[%get3A_662] {strides = array<i32>} : memref<2048xf32, #tpu.memory_space<vmem>>, vector<16xf32>,
      tpu.vector_store_idx %arg27[%sub3A_655], %get3A_663 masked %gt3A_643 : memref<192xf32, #tpu.memory_space<vmem>>[vector<16xi32>], vector<16xf32>, vector<16xi1>
      %reduce_sum3A_664 = arith.constant true
      %reduce_sum3A_665 = vector.broadcast %reduce_sum3A_664 : i1 to vector<16xi1>
      %reduce_sum3A_666 = tpu.scan <sum>, %select_n3A_648 masked %reduce_sum3A_665 : vector<16xi32>, vector<16xi1> -> vector<16xi32>
      %reduce_sum3A_667 = vector.extract %reduce_sum3A_666[15] : i32 from vector<16xi32>
      %add3A_668 = arith.addi %while3A_636, %reduce_sum3A_667 : i32
      scf.yield %add3A_668 : i32
    }
    %broadcast_in_dim3A_521 = arith.constant 0xFF800000 : f32
    %broadcast_in_dim3A_522 = vector.broadcast %broadcast_in_dim3A_521 : f32 to vector<16xf32>
    %get3A = arith.constant 0 : index
    %get3A_523 = tpu.vector_load %arg28[%get3A] {strides = array<i32>} : memref<192xf32, #tpu.memory_space<vmem>>, vector<16xf32>,
    %add3A_524 = arith.constant 0 : i32
    %add3A_525 = vector.broadcast %add3A_524 : i32 to vector<16xi32>
    %add3A_526 = arith.addi %add3A_525, %iota3A : vector<16xi32>
    %gt3A_527 = arith.cmpf ogt, %get3A_523, %broadcast_in_dim3A_522 : vector<16xf32>
    %select_n3A_528 = arith.select %gt3A_527, %get3A_523, %broadcast_in_dim3A_522 : vector<16xi1>, vector<16xf32>
    %select_n3A_529 = arith.select %gt3A_527, %add3A_526, %broadcast_in_dim3A_19 : vector<16xi1>, vector<16xi32>
    %get3A_530 = arith.constant 16 : index
    %get3A_531 = tpu.vector_load %arg28[%get3A_530] {strides = array<i32>} : memref<192xf32, #tpu.memory_space<vmem>>, vector<16xf32>,
    %add3A_532 = arith.constant 16 : i32
    %add3A_533 = vector.broadcast %add3A_532 : i32 to vector<16xi32>
    %add3A_534 = arith.addi %add3A_533, %iota3A : vector<16xi32>
    %gt3A_535 = arith.cmpf ogt, %get3A_531, %select_n3A_528 : vector<16xf32>
    %select_n3A_536 = arith.select %gt3A_535, %get3A_531, %select_n3A_528 : vector<16xi1>, vector<16xf32>
    %select_n3A_537 = arith.select %gt3A_535, %add3A_534, %select_n3A_529 : vector<16xi1>, vector<16xi32>
    %get3A_538 = arith.constant 32 : index
    %get3A_539 = tpu.vector_load %arg28[%get3A_538] {strides = array<i32>} : memref<192xf32, #tpu.memory_space<vmem>>, vector<16xf32>,
    %add3A_540 = arith.constant 32 : i32
    %add3A_541 = vector.broadcast %add3A_540 : i32 to vector<16xi32>
    %add3A_542 = arith.addi %add3A_541, %iota3A : vector<16xi32>
    %gt3A_543 = arith.cmpf ogt, %get3A_539, %select_n3A_536 : vector<16xf32>
    %select_n3A_544 = arith.select %gt3A_543, %get3A_539, %select_n3A_536 : vector<16xi1>, vector<16xf32>
    %select_n3A_545 = arith.select %gt3A_543, %add3A_542, %select_n3A_537 : vector<16xi1>, vector<16xi32>
    %get3A_546 = arith.constant 48 : index
    %get3A_547 = tpu.vector_load %arg28[%get3A_546] {strides = array<i32>} : memref<192xf32, #tpu.memory_space<vmem>>, vector<16xf32>,
    %add3A_548 = arith.constant 48 : i32
    %add3A_549 = vector.broadcast %add3A_548 : i32 to vector<16xi32>
    %add3A_550 = arith.addi %add3A_549, %iota3A : vector<16xi32>
    %gt3A_551 = arith.cmpf ogt, %get3A_547, %select_n3A_544 : vector<16xf32>
    %select_n3A_552 = arith.select %gt3A_551, %get3A_547, %select_n3A_544 : vector<16xi1>, vector<16xf32>
    %select_n3A_553 = arith.select %gt3A_551, %add3A_550, %select_n3A_545 : vector<16xi1>, vector<16xi32>
    %get3A_554 = arith.constant 64 : index
    %get3A_555 = tpu.vector_load %arg28[%get3A_554] {strides = array<i32>} : memref<192xf32, #tpu.memory_space<vmem>>, vector<16xf32>,
    %add3A_556 = arith.constant 64 : i32
    %add3A_557 = vector.broadcast %add3A_556 : i32 to vector<16xi32>
    %add3A_558 = arith.addi %add3A_557, %iota3A : vector<16xi32>
    %gt3A_559 = arith.cmpf ogt, %get3A_555, %select_n3A_552 : vector<16xf32>
    %select_n3A_560 = arith.select %gt3A_559, %get3A_555, %select_n3A_552 : vector<16xi1>, vector<16xf32>
    %select_n3A_561 = arith.select %gt3A_559, %add3A_558, %select_n3A_553 : vector<16xi1>, vector<16xi32>
    %get3A_562 = arith.constant 80 : index
    %get3A_563 = tpu.vector_load %arg28[%get3A_562] {strides = array<i32>} : memref<192xf32, #tpu.memory_space<vmem>>, vector<16xf32>,
    %add3A_564 = arith.constant 80 : i32
    %add3A_565 = vector.broadcast %add3A_564 : i32 to vector<16xi32>
    %add3A_566 = arith.addi %add3A_565, %iota3A : vector<16xi32>
    %gt3A_567 = arith.cmpf ogt, %get3A_563, %select_n3A_560 : vector<16xf32>
    %select_n3A_568 = arith.select %gt3A_567, %get3A_563, %select_n3A_560 : vector<16xi1>, vector<16xf32>
    %select_n3A_569 = arith.select %gt3A_567, %add3A_566, %select_n3A_561 : vector<16xi1>, vector<16xi32>
    %get3A_570 = arith.constant 96 : index
    %get3A_571 = tpu.vector_load %arg28[%get3A_570] {strides = array<i32>} : memref<192xf32, #tpu.memory_space<vmem>>, vector<16xf32>,
    %add3A_572 = arith.constant 96 : i32
    %add3A_573 = vector.broadcast %add3A_572 : i32 to vector<16xi32>
    %add3A_574 = arith.addi %add3A_573, %iota3A : vector<16xi32>
    %gt3A_575 = arith.cmpf ogt, %get3A_571, %select_n3A_568 : vector<16xf32>
    %select_n3A_576 = arith.select %gt3A_575, %get3A_571, %select_n3A_568 : vector<16xi1>, vector<16xf32>
    %select_n3A_577 = arith.select %gt3A_575, %add3A_574, %select_n3A_569 : vector<16xi1>, vector<16xi32>
    %get3A_578 = arith.constant 112 : index
    %get3A_579 = tpu.vector_load %arg28[%get3A_578] {strides = array<i32>} : memref<192xf32, #tpu.memory_space<vmem>>, vector<16xf32>,
    %add3A_580 = arith.constant 112 : i32
    %add3A_581 = vector.broadcast %add3A_580 : i32 to vector<16xi32>
    %add3A_582 = arith.addi %add3A_581, %iota3A : vector<16xi32>
    %gt3A_583 = arith.cmpf ogt, %get3A_579, %select_n3A_576 : vector<16xf32>
    %select_n3A_584 = arith.select %gt3A_583, %get3A_579, %select_n3A_576 : vector<16xi1>, vector<16xf32>
    %select_n3A_585 = arith.select %gt3A_583, %add3A_582, %select_n3A_577 : vector<16xi1>, vector<16xi32>
    %get3A_586 = arith.constant 128 : index
    %get3A_587 = tpu.vector_load %arg28[%get3A_586] {strides = array<i32>} : memref<192xf32, #tpu.memory_space<vmem>>, vector<16xf32>,
    %add3A_588 = arith.constant 128 : i32
    %add3A_589 = vector.broadcast %add3A_588 : i32 to vector<16xi32>
    %add3A_590 = arith.addi %add3A_589, %iota3A : vector<16xi32>
    %gt3A_591 = arith.cmpf ogt, %get3A_587, %select_n3A_584 : vector<16xf32>
    %select_n3A_592 = arith.select %gt3A_591, %get3A_587, %select_n3A_584 : vector<16xi1>, vector<16xf32>
    %select_n3A_593 = arith.select %gt3A_591, %add3A_590, %select_n3A_585 : vector<16xi1>, vector<16xi32>
    %get3A_594 = arith.constant 144 : index
    %get3A_595 = tpu.vector_load %arg28[%get3A_594] {strides = array<i32>} : memref<192xf32, #tpu.memory_space<vmem>>, vector<16xf32>,
    %add3A_596 = arith.constant 144 : i32
    %add3A_597 = vector.broadcast %add3A_596 : i32 to vector<16xi32>
    %add3A_598 = arith.addi %add3A_597, %iota3A : vector<16xi32>
    %gt3A_599 = arith.cmpf ogt, %get3A_595, %select_n3A_592 : vector<16xf32>
    %select_n3A_600 = arith.select %gt3A_599, %get3A_595, %select_n3A_592 : vector<16xi1>, vector<16xf32>
    %select_n3A_601 = arith.select %gt3A_599, %add3A_598, %select_n3A_593 : vector<16xi1>, vector<16xi32>
    %get3A_602 = arith.constant 160 : index
    %get3A_603 = tpu.vector_load %arg28[%get3A_602] {strides = array<i32>} : memref<192xf32, #tpu.memory_space<vmem>>, vector<16xf32>,
    %add3A_604 = arith.constant 160 : i32
    %add3A_605 = vector.broadcast %add3A_604 : i32 to vector<16xi32>
    %add3A_606 = arith.addi %add3A_605, %iota3A : vector<16xi32>
    %gt3A_607 = arith.cmpf ogt, %get3A_603, %select_n3A_600 : vector<16xf32>
    %select_n3A_608 = arith.select %gt3A_607, %get3A_603, %select_n3A_600 : vector<16xi1>, vector<16xf32>
    %select_n3A_609 = arith.select %gt3A_607, %add3A_606, %select_n3A_601 : vector<16xi1>, vector<16xi32>
    %get3A_610 = arith.constant 176 : index
    %get3A_611 = tpu.vector_load %arg28[%get3A_610] {strides = array<i32>} : memref<192xf32, #tpu.memory_space<vmem>>, vector<16xf32>,
    %add3A_612 = arith.constant 176 : i32
    %add3A_613 = vector.broadcast %add3A_612 : i32 to vector<16xi32>
    %add3A_614 = arith.addi %add3A_613, %iota3A : vector<16xi32>
    %gt3A_615 = arith.cmpf ogt, %get3A_611, %select_n3A_608 : vector<16xf32>
    %select_n3A_616 = arith.select %gt3A_615, %get3A_611, %select_n3A_608 : vector<16xi1>, vector<16xf32>
    %select_n3A_617 = arith.select %gt3A_615, %add3A_614, %select_n3A_609 : vector<16xi1>, vector<16xi32>
    %scan3A_618 = arith.constant 0 : i32
    %scan3A_619 = arith.constant 0 : i32
    %scan3A_620 = arith.constant 100 : i32
    %scan3A_621 = arith.addi %scan3A_619, %scan3A_620 : i32
    %scan3A_622 = arith.constant 1 : i32
    %scan3A_623:3 = scf.for %scan3A_635 = %scan3A_619 to %scan3A_621 step %scan3A_622 iter_args(%scan3A_636 = %select_n3A_616, %scan3A_637 = %select_n3A_617, %scan3A_638 = %scan3A_618) -> (vector<16xf32>, vector<16xi32>, i32)  : i32 {
      %reduce_max3A = arith.constant true
      %reduce_max3A_639 = vector.broadcast %reduce_max3A : i1 to vector<16xi1>
      %reduce_max3A_640 = tpu.scan <max>, %scan3A_636 masked %reduce_max3A_639 : vector<16xf32>, vector<16xi1> -> vector<16xf32>
      %reduce_max3A_641 = vector.extract %reduce_max3A_640[15] : f32 from vector<16xf32>
      %eq3A_642 = vector.broadcast %reduce_max3A_641 : f32 to vector<16xf32>
      %eq3A_643 = arith.cmpf oeq, %scan3A_636, %eq3A_642 : vector<16xf32>
      %jit3A_644 = arith.constant 1073741824 : i32
      %broadcast_in_dim3A_645 = vector.broadcast %jit3A_644 : i32 to vector<16xi32>
      %select_n3A_646 = arith.select %eq3A_643, %scan3A_637, %broadcast_in_dim3A_645 : vector<16xi1>, vector<16xi32>
      %reduce_min3A_647 = arith.constant true
      %reduce_min3A_648 = vector.broadcast %reduce_min3A_647 : i1 to vector<16xi1>
      %reduce_min3A_649 = arith.constant -2147483648 : i32
      %reduce_min3A_650 = vector.broadcast %reduce_min3A_649 : i32 to vector<16xi32>
      %reduce_min3A_651 = arith.xori %select_n3A_646, %reduce_min3A_650 : vector<16xi32>
      %reduce_min3A_652 = tpu.scan <min>, %reduce_min3A_651 masked %reduce_min3A_648 : vector<16xi32>, vector<16xi1> -> vector<16xi32>
      %reduce_min3A_653 = arith.xori %reduce_min3A_652, %reduce_min3A_650 : vector<16xi32>
      %reduce_min3A_654 = vector.extract %reduce_min3A_653[15] : i32 from vector<16xi32>
      %gt3A_655 = arith.constant 0xFF800000 : f32
      %gt3A_656 = arith.cmpf ogt, %reduce_max3A_641, %gt3A_655 : f32
      %jit3A_657 = arith.constant 0 : i32
      %select_n3A_658 = arith.select %gt3A_656, %reduce_min3A_654, %jit3A_657 : i32
      %broadcast_in_dim3A_659 = vector.broadcast %select_n3A_658 : i32 to vector<16xi32>
      %gather3A_660 = tpu.vector_load_idx %arg24[%broadcast_in_dim3A_659] : memref<192xf32, #tpu.memory_space<vmem>>[vector<16xi32>], vector<16xf32>,
      %gather3A_661 = tpu.vector_load_idx %arg25[%broadcast_in_dim3A_659] : memref<192xf32, #tpu.memory_space<vmem>>[vector<16xi32>], vector<16xf32>,
      %gather3A_662 = tpu.vector_load_idx %arg26[%broadcast_in_dim3A_659] : memref<192xf32, #tpu.memory_space<vmem>>[vector<16xi32>], vector<16xf32>,
      %gather3A_663 = tpu.vector_load_idx %arg27[%broadcast_in_dim3A_659] : memref<192xf32, #tpu.memory_space<vmem>>[vector<16xi32>], vector<16xf32>,
      %sub3A_664 = arith.subf %gather3A_662, %gather3A_660 : vector<16xf32>
      %max3A = arith.constant 0.000000e+00 : f32
      %max3A_665 = vector.broadcast %max3A : f32 to vector<16xf32>
      %max3A_666 = arith.maximumf %max3A_665, %sub3A_664 : vector<16xf32>
      %sub3A_667 = arith.subf %gather3A_663, %gather3A_661 : vector<16xf32>
      %max3A_668 = arith.constant 0.000000e+00 : f32
      %max3A_669 = vector.broadcast %max3A_668 : f32 to vector<16xf32>
      %max3A_670 = arith.maximumf %max3A_669, %sub3A_667 : vector<16xf32>
      %mul3A_671 = arith.mulf %max3A_666, %max3A_670 : vector<16xf32>
      %eq3A_672 = arith.constant 0 : i32
      %eq3A_673 = vector.broadcast %eq3A_672 : i32 to vector<16xi32>
      %eq3A_674 = arith.cmpi eq, %iota3A, %eq3A_673 : vector<16xi32>
      %eq3A_675 = arith.constant 1 : i32
      %eq3A_676 = vector.broadcast %eq3A_675 : i32 to vector<16xi32>
      %eq3A_677 = arith.cmpi eq, %iota3A, %eq3A_676 : vector<16xi32>
      %eq3A_678 = arith.constant 2 : i32
      %eq3A_679 = vector.broadcast %eq3A_678 : i32 to vector<16xi32>
      %eq3A_680 = arith.cmpi eq, %iota3A, %eq3A_679 : vector<16xi32>
      %eq3A_681 = arith.constant 3 : i32
      %eq3A_682 = vector.broadcast %eq3A_681 : i32 to vector<16xi32>
      %eq3A_683 = arith.cmpi eq, %iota3A, %eq3A_682 : vector<16xi32>
      %eq3A_684 = arith.constant 4 : i32
      %eq3A_685 = vector.broadcast %eq3A_684 : i32 to vector<16xi32>
      %eq3A_686 = arith.cmpi eq, %iota3A, %eq3A_685 : vector<16xi32>
      %broadcast_in_dim3A_687 = vector.broadcast %reduce_max3A_641 : f32 to vector<16xf32>
      %broadcast_in_dim3A_688 = arith.constant 0.000000e+00 : f32
      %broadcast_in_dim3A_689 = vector.broadcast %broadcast_in_dim3A_688 : f32 to vector<16xf32>
      %select_n3A_690 = arith.select %eq3A_686, %broadcast_in_dim3A_687, %broadcast_in_dim3A_689 : vector<16xi1>, vector<16xf32>
      %select_n3A_691 = arith.select %eq3A_683, %gather3A_663, %select_n3A_690 : vector<16xi1>, vector<16xf32>
      %select_n3A_692 = arith.select %eq3A_680, %gather3A_662, %select_n3A_691 : vector<16xi1>, vector<16xf32>
      %select_n3A_693 = arith.select %eq3A_677, %gather3A_661, %select_n3A_692 : vector<16xi1>, vector<16xf32>
      %select_n3A_694 = arith.select %eq3A_674, %gather3A_660, %select_n3A_693 : vector<16xi1>, vector<16xf32>
      %get3A_695 = arith.constant 0 : index
      %get3A_696 = tpu.vector_load %arg16[%get3A_695] {strides = array<i32>} : memref<16xf32, #tpu.memory_space<vmem>>, vector<16xf32>,
      %select_n3A_697 = arith.select %gt3A_656, %select_n3A_694, %get3A_696 : vector<16xf32>
      %mul3A_698 = arith.constant 16 : i32
      %mul3A_699 = arith.muli %scan3A_635, %mul3A_698 : i32
      %swap3A_700 = arith.index_cast %mul3A_699 : i32 to index
      %swap3A_701 = tpu.vector_load %arg18[%swap3A_700] {strides = array<i32>} : memref<1600xf32, #tpu.memory_space<vmem>>, vector<16xf32>,
      tpu.vector_store %arg18[%swap3A_700], %select_n3A_697 {strides = array<i32>} : memref<1600xf32, #tpu.memory_space<vmem>>, vector<16xf32>,
      %broadcast_in_dim3A_702 = arith.constant 0xFF800000 : f32
      %broadcast_in_dim3A_703 = vector.broadcast %broadcast_in_dim3A_702 : f32 to vector<16xf32>
      %get3A_704 = arith.constant 0 : index
      %get3A_705 = tpu.vector_load %arg24[%get3A_704] {strides = array<i32>} : memref<192xf32, #tpu.memory_space<vmem>>, vector<16xf32>,
      %get3A_706 = arith.constant 0 : index
      %get3A_707 = tpu.vector_load %arg25[%get3A_706] {strides = array<i32>} : memref<192xf32, #tpu.memory_space<vmem>>, vector<16xf32>,
      %get3A_708 = arith.constant 0 : index
      %get3A_709 = tpu.vector_load %arg26[%get3A_708] {strides = array<i32>} : memref<192xf32, #tpu.memory_space<vmem>>, vector<16xf32>,
      %get3A_710 = arith.constant 0 : index
      %get3A_711 = tpu.vector_load %arg27[%get3A_710] {strides = array<i32>} : memref<192xf32, #tpu.memory_space<vmem>>, vector<16xf32>,
      %get3A_712 = arith.constant 0 : index
      %get3A_713 = tpu.vector_load %arg28[%get3A_712] {strides = array<i32>} : memref<192xf32, #tpu.memory_space<vmem>>, vector<16xf32>,
      %sub3A_714 = arith.subf %get3A_709, %get3A_705 : vector<16xf32>
      %max3A_715 = arith.constant 0.000000e+00 : f32
      %max3A_716 = vector.broadcast %max3A_715 : f32 to vector<16xf32>
      %max3A_717 = arith.maximumf %max3A_716, %sub3A_714 : vector<16xf32>
      %sub3A_718 = arith.subf %get3A_711, %get3A_707 : vector<16xf32>
      %max3A_719 = arith.constant 0.000000e+00 : f32
      %max3A_720 = vector.broadcast %max3A_719 : f32 to vector<16xf32>
      %max3A_721 = arith.maximumf %max3A_720, %sub3A_718 : vector<16xf32>
      %mul3A_722 = arith.mulf %max3A_717, %max3A_721 : vector<16xf32>
      %max3A_723 = arith.maximumf %gather3A_660, %get3A_705 : vector<16xf32>
      %max3A_724 = arith.maximumf %gather3A_661, %get3A_707 : vector<16xf32>
      %min3A = arith.minimumf %gather3A_662, %get3A_709 : vector<16xf32>
      %min3A_725 = arith.minimumf %gather3A_663, %get3A_711 : vector<16xf32>
      %sub3A_726 = arith.subf %min3A, %max3A_723 : vector<16xf32>
      %max3A_727 = arith.constant 0.000000e+00 : f32
      %max3A_728 = vector.broadcast %max3A_727 : f32 to vector<16xf32>
      %max3A_729 = arith.maximumf %max3A_728, %sub3A_726 : vector<16xf32>
      %sub3A_730 = arith.subf %min3A_725, %max3A_724 : vector<16xf32>
      %max3A_731 = arith.constant 0.000000e+00 : f32
      %max3A_732 = vector.broadcast %max3A_731 : f32 to vector<16xf32>
      %max3A_733 = arith.maximumf %max3A_732, %sub3A_730 : vector<16xf32>
      %mul3A_734 = arith.mulf %max3A_729, %max3A_733 : vector<16xf32>
      %add3A_735 = arith.addf %mul3A_671, %mul3A_722 : vector<16xf32>
      %sub3A_736 = arith.subf %add3A_735, %mul3A_734 : vector<16xf32>
      %add3A_737 = arith.constant 9.99999971E-10 : f32
      %add3A_738 = vector.broadcast %add3A_737 : f32 to vector<16xf32>
      %add3A_739 = arith.addf %sub3A_736, %add3A_738 : vector<16xf32>
      %div3A_740 = arith.divf %mul3A_734, %add3A_739 : vector<16xf32>
      %add3A_741 = arith.constant 0 : i32
      %add3A_742 = vector.broadcast %add3A_741 : i32 to vector<16xi32>
      %add3A_743 = arith.addi %add3A_742, %iota3A : vector<16xi32>
      %gt3A_744 = arith.constant 4.500000e-01 : f32
      %gt3A_745 = vector.broadcast %gt3A_744 : f32 to vector<16xf32>
      %gt3A_746 = arith.cmpf ogt, %div3A_740, %gt3A_745 : vector<16xf32>
      %eq3A_747 = vector.broadcast %reduce_min3A_654 : i32 to vector<16xi32>
      %eq3A_748 = arith.cmpi eq, %add3A_743, %eq3A_747 : vector<16xi32>
      %or3A_749 = arith.ori %gt3A_746, %eq3A_748 : vector<16xi1>
      %and3A_750 = vector.broadcast %gt3A_656 : i1 to vector<16xi1>
      %and3A_751 = arith.andi %and3A_750, %or3A_749 : vector<16xi1>
      %jit3A_752 = arith.constant 0xFF800000 : f32
      %broadcast_in_dim3A_753 = vector.broadcast %jit3A_752 : f32 to vector<16xf32>
      %select_n3A_754 = arith.select %and3A_751, %broadcast_in_dim3A_753, %get3A_713 : vector<16xi1>, vector<16xf32>
      %swap3A_755 = arith.constant 0 : index
      %swap3A_756 = tpu.vector_load %arg28[%swap3A_755] {strides = array<i32>} : memref<192xf32, #tpu.memory_space<vmem>>, vector<16xf32>,
      tpu.vector_store %arg28[%swap3A_755], %select_n3A_754 {strides = array<i32>} : memref<192xf32, #tpu.memory_space<vmem>>, vector<16xf32>,
      %gt3A_757 = arith.cmpf ogt, %select_n3A_754, %broadcast_in_dim3A_703 : vector<16xf32>
      %select_n3A_758 = arith.select %gt3A_757, %select_n3A_754, %broadcast_in_dim3A_703 : vector<16xi1>, vector<16xf32>
      %select_n3A_759 = arith.select %gt3A_757, %add3A_743, %broadcast_in_dim3A_19 : vector<16xi1>, vector<16xi32>
      %get3A_760 = arith.constant 16 : index
      %get3A_761 = tpu.vector_load %arg24[%get3A_760] {strides = array<i32>} : memref<192xf32, #tpu.memory_space<vmem>>, vector<16xf32>,
      %get3A_762 = arith.constant 16 : index
      %get3A_763 = tpu.vector_load %arg25[%get3A_762] {strides = array<i32>} : memref<192xf32, #tpu.memory_space<vmem>>, vector<16xf32>,
      %get3A_764 = arith.constant 16 : index
      %get3A_765 = tpu.vector_load %arg26[%get3A_764] {strides = array<i32>} : memref<192xf32, #tpu.memory_space<vmem>>, vector<16xf32>,
      %get3A_766 = arith.constant 16 : index
      %get3A_767 = tpu.vector_load %arg27[%get3A_766] {strides = array<i32>} : memref<192xf32, #tpu.memory_space<vmem>>, vector<16xf32>,
      %get3A_768 = arith.constant 16 : index
      %get3A_769 = tpu.vector_load %arg28[%get3A_768] {strides = array<i32>} : memref<192xf32, #tpu.memory_space<vmem>>, vector<16xf32>,
      %sub3A_770 = arith.subf %get3A_765, %get3A_761 : vector<16xf32>
      %max3A_771 = arith.constant 0.000000e+00 : f32
      %max3A_772 = vector.broadcast %max3A_771 : f32 to vector<16xf32>
      %max3A_773 = arith.maximumf %max3A_772, %sub3A_770 : vector<16xf32>
      %sub3A_774 = arith.subf %get3A_767, %get3A_763 : vector<16xf32>
      %max3A_775 = arith.constant 0.000000e+00 : f32
      %max3A_776 = vector.broadcast %max3A_775 : f32 to vector<16xf32>
      %max3A_777 = arith.maximumf %max3A_776, %sub3A_774 : vector<16xf32>
      %mul3A_778 = arith.mulf %max3A_773, %max3A_777 : vector<16xf32>
      %max3A_779 = arith.maximumf %gather3A_660, %get3A_761 : vector<16xf32>
      %max3A_780 = arith.maximumf %gather3A_661, %get3A_763 : vector<16xf32>
      %min3A_781 = arith.minimumf %gather3A_662, %get3A_765 : vector<16xf32>
      %min3A_782 = arith.minimumf %gather3A_663, %get3A_767 : vector<16xf32>
      %sub3A_783 = arith.subf %min3A_781, %max3A_779 : vector<16xf32>
      %max3A_784 = arith.constant 0.000000e+00 : f32
      %max3A_785 = vector.broadcast %max3A_784 : f32 to vector<16xf32>
      %max3A_786 = arith.maximumf %max3A_785, %sub3A_783 : vector<16xf32>
      %sub3A_787 = arith.subf %min3A_782, %max3A_780 : vector<16xf32>
      %max3A_788 = arith.constant 0.000000e+00 : f32
      %max3A_789 = vector.broadcast %max3A_788 : f32 to vector<16xf32>
      %max3A_790 = arith.maximumf %max3A_789, %sub3A_787 : vector<16xf32>
      %mul3A_791 = arith.mulf %max3A_786, %max3A_790 : vector<16xf32>
      %add3A_792 = arith.addf %mul3A_671, %mul3A_778 : vector<16xf32>
      %sub3A_793 = arith.subf %add3A_792, %mul3A_791 : vector<16xf32>
      %add3A_794 = arith.constant 9.99999971E-10 : f32
      %add3A_795 = vector.broadcast %add3A_794 : f32 to vector<16xf32>
      %add3A_796 = arith.addf %sub3A_793, %add3A_795 : vector<16xf32>
      %div3A_797 = arith.divf %mul3A_791, %add3A_796 : vector<16xf32>
      %add3A_798 = arith.constant 16 : i32
      %add3A_799 = vector.broadcast %add3A_798 : i32 to vector<16xi32>
      %add3A_800 = arith.addi %add3A_799, %iota3A : vector<16xi32>
      %gt3A_801 = arith.constant 4.500000e-01 : f32
      %gt3A_802 = vector.broadcast %gt3A_801 : f32 to vector<16xf32>
      %gt3A_803 = arith.cmpf ogt, %div3A_797, %gt3A_802 : vector<16xf32>
      %eq3A_804 = vector.broadcast %reduce_min3A_654 : i32 to vector<16xi32>
      %eq3A_805 = arith.cmpi eq, %add3A_800, %eq3A_804 : vector<16xi32>
      %or3A_806 = arith.ori %gt3A_803, %eq3A_805 : vector<16xi1>
      %and3A_807 = vector.broadcast %gt3A_656 : i1 to vector<16xi1>
      %and3A_808 = arith.andi %and3A_807, %or3A_806 : vector<16xi1>
      %jit3A_809 = arith.constant 0xFF800000 : f32
      %broadcast_in_dim3A_810 = vector.broadcast %jit3A_809 : f32 to vector<16xf32>
      %select_n3A_811 = arith.select %and3A_808, %broadcast_in_dim3A_810, %get3A_769 : vector<16xi1>, vector<16xf32>
      %swap3A_812 = arith.constant 16 : index
      %swap3A_813 = tpu.vector_load %arg28[%swap3A_812] {strides = array<i32>} : memref<192xf32, #tpu.memory_space<vmem>>, vector<16xf32>,
      tpu.vector_store %arg28[%swap3A_812], %select_n3A_811 {strides = array<i32>} : memref<192xf32, #tpu.memory_space<vmem>>, vector<16xf32>,
      %gt3A_814 = arith.cmpf ogt, %select_n3A_811, %select_n3A_758 : vector<16xf32>
      %select_n3A_815 = arith.select %gt3A_814, %select_n3A_811, %select_n3A_758 : vector<16xi1>, vector<16xf32>
      %select_n3A_816 = arith.select %gt3A_814, %add3A_800, %select_n3A_759 : vector<16xi1>, vector<16xi32>
      %get3A_817 = arith.constant 32 : index
      %get3A_818 = tpu.vector_load %arg24[%get3A_817] {strides = array<i32>} : memref<192xf32, #tpu.memory_space<vmem>>, vector<16xf32>,
      %get3A_819 = arith.constant 32 : index
      %get3A_820 = tpu.vector_load %arg25[%get3A_819] {strides = array<i32>} : memref<192xf32, #tpu.memory_space<vmem>>, vector<16xf32>,
      %get3A_821 = arith.constant 32 : index
      %get3A_822 = tpu.vector_load %arg26[%get3A_821] {strides = array<i32>} : memref<192xf32, #tpu.memory_space<vmem>>, vector<16xf32>,
      %get3A_823 = arith.constant 32 : index
      %get3A_824 = tpu.vector_load %arg27[%get3A_823] {strides = array<i32>} : memref<192xf32, #tpu.memory_space<vmem>>, vector<16xf32>,
      %get3A_825 = arith.constant 32 : index
      %get3A_826 = tpu.vector_load %arg28[%get3A_825] {strides = array<i32>} : memref<192xf32, #tpu.memory_space<vmem>>, vector<16xf32>,
      %sub3A_827 = arith.subf %get3A_822, %get3A_818 : vector<16xf32>
      %max3A_828 = arith.constant 0.000000e+00 : f32
      %max3A_829 = vector.broadcast %max3A_828 : f32 to vector<16xf32>
      %max3A_830 = arith.maximumf %max3A_829, %sub3A_827 : vector<16xf32>
      %sub3A_831 = arith.subf %get3A_824, %get3A_820 : vector<16xf32>
      %max3A_832 = arith.constant 0.000000e+00 : f32
      %max3A_833 = vector.broadcast %max3A_832 : f32 to vector<16xf32>
      %max3A_834 = arith.maximumf %max3A_833, %sub3A_831 : vector<16xf32>
      %mul3A_835 = arith.mulf %max3A_830, %max3A_834 : vector<16xf32>
      %max3A_836 = arith.maximumf %gather3A_660, %get3A_818 : vector<16xf32>
      %max3A_837 = arith.maximumf %gather3A_661, %get3A_820 : vector<16xf32>
      %min3A_838 = arith.minimumf %gather3A_662, %get3A_822 : vector<16xf32>
      %min3A_839 = arith.minimumf %gather3A_663, %get3A_824 : vector<16xf32>
      %sub3A_840 = arith.subf %min3A_838, %max3A_836 : vector<16xf32>
      %max3A_841 = arith.constant 0.000000e+00 : f32
      %max3A_842 = vector.broadcast %max3A_841 : f32 to vector<16xf32>
      %max3A_843 = arith.maximumf %max3A_842, %sub3A_840 : vector<16xf32>
      %sub3A_844 = arith.subf %min3A_839, %max3A_837 : vector<16xf32>
      %max3A_845 = arith.constant 0.000000e+00 : f32
      %max3A_846 = vector.broadcast %max3A_845 : f32 to vector<16xf32>
      %max3A_847 = arith.maximumf %max3A_846, %sub3A_844 : vector<16xf32>
      %mul3A_848 = arith.mulf %max3A_843, %max3A_847 : vector<16xf32>
      %add3A_849 = arith.addf %mul3A_671, %mul3A_835 : vector<16xf32>
      %sub3A_850 = arith.subf %add3A_849, %mul3A_848 : vector<16xf32>
      %add3A_851 = arith.constant 9.99999971E-10 : f32
      %add3A_852 = vector.broadcast %add3A_851 : f32 to vector<16xf32>
      %add3A_853 = arith.addf %sub3A_850, %add3A_852 : vector<16xf32>
      %div3A_854 = arith.divf %mul3A_848, %add3A_853 : vector<16xf32>
      %add3A_855 = arith.constant 32 : i32
      %add3A_856 = vector.broadcast %add3A_855 : i32 to vector<16xi32>
      %add3A_857 = arith.addi %add3A_856, %iota3A : vector<16xi32>
      %gt3A_858 = arith.constant 4.500000e-01 : f32
      %gt3A_859 = vector.broadcast %gt3A_858 : f32 to vector<16xf32>
      %gt3A_860 = arith.cmpf ogt, %div3A_854, %gt3A_859 : vector<16xf32>
      %eq3A_861 = vector.broadcast %reduce_min3A_654 : i32 to vector<16xi32>
      %eq3A_862 = arith.cmpi eq, %add3A_857, %eq3A_861 : vector<16xi32>
      %or3A_863 = arith.ori %gt3A_860, %eq3A_862 : vector<16xi1>
      %and3A_864 = vector.broadcast %gt3A_656 : i1 to vector<16xi1>
      %and3A_865 = arith.andi %and3A_864, %or3A_863 : vector<16xi1>
      %jit3A_866 = arith.constant 0xFF800000 : f32
      %broadcast_in_dim3A_867 = vector.broadcast %jit3A_866 : f32 to vector<16xf32>
      %select_n3A_868 = arith.select %and3A_865, %broadcast_in_dim3A_867, %get3A_826 : vector<16xi1>, vector<16xf32>
      %swap3A_869 = arith.constant 32 : index
      %swap3A_870 = tpu.vector_load %arg28[%swap3A_869] {strides = array<i32>} : memref<192xf32, #tpu.memory_space<vmem>>, vector<16xf32>,
      tpu.vector_store %arg28[%swap3A_869], %select_n3A_868 {strides = array<i32>} : memref<192xf32, #tpu.memory_space<vmem>>, vector<16xf32>,
      %gt3A_871 = arith.cmpf ogt, %select_n3A_868, %select_n3A_815 : vector<16xf32>
      %select_n3A_872 = arith.select %gt3A_871, %select_n3A_868, %select_n3A_815 : vector<16xi1>, vector<16xf32>
      %select_n3A_873 = arith.select %gt3A_871, %add3A_857, %select_n3A_816 : vector<16xi1>, vector<16xi32>
      %get3A_874 = arith.constant 48 : index
      %get3A_875 = tpu.vector_load %arg24[%get3A_874] {strides = array<i32>} : memref<192xf32, #tpu.memory_space<vmem>>, vector<16xf32>,
      %get3A_876 = arith.constant 48 : index
      %get3A_877 = tpu.vector_load %arg25[%get3A_876] {strides = array<i32>} : memref<192xf32, #tpu.memory_space<vmem>>, vector<16xf32>,
      %get3A_878 = arith.constant 48 : index
      %get3A_879 = tpu.vector_load %arg26[%get3A_878] {strides = array<i32>} : memref<192xf32, #tpu.memory_space<vmem>>, vector<16xf32>,
      %get3A_880 = arith.constant 48 : index
      %get3A_881 = tpu.vector_load %arg27[%get3A_880] {strides = array<i32>} : memref<192xf32, #tpu.memory_space<vmem>>, vector<16xf32>,
      %get3A_882 = arith.constant 48 : index
      %get3A_883 = tpu.vector_load %arg28[%get3A_882] {strides = array<i32>} : memref<192xf32, #tpu.memory_space<vmem>>, vector<16xf32>,
      %sub3A_884 = arith.subf %get3A_879, %get3A_875 : vector<16xf32>
      %max3A_885 = arith.constant 0.000000e+00 : f32
      %max3A_886 = vector.broadcast %max3A_885 : f32 to vector<16xf32>
      %max3A_887 = arith.maximumf %max3A_886, %sub3A_884 : vector<16xf32>
      %sub3A_888 = arith.subf %get3A_881, %get3A_877 : vector<16xf32>
      %max3A_889 = arith.constant 0.000000e+00 : f32
      %max3A_890 = vector.broadcast %max3A_889 : f32 to vector<16xf32>
      %max3A_891 = arith.maximumf %max3A_890, %sub3A_888 : vector<16xf32>
      %mul3A_892 = arith.mulf %max3A_887, %max3A_891 : vector<16xf32>
      %max3A_893 = arith.maximumf %gather3A_660, %get3A_875 : vector<16xf32>
      %max3A_894 = arith.maximumf %gather3A_661, %get3A_877 : vector<16xf32>
      %min3A_895 = arith.minimumf %gather3A_662, %get3A_879 : vector<16xf32>
      %min3A_896 = arith.minimumf %gather3A_663, %get3A_881 : vector<16xf32>
      %sub3A_897 = arith.subf %min3A_895, %max3A_893 : vector<16xf32>
      %max3A_898 = arith.constant 0.000000e+00 : f32
      %max3A_899 = vector.broadcast %max3A_898 : f32 to vector<16xf32>
      %max3A_900 = arith.maximumf %max3A_899, %sub3A_897 : vector<16xf32>
      %sub3A_901 = arith.subf %min3A_896, %max3A_894 : vector<16xf32>
      %max3A_902 = arith.constant 0.000000e+00 : f32
      %max3A_903 = vector.broadcast %max3A_902 : f32 to vector<16xf32>
      %max3A_904 = arith.maximumf %max3A_903, %sub3A_901 : vector<16xf32>
      %mul3A_905 = arith.mulf %max3A_900, %max3A_904 : vector<16xf32>
      %add3A_906 = arith.addf %mul3A_671, %mul3A_892 : vector<16xf32>
      %sub3A_907 = arith.subf %add3A_906, %mul3A_905 : vector<16xf32>
      %add3A_908 = arith.constant 9.99999971E-10 : f32
      %add3A_909 = vector.broadcast %add3A_908 : f32 to vector<16xf32>
      %add3A_910 = arith.addf %sub3A_907, %add3A_909 : vector<16xf32>
      %div3A_911 = arith.divf %mul3A_905, %add3A_910 : vector<16xf32>
      %add3A_912 = arith.constant 48 : i32
      %add3A_913 = vector.broadcast %add3A_912 : i32 to vector<16xi32>
      %add3A_914 = arith.addi %add3A_913, %iota3A : vector<16xi32>
      %gt3A_915 = arith.constant 4.500000e-01 : f32
      %gt3A_916 = vector.broadcast %gt3A_915 : f32 to vector<16xf32>
      %gt3A_917 = arith.cmpf ogt, %div3A_911, %gt3A_916 : vector<16xf32>
      %eq3A_918 = vector.broadcast %reduce_min3A_654 : i32 to vector<16xi32>
      %eq3A_919 = arith.cmpi eq, %add3A_914, %eq3A_918 : vector<16xi32>
      %or3A_920 = arith.ori %gt3A_917, %eq3A_919 : vector<16xi1>
      %and3A_921 = vector.broadcast %gt3A_656 : i1 to vector<16xi1>
      %and3A_922 = arith.andi %and3A_921, %or3A_920 : vector<16xi1>
      %jit3A_923 = arith.constant 0xFF800000 : f32
      %broadcast_in_dim3A_924 = vector.broadcast %jit3A_923 : f32 to vector<16xf32>
      %select_n3A_925 = arith.select %and3A_922, %broadcast_in_dim3A_924, %get3A_883 : vector<16xi1>, vector<16xf32>
      %swap3A_926 = arith.constant 48 : index
      %swap3A_927 = tpu.vector_load %arg28[%swap3A_926] {strides = array<i32>} : memref<192xf32, #tpu.memory_space<vmem>>, vector<16xf32>,
      tpu.vector_store %arg28[%swap3A_926], %select_n3A_925 {strides = array<i32>} : memref<192xf32, #tpu.memory_space<vmem>>, vector<16xf32>,
      %gt3A_928 = arith.cmpf ogt, %select_n3A_925, %select_n3A_872 : vector<16xf32>
      %select_n3A_929 = arith.select %gt3A_928, %select_n3A_925, %select_n3A_872 : vector<16xi1>, vector<16xf32>
      %select_n3A_930 = arith.select %gt3A_928, %add3A_914, %select_n3A_873 : vector<16xi1>, vector<16xi32>
      %get3A_931 = arith.constant 64 : index
      %get3A_932 = tpu.vector_load %arg24[%get3A_931] {strides = array<i32>} : memref<192xf32, #tpu.memory_space<vmem>>, vector<16xf32>,
      %get3A_933 = arith.constant 64 : index
      %get3A_934 = tpu.vector_load %arg25[%get3A_933] {strides = array<i32>} : memref<192xf32, #tpu.memory_space<vmem>>, vector<16xf32>,
      %get3A_935 = arith.constant 64 : index
      %get3A_936 = tpu.vector_load %arg26[%get3A_935] {strides = array<i32>} : memref<192xf32, #tpu.memory_space<vmem>>, vector<16xf32>,
      %get3A_937 = arith.constant 64 : index
      %get3A_938 = tpu.vector_load %arg27[%get3A_937] {strides = array<i32>} : memref<192xf32, #tpu.memory_space<vmem>>, vector<16xf32>,
      %get3A_939 = arith.constant 64 : index
      %get3A_940 = tpu.vector_load %arg28[%get3A_939] {strides = array<i32>} : memref<192xf32, #tpu.memory_space<vmem>>, vector<16xf32>,
      %sub3A_941 = arith.subf %get3A_936, %get3A_932 : vector<16xf32>
      %max3A_942 = arith.constant 0.000000e+00 : f32
      %max3A_943 = vector.broadcast %max3A_942 : f32 to vector<16xf32>
      %max3A_944 = arith.maximumf %max3A_943, %sub3A_941 : vector<16xf32>
      %sub3A_945 = arith.subf %get3A_938, %get3A_934 : vector<16xf32>
      %max3A_946 = arith.constant 0.000000e+00 : f32
      %max3A_947 = vector.broadcast %max3A_946 : f32 to vector<16xf32>
      %max3A_948 = arith.maximumf %max3A_947, %sub3A_945 : vector<16xf32>
      %mul3A_949 = arith.mulf %max3A_944, %max3A_948 : vector<16xf32>
      %max3A_950 = arith.maximumf %gather3A_660, %get3A_932 : vector<16xf32>
      %max3A_951 = arith.maximumf %gather3A_661, %get3A_934 : vector<16xf32>
      %min3A_952 = arith.minimumf %gather3A_662, %get3A_936 : vector<16xf32>
      %min3A_953 = arith.minimumf %gather3A_663, %get3A_938 : vector<16xf32>
      %sub3A_954 = arith.subf %min3A_952, %max3A_950 : vector<16xf32>
      %max3A_955 = arith.constant 0.000000e+00 : f32
      %max3A_956 = vector.broadcast %max3A_955 : f32 to vector<16xf32>
      %max3A_957 = arith.maximumf %max3A_956, %sub3A_954 : vector<16xf32>
      %sub3A_958 = arith.subf %min3A_953, %max3A_951 : vector<16xf32>
      %max3A_959 = arith.constant 0.000000e+00 : f32
      %max3A_960 = vector.broadcast %max3A_959 : f32 to vector<16xf32>
      %max3A_961 = arith.maximumf %max3A_960, %sub3A_958 : vector<16xf32>
      %mul3A_962 = arith.mulf %max3A_957, %max3A_961 : vector<16xf32>
      %add3A_963 = arith.addf %mul3A_671, %mul3A_949 : vector<16xf32>
      %sub3A_964 = arith.subf %add3A_963, %mul3A_962 : vector<16xf32>
      %add3A_965 = arith.constant 9.99999971E-10 : f32
      %add3A_966 = vector.broadcast %add3A_965 : f32 to vector<16xf32>
      %add3A_967 = arith.addf %sub3A_964, %add3A_966 : vector<16xf32>
      %div3A_968 = arith.divf %mul3A_962, %add3A_967 : vector<16xf32>
      %add3A_969 = arith.constant 64 : i32
      %add3A_970 = vector.broadcast %add3A_969 : i32 to vector<16xi32>
      %add3A_971 = arith.addi %add3A_970, %iota3A : vector<16xi32>
      %gt3A_972 = arith.constant 4.500000e-01 : f32
      %gt3A_973 = vector.broadcast %gt3A_972 : f32 to vector<16xf32>
      %gt3A_974 = arith.cmpf ogt, %div3A_968, %gt3A_973 : vector<16xf32>
      %eq3A_975 = vector.broadcast %reduce_min3A_654 : i32 to vector<16xi32>
      %eq3A_976 = arith.cmpi eq, %add3A_971, %eq3A_975 : vector<16xi32>
      %or3A_977 = arith.ori %gt3A_974, %eq3A_976 : vector<16xi1>
      %and3A_978 = vector.broadcast %gt3A_656 : i1 to vector<16xi1>
      %and3A_979 = arith.andi %and3A_978, %or3A_977 : vector<16xi1>
      %jit3A_980 = arith.constant 0xFF800000 : f32
      %broadcast_in_dim3A_981 = vector.broadcast %jit3A_980 : f32 to vector<16xf32>
      %select_n3A_982 = arith.select %and3A_979, %broadcast_in_dim3A_981, %get3A_940 : vector<16xi1>, vector<16xf32>
      %swap3A_983 = arith.constant 64 : index
      %swap3A_984 = tpu.vector_load %arg28[%swap3A_983] {strides = array<i32>} : memref<192xf32, #tpu.memory_space<vmem>>, vector<16xf32>,
      tpu.vector_store %arg28[%swap3A_983], %select_n3A_982 {strides = array<i32>} : memref<192xf32, #tpu.memory_space<vmem>>, vector<16xf32>,
      %gt3A_985 = arith.cmpf ogt, %select_n3A_982, %select_n3A_929 : vector<16xf32>
      %select_n3A_986 = arith.select %gt3A_985, %select_n3A_982, %select_n3A_929 : vector<16xi1>, vector<16xf32>
      %select_n3A_987 = arith.select %gt3A_985, %add3A_971, %select_n3A_930 : vector<16xi1>, vector<16xi32>
      %get3A_988 = arith.constant 80 : index
      %get3A_989 = tpu.vector_load %arg24[%get3A_988] {strides = array<i32>} : memref<192xf32, #tpu.memory_space<vmem>>, vector<16xf32>,
      %get3A_990 = arith.constant 80 : index
      %get3A_991 = tpu.vector_load %arg25[%get3A_990] {strides = array<i32>} : memref<192xf32, #tpu.memory_space<vmem>>, vector<16xf32>,
      %get3A_992 = arith.constant 80 : index
      %get3A_993 = tpu.vector_load %arg26[%get3A_992] {strides = array<i32>} : memref<192xf32, #tpu.memory_space<vmem>>, vector<16xf32>,
      %get3A_994 = arith.constant 80 : index
      %get3A_995 = tpu.vector_load %arg27[%get3A_994] {strides = array<i32>} : memref<192xf32, #tpu.memory_space<vmem>>, vector<16xf32>,
      %get3A_996 = arith.constant 80 : index
      %get3A_997 = tpu.vector_load %arg28[%get3A_996] {strides = array<i32>} : memref<192xf32, #tpu.memory_space<vmem>>, vector<16xf32>,
      %sub3A_998 = arith.subf %get3A_993, %get3A_989 : vector<16xf32>
      %max3A_999 = arith.constant 0.000000e+00 : f32
      %max3A_1000 = vector.broadcast %max3A_999 : f32 to vector<16xf32>
      %max3A_1001 = arith.maximumf %max3A_1000, %sub3A_998 : vector<16xf32>
      %sub3A_1002 = arith.subf %get3A_995, %get3A_991 : vector<16xf32>
      %max3A_1003 = arith.constant 0.000000e+00 : f32
      %max3A_1004 = vector.broadcast %max3A_1003 : f32 to vector<16xf32>
      %max3A_1005 = arith.maximumf %max3A_1004, %sub3A_1002 : vector<16xf32>
      %mul3A_1006 = arith.mulf %max3A_1001, %max3A_1005 : vector<16xf32>
      %max3A_1007 = arith.maximumf %gather3A_660, %get3A_989 : vector<16xf32>
      %max3A_1008 = arith.maximumf %gather3A_661, %get3A_991 : vector<16xf32>
      %min3A_1009 = arith.minimumf %gather3A_662, %get3A_993 : vector<16xf32>
      %min3A_1010 = arith.minimumf %gather3A_663, %get3A_995 : vector<16xf32>
      %sub3A_1011 = arith.subf %min3A_1009, %max3A_1007 : vector<16xf32>
      %max3A_1012 = arith.constant 0.000000e+00 : f32
      %max3A_1013 = vector.broadcast %max3A_1012 : f32 to vector<16xf32>
      %max3A_1014 = arith.maximumf %max3A_1013, %sub3A_1011 : vector<16xf32>
      %sub3A_1015 = arith.subf %min3A_1010, %max3A_1008 : vector<16xf32>
      %max3A_1016 = arith.constant 0.000000e+00 : f32
      %max3A_1017 = vector.broadcast %max3A_1016 : f32 to vector<16xf32>
      %max3A_1018 = arith.maximumf %max3A_1017, %sub3A_1015 : vector<16xf32>
      %mul3A_1019 = arith.mulf %max3A_1014, %max3A_1018 : vector<16xf32>
      %add3A_1020 = arith.addf %mul3A_671, %mul3A_1006 : vector<16xf32>
      %sub3A_1021 = arith.subf %add3A_1020, %mul3A_1019 : vector<16xf32>
      %add3A_1022 = arith.constant 9.99999971E-10 : f32
      %add3A_1023 = vector.broadcast %add3A_1022 : f32 to vector<16xf32>
      %add3A_1024 = arith.addf %sub3A_1021, %add3A_1023 : vector<16xf32>
      %div3A_1025 = arith.divf %mul3A_1019, %add3A_1024 : vector<16xf32>
      %add3A_1026 = arith.constant 80 : i32
      %add3A_1027 = vector.broadcast %add3A_1026 : i32 to vector<16xi32>
      %add3A_1028 = arith.addi %add3A_1027, %iota3A : vector<16xi32>
      %gt3A_1029 = arith.constant 4.500000e-01 : f32
      %gt3A_1030 = vector.broadcast %gt3A_1029 : f32 to vector<16xf32>
      %gt3A_1031 = arith.cmpf ogt, %div3A_1025, %gt3A_1030 : vector<16xf32>
      %eq3A_1032 = vector.broadcast %reduce_min3A_654 : i32 to vector<16xi32>
      %eq3A_1033 = arith.cmpi eq, %add3A_1028, %eq3A_1032 : vector<16xi32>
      %or3A_1034 = arith.ori %gt3A_1031, %eq3A_1033 : vector<16xi1>
      %and3A_1035 = vector.broadcast %gt3A_656 : i1 to vector<16xi1>
      %and3A_1036 = arith.andi %and3A_1035, %or3A_1034 : vector<16xi1>
      %jit3A_1037 = arith.constant 0xFF800000 : f32
      %broadcast_in_dim3A_1038 = vector.broadcast %jit3A_1037 : f32 to vector<16xf32>
      %select_n3A_1039 = arith.select %and3A_1036, %broadcast_in_dim3A_1038, %get3A_997 : vector<16xi1>, vector<16xf32>
      %swap3A_1040 = arith.constant 80 : index
      %swap3A_1041 = tpu.vector_load %arg28[%swap3A_1040] {strides = array<i32>} : memref<192xf32, #tpu.memory_space<vmem>>, vector<16xf32>,
      tpu.vector_store %arg28[%swap3A_1040], %select_n3A_1039 {strides = array<i32>} : memref<192xf32, #tpu.memory_space<vmem>>, vector<16xf32>,
      %gt3A_1042 = arith.cmpf ogt, %select_n3A_1039, %select_n3A_986 : vector<16xf32>
      %select_n3A_1043 = arith.select %gt3A_1042, %select_n3A_1039, %select_n3A_986 : vector<16xi1>, vector<16xf32>
      %select_n3A_1044 = arith.select %gt3A_1042, %add3A_1028, %select_n3A_987 : vector<16xi1>, vector<16xi32>
      %get3A_1045 = arith.constant 96 : index
      %get3A_1046 = tpu.vector_load %arg24[%get3A_1045] {strides = array<i32>} : memref<192xf32, #tpu.memory_space<vmem>>, vector<16xf32>,
      %get3A_1047 = arith.constant 96 : index
      %get3A_1048 = tpu.vector_load %arg25[%get3A_1047] {strides = array<i32>} : memref<192xf32, #tpu.memory_space<vmem>>, vector<16xf32>,
      %get3A_1049 = arith.constant 96 : index
      %get3A_1050 = tpu.vector_load %arg26[%get3A_1049] {strides = array<i32>} : memref<192xf32, #tpu.memory_space<vmem>>, vector<16xf32>,
      %get3A_1051 = arith.constant 96 : index
      %get3A_1052 = tpu.vector_load %arg27[%get3A_1051] {strides = array<i32>} : memref<192xf32, #tpu.memory_space<vmem>>, vector<16xf32>,
      %get3A_1053 = arith.constant 96 : index
      %get3A_1054 = tpu.vector_load %arg28[%get3A_1053] {strides = array<i32>} : memref<192xf32, #tpu.memory_space<vmem>>, vector<16xf32>,
      %sub3A_1055 = arith.subf %get3A_1050, %get3A_1046 : vector<16xf32>
      %max3A_1056 = arith.constant 0.000000e+00 : f32
      %max3A_1057 = vector.broadcast %max3A_1056 : f32 to vector<16xf32>
      %max3A_1058 = arith.maximumf %max3A_1057, %sub3A_1055 : vector<16xf32>
      %sub3A_1059 = arith.subf %get3A_1052, %get3A_1048 : vector<16xf32>
      %max3A_1060 = arith.constant 0.000000e+00 : f32
      %max3A_1061 = vector.broadcast %max3A_1060 : f32 to vector<16xf32>
      %max3A_1062 = arith.maximumf %max3A_1061, %sub3A_1059 : vector<16xf32>
      %mul3A_1063 = arith.mulf %max3A_1058, %max3A_1062 : vector<16xf32>
      %max3A_1064 = arith.maximumf %gather3A_660, %get3A_1046 : vector<16xf32>
      %max3A_1065 = arith.maximumf %gather3A_661, %get3A_1048 : vector<16xf32>
      %min3A_1066 = arith.minimumf %gather3A_662, %get3A_1050 : vector<16xf32>
      %min3A_1067 = arith.minimumf %gather3A_663, %get3A_1052 : vector<16xf32>
      %sub3A_1068 = arith.subf %min3A_1066, %max3A_1064 : vector<16xf32>
      %max3A_1069 = arith.constant 0.000000e+00 : f32
      %max3A_1070 = vector.broadcast %max3A_1069 : f32 to vector<16xf32>
      %max3A_1071 = arith.maximumf %max3A_1070, %sub3A_1068 : vector<16xf32>
      %sub3A_1072 = arith.subf %min3A_1067, %max3A_1065 : vector<16xf32>
      %max3A_1073 = arith.constant 0.000000e+00 : f32
      %max3A_1074 = vector.broadcast %max3A_1073 : f32 to vector<16xf32>
      %max3A_1075 = arith.maximumf %max3A_1074, %sub3A_1072 : vector<16xf32>
      %mul3A_1076 = arith.mulf %max3A_1071, %max3A_1075 : vector<16xf32>
      %add3A_1077 = arith.addf %mul3A_671, %mul3A_1063 : vector<16xf32>
      %sub3A_1078 = arith.subf %add3A_1077, %mul3A_1076 : vector<16xf32>
      %add3A_1079 = arith.constant 9.99999971E-10 : f32
      %add3A_1080 = vector.broadcast %add3A_1079 : f32 to vector<16xf32>
      %add3A_1081 = arith.addf %sub3A_1078, %add3A_1080 : vector<16xf32>
      %div3A_1082 = arith.divf %mul3A_1076, %add3A_1081 : vector<16xf32>
      %add3A_1083 = arith.constant 96 : i32
      %add3A_1084 = vector.broadcast %add3A_1083 : i32 to vector<16xi32>
      %add3A_1085 = arith.addi %add3A_1084, %iota3A : vector<16xi32>
      %gt3A_1086 = arith.constant 4.500000e-01 : f32
      %gt3A_1087 = vector.broadcast %gt3A_1086 : f32 to vector<16xf32>
      %gt3A_1088 = arith.cmpf ogt, %div3A_1082, %gt3A_1087 : vector<16xf32>
      %eq3A_1089 = vector.broadcast %reduce_min3A_654 : i32 to vector<16xi32>
      %eq3A_1090 = arith.cmpi eq, %add3A_1085, %eq3A_1089 : vector<16xi32>
      %or3A_1091 = arith.ori %gt3A_1088, %eq3A_1090 : vector<16xi1>
      %and3A_1092 = vector.broadcast %gt3A_656 : i1 to vector<16xi1>
      %and3A_1093 = arith.andi %and3A_1092, %or3A_1091 : vector<16xi1>
      %jit3A_1094 = arith.constant 0xFF800000 : f32
      %broadcast_in_dim3A_1095 = vector.broadcast %jit3A_1094 : f32 to vector<16xf32>
      %select_n3A_1096 = arith.select %and3A_1093, %broadcast_in_dim3A_1095, %get3A_1054 : vector<16xi1>, vector<16xf32>
      %swap3A_1097 = arith.constant 96 : index
      %swap3A_1098 = tpu.vector_load %arg28[%swap3A_1097] {strides = array<i32>} : memref<192xf32, #tpu.memory_space<vmem>>, vector<16xf32>,
      tpu.vector_store %arg28[%swap3A_1097], %select_n3A_1096 {strides = array<i32>} : memref<192xf32, #tpu.memory_space<vmem>>, vector<16xf32>,
      %gt3A_1099 = arith.cmpf ogt, %select_n3A_1096, %select_n3A_1043 : vector<16xf32>
      %select_n3A_1100 = arith.select %gt3A_1099, %select_n3A_1096, %select_n3A_1043 : vector<16xi1>, vector<16xf32>
      %select_n3A_1101 = arith.select %gt3A_1099, %add3A_1085, %select_n3A_1044 : vector<16xi1>, vector<16xi32>
      %get3A_1102 = arith.constant 112 : index
      %get3A_1103 = tpu.vector_load %arg24[%get3A_1102] {strides = array<i32>} : memref<192xf32, #tpu.memory_space<vmem>>, vector<16xf32>,
      %get3A_1104 = arith.constant 112 : index
      %get3A_1105 = tpu.vector_load %arg25[%get3A_1104] {strides = array<i32>} : memref<192xf32, #tpu.memory_space<vmem>>, vector<16xf32>,
      %get3A_1106 = arith.constant 112 : index
      %get3A_1107 = tpu.vector_load %arg26[%get3A_1106] {strides = array<i32>} : memref<192xf32, #tpu.memory_space<vmem>>, vector<16xf32>,
      %get3A_1108 = arith.constant 112 : index
      %get3A_1109 = tpu.vector_load %arg27[%get3A_1108] {strides = array<i32>} : memref<192xf32, #tpu.memory_space<vmem>>, vector<16xf32>,
      %get3A_1110 = arith.constant 112 : index
      %get3A_1111 = tpu.vector_load %arg28[%get3A_1110] {strides = array<i32>} : memref<192xf32, #tpu.memory_space<vmem>>, vector<16xf32>,
      %sub3A_1112 = arith.subf %get3A_1107, %get3A_1103 : vector<16xf32>
      %max3A_1113 = arith.constant 0.000000e+00 : f32
      %max3A_1114 = vector.broadcast %max3A_1113 : f32 to vector<16xf32>
      %max3A_1115 = arith.maximumf %max3A_1114, %sub3A_1112 : vector<16xf32>
      %sub3A_1116 = arith.subf %get3A_1109, %get3A_1105 : vector<16xf32>
      %max3A_1117 = arith.constant 0.000000e+00 : f32
      %max3A_1118 = vector.broadcast %max3A_1117 : f32 to vector<16xf32>
      %max3A_1119 = arith.maximumf %max3A_1118, %sub3A_1116 : vector<16xf32>
      %mul3A_1120 = arith.mulf %max3A_1115, %max3A_1119 : vector<16xf32>
      %max3A_1121 = arith.maximumf %gather3A_660, %get3A_1103 : vector<16xf32>
      %max3A_1122 = arith.maximumf %gather3A_661, %get3A_1105 : vector<16xf32>
      %min3A_1123 = arith.minimumf %gather3A_662, %get3A_1107 : vector<16xf32>
      %min3A_1124 = arith.minimumf %gather3A_663, %get3A_1109 : vector<16xf32>
      %sub3A_1125 = arith.subf %min3A_1123, %max3A_1121 : vector<16xf32>
      %max3A_1126 = arith.constant 0.000000e+00 : f32
      %max3A_1127 = vector.broadcast %max3A_1126 : f32 to vector<16xf32>
      %max3A_1128 = arith.maximumf %max3A_1127, %sub3A_1125 : vector<16xf32>
      %sub3A_1129 = arith.subf %min3A_1124, %max3A_1122 : vector<16xf32>
      %max3A_1130 = arith.constant 0.000000e+00 : f32
      %max3A_1131 = vector.broadcast %max3A_1130 : f32 to vector<16xf32>
      %max3A_1132 = arith.maximumf %max3A_1131, %sub3A_1129 : vector<16xf32>
      %mul3A_1133 = arith.mulf %max3A_1128, %max3A_1132 : vector<16xf32>
      %add3A_1134 = arith.addf %mul3A_671, %mul3A_1120 : vector<16xf32>
      %sub3A_1135 = arith.subf %add3A_1134, %mul3A_1133 : vector<16xf32>
      %add3A_1136 = arith.constant 9.99999971E-10 : f32
      %add3A_1137 = vector.broadcast %add3A_1136 : f32 to vector<16xf32>
      %add3A_1138 = arith.addf %sub3A_1135, %add3A_1137 : vector<16xf32>
      %div3A_1139 = arith.divf %mul3A_1133, %add3A_1138 : vector<16xf32>
      %add3A_1140 = arith.constant 112 : i32
      %add3A_1141 = vector.broadcast %add3A_1140 : i32 to vector<16xi32>
      %add3A_1142 = arith.addi %add3A_1141, %iota3A : vector<16xi32>
      %gt3A_1143 = arith.constant 4.500000e-01 : f32
      %gt3A_1144 = vector.broadcast %gt3A_1143 : f32 to vector<16xf32>
      %gt3A_1145 = arith.cmpf ogt, %div3A_1139, %gt3A_1144 : vector<16xf32>
      %eq3A_1146 = vector.broadcast %reduce_min3A_654 : i32 to vector<16xi32>
      %eq3A_1147 = arith.cmpi eq, %add3A_1142, %eq3A_1146 : vector<16xi32>
      %or3A_1148 = arith.ori %gt3A_1145, %eq3A_1147 : vector<16xi1>
      %and3A_1149 = vector.broadcast %gt3A_656 : i1 to vector<16xi1>
      %and3A_1150 = arith.andi %and3A_1149, %or3A_1148 : vector<16xi1>
      %jit3A_1151 = arith.constant 0xFF800000 : f32
      %broadcast_in_dim3A_1152 = vector.broadcast %jit3A_1151 : f32 to vector<16xf32>
      %select_n3A_1153 = arith.select %and3A_1150, %broadcast_in_dim3A_1152, %get3A_1111 : vector<16xi1>, vector<16xf32>
      %swap3A_1154 = arith.constant 112 : index
      %swap3A_1155 = tpu.vector_load %arg28[%swap3A_1154] {strides = array<i32>} : memref<192xf32, #tpu.memory_space<vmem>>, vector<16xf32>,
      tpu.vector_store %arg28[%swap3A_1154], %select_n3A_1153 {strides = array<i32>} : memref<192xf32, #tpu.memory_space<vmem>>, vector<16xf32>,
      %gt3A_1156 = arith.cmpf ogt, %select_n3A_1153, %select_n3A_1100 : vector<16xf32>
      %select_n3A_1157 = arith.select %gt3A_1156, %select_n3A_1153, %select_n3A_1100 : vector<16xi1>, vector<16xf32>
      %select_n3A_1158 = arith.select %gt3A_1156, %add3A_1142, %select_n3A_1101 : vector<16xi1>, vector<16xi32>
      %get3A_1159 = arith.constant 128 : index
      %get3A_1160 = tpu.vector_load %arg24[%get3A_1159] {strides = array<i32>} : memref<192xf32, #tpu.memory_space<vmem>>, vector<16xf32>,
      %get3A_1161 = arith.constant 128 : index
      %get3A_1162 = tpu.vector_load %arg25[%get3A_1161] {strides = array<i32>} : memref<192xf32, #tpu.memory_space<vmem>>, vector<16xf32>,
      %get3A_1163 = arith.constant 128 : index
      %get3A_1164 = tpu.vector_load %arg26[%get3A_1163] {strides = array<i32>} : memref<192xf32, #tpu.memory_space<vmem>>, vector<16xf32>,
      %get3A_1165 = arith.constant 128 : index
      %get3A_1166 = tpu.vector_load %arg27[%get3A_1165] {strides = array<i32>} : memref<192xf32, #tpu.memory_space<vmem>>, vector<16xf32>,
      %get3A_1167 = arith.constant 128 : index
      %get3A_1168 = tpu.vector_load %arg28[%get3A_1167] {strides = array<i32>} : memref<192xf32, #tpu.memory_space<vmem>>, vector<16xf32>,
      %sub3A_1169 = arith.subf %get3A_1164, %get3A_1160 : vector<16xf32>
      %max3A_1170 = arith.constant 0.000000e+00 : f32
      %max3A_1171 = vector.broadcast %max3A_1170 : f32 to vector<16xf32>
      %max3A_1172 = arith.maximumf %max3A_1171, %sub3A_1169 : vector<16xf32>
      %sub3A_1173 = arith.subf %get3A_1166, %get3A_1162 : vector<16xf32>
      %max3A_1174 = arith.constant 0.000000e+00 : f32
      %max3A_1175 = vector.broadcast %max3A_1174 : f32 to vector<16xf32>
      %max3A_1176 = arith.maximumf %max3A_1175, %sub3A_1173 : vector<16xf32>
      %mul3A_1177 = arith.mulf %max3A_1172, %max3A_1176 : vector<16xf32>
      %max3A_1178 = arith.maximumf %gather3A_660, %get3A_1160 : vector<16xf32>
      %max3A_1179 = arith.maximumf %gather3A_661, %get3A_1162 : vector<16xf32>
      %min3A_1180 = arith.minimumf %gather3A_662, %get3A_1164 : vector<16xf32>
      %min3A_1181 = arith.minimumf %gather3A_663, %get3A_1166 : vector<16xf32>
      %sub3A_1182 = arith.subf %min3A_1180, %max3A_1178 : vector<16xf32>
      %max3A_1183 = arith.constant 0.000000e+00 : f32
      %max3A_1184 = vector.broadcast %max3A_1183 : f32 to vector<16xf32>
      %max3A_1185 = arith.maximumf %max3A_1184, %sub3A_1182 : vector<16xf32>
      %sub3A_1186 = arith.subf %min3A_1181, %max3A_1179 : vector<16xf32>
      %max3A_1187 = arith.constant 0.000000e+00 : f32
      %max3A_1188 = vector.broadcast %max3A_1187 : f32 to vector<16xf32>
      %max3A_1189 = arith.maximumf %max3A_1188, %sub3A_1186 : vector<16xf32>
      %mul3A_1190 = arith.mulf %max3A_1185, %max3A_1189 : vector<16xf32>
      %add3A_1191 = arith.addf %mul3A_671, %mul3A_1177 : vector<16xf32>
      %sub3A_1192 = arith.subf %add3A_1191, %mul3A_1190 : vector<16xf32>
      %add3A_1193 = arith.constant 9.99999971E-10 : f32
      %add3A_1194 = vector.broadcast %add3A_1193 : f32 to vector<16xf32>
      %add3A_1195 = arith.addf %sub3A_1192, %add3A_1194 : vector<16xf32>
      %div3A_1196 = arith.divf %mul3A_1190, %add3A_1195 : vector<16xf32>
      %add3A_1197 = arith.constant 128 : i32
      %add3A_1198 = vector.broadcast %add3A_1197 : i32 to vector<16xi32>
      %add3A_1199 = arith.addi %add3A_1198, %iota3A : vector<16xi32>
      %gt3A_1200 = arith.constant 4.500000e-01 : f32
      %gt3A_1201 = vector.broadcast %gt3A_1200 : f32 to vector<16xf32>
      %gt3A_1202 = arith.cmpf ogt, %div3A_1196, %gt3A_1201 : vector<16xf32>
      %eq3A_1203 = vector.broadcast %reduce_min3A_654 : i32 to vector<16xi32>
      %eq3A_1204 = arith.cmpi eq, %add3A_1199, %eq3A_1203 : vector<16xi32>
      %or3A_1205 = arith.ori %gt3A_1202, %eq3A_1204 : vector<16xi1>
      %and3A_1206 = vector.broadcast %gt3A_656 : i1 to vector<16xi1>
      %and3A_1207 = arith.andi %and3A_1206, %or3A_1205 : vector<16xi1>
      %jit3A_1208 = arith.constant 0xFF800000 : f32
      %broadcast_in_dim3A_1209 = vector.broadcast %jit3A_1208 : f32 to vector<16xf32>
      %select_n3A_1210 = arith.select %and3A_1207, %broadcast_in_dim3A_1209, %get3A_1168 : vector<16xi1>, vector<16xf32>
      %swap3A_1211 = arith.constant 128 : index
      %swap3A_1212 = tpu.vector_load %arg28[%swap3A_1211] {strides = array<i32>} : memref<192xf32, #tpu.memory_space<vmem>>, vector<16xf32>,
      tpu.vector_store %arg28[%swap3A_1211], %select_n3A_1210 {strides = array<i32>} : memref<192xf32, #tpu.memory_space<vmem>>, vector<16xf32>,
      %gt3A_1213 = arith.cmpf ogt, %select_n3A_1210, %select_n3A_1157 : vector<16xf32>
      %select_n3A_1214 = arith.select %gt3A_1213, %select_n3A_1210, %select_n3A_1157 : vector<16xi1>, vector<16xf32>
      %select_n3A_1215 = arith.select %gt3A_1213, %add3A_1199, %select_n3A_1158 : vector<16xi1>, vector<16xi32>
      %get3A_1216 = arith.constant 144 : index
      %get3A_1217 = tpu.vector_load %arg24[%get3A_1216] {strides = array<i32>} : memref<192xf32, #tpu.memory_space<vmem>>, vector<16xf32>,
      %get3A_1218 = arith.constant 144 : index
      %get3A_1219 = tpu.vector_load %arg25[%get3A_1218] {strides = array<i32>} : memref<192xf32, #tpu.memory_space<vmem>>, vector<16xf32>,
      %get3A_1220 = arith.constant 144 : index
      %get3A_1221 = tpu.vector_load %arg26[%get3A_1220] {strides = array<i32>} : memref<192xf32, #tpu.memory_space<vmem>>, vector<16xf32>,
      %get3A_1222 = arith.constant 144 : index
      %get3A_1223 = tpu.vector_load %arg27[%get3A_1222] {strides = array<i32>} : memref<192xf32, #tpu.memory_space<vmem>>, vector<16xf32>,
      %get3A_1224 = arith.constant 144 : index
      %get3A_1225 = tpu.vector_load %arg28[%get3A_1224] {strides = array<i32>} : memref<192xf32, #tpu.memory_space<vmem>>, vector<16xf32>,
      %sub3A_1226 = arith.subf %get3A_1221, %get3A_1217 : vector<16xf32>
      %max3A_1227 = arith.constant 0.000000e+00 : f32
      %max3A_1228 = vector.broadcast %max3A_1227 : f32 to vector<16xf32>
      %max3A_1229 = arith.maximumf %max3A_1228, %sub3A_1226 : vector<16xf32>
      %sub3A_1230 = arith.subf %get3A_1223, %get3A_1219 : vector<16xf32>
      %max3A_1231 = arith.constant 0.000000e+00 : f32
      %max3A_1232 = vector.broadcast %max3A_1231 : f32 to vector<16xf32>
      %max3A_1233 = arith.maximumf %max3A_1232, %sub3A_1230 : vector<16xf32>
      %mul3A_1234 = arith.mulf %max3A_1229, %max3A_1233 : vector<16xf32>
      %max3A_1235 = arith.maximumf %gather3A_660, %get3A_1217 : vector<16xf32>
      %max3A_1236 = arith.maximumf %gather3A_661, %get3A_1219 : vector<16xf32>
      %min3A_1237 = arith.minimumf %gather3A_662, %get3A_1221 : vector<16xf32>
      %min3A_1238 = arith.minimumf %gather3A_663, %get3A_1223 : vector<16xf32>
      %sub3A_1239 = arith.subf %min3A_1237, %max3A_1235 : vector<16xf32>
      %max3A_1240 = arith.constant 0.000000e+00 : f32
      %max3A_1241 = vector.broadcast %max3A_1240 : f32 to vector<16xf32>
      %max3A_1242 = arith.maximumf %max3A_1241, %sub3A_1239 : vector<16xf32>
      %sub3A_1243 = arith.subf %min3A_1238, %max3A_1236 : vector<16xf32>
      %max3A_1244 = arith.constant 0.000000e+00 : f32
      %max3A_1245 = vector.broadcast %max3A_1244 : f32 to vector<16xf32>
      %max3A_1246 = arith.maximumf %max3A_1245, %sub3A_1243 : vector<16xf32>
      %mul3A_1247 = arith.mulf %max3A_1242, %max3A_1246 : vector<16xf32>
      %add3A_1248 = arith.addf %mul3A_671, %mul3A_1234 : vector<16xf32>
      %sub3A_1249 = arith.subf %add3A_1248, %mul3A_1247 : vector<16xf32>
      %add3A_1250 = arith.constant 9.99999971E-10 : f32
      %add3A_1251 = vector.broadcast %add3A_1250 : f32 to vector<16xf32>
      %add3A_1252 = arith.addf %sub3A_1249, %add3A_1251 : vector<16xf32>
      %div3A_1253 = arith.divf %mul3A_1247, %add3A_1252 : vector<16xf32>
      %add3A_1254 = arith.constant 144 : i32
      %add3A_1255 = vector.broadcast %add3A_1254 : i32 to vector<16xi32>
      %add3A_1256 = arith.addi %add3A_1255, %iota3A : vector<16xi32>
      %gt3A_1257 = arith.constant 4.500000e-01 : f32
      %gt3A_1258 = vector.broadcast %gt3A_1257 : f32 to vector<16xf32>
      %gt3A_1259 = arith.cmpf ogt, %div3A_1253, %gt3A_1258 : vector<16xf32>
      %eq3A_1260 = vector.broadcast %reduce_min3A_654 : i32 to vector<16xi32>
      %eq3A_1261 = arith.cmpi eq, %add3A_1256, %eq3A_1260 : vector<16xi32>
      %or3A_1262 = arith.ori %gt3A_1259, %eq3A_1261 : vector<16xi1>
      %and3A_1263 = vector.broadcast %gt3A_656 : i1 to vector<16xi1>
      %and3A_1264 = arith.andi %and3A_1263, %or3A_1262 : vector<16xi1>
      %jit3A_1265 = arith.constant 0xFF800000 : f32
      %broadcast_in_dim3A_1266 = vector.broadcast %jit3A_1265 : f32 to vector<16xf32>
      %select_n3A_1267 = arith.select %and3A_1264, %broadcast_in_dim3A_1266, %get3A_1225 : vector<16xi1>, vector<16xf32>
      %swap3A_1268 = arith.constant 144 : index
      %swap3A_1269 = tpu.vector_load %arg28[%swap3A_1268] {strides = array<i32>} : memref<192xf32, #tpu.memory_space<vmem>>, vector<16xf32>,
      tpu.vector_store %arg28[%swap3A_1268], %select_n3A_1267 {strides = array<i32>} : memref<192xf32, #tpu.memory_space<vmem>>, vector<16xf32>,
      %gt3A_1270 = arith.cmpf ogt, %select_n3A_1267, %select_n3A_1214 : vector<16xf32>
      %select_n3A_1271 = arith.select %gt3A_1270, %select_n3A_1267, %select_n3A_1214 : vector<16xi1>, vector<16xf32>
      %select_n3A_1272 = arith.select %gt3A_1270, %add3A_1256, %select_n3A_1215 : vector<16xi1>, vector<16xi32>
      %get3A_1273 = arith.constant 160 : index
      %get3A_1274 = tpu.vector_load %arg24[%get3A_1273] {strides = array<i32>} : memref<192xf32, #tpu.memory_space<vmem>>, vector<16xf32>,
      %get3A_1275 = arith.constant 160 : index
      %get3A_1276 = tpu.vector_load %arg25[%get3A_1275] {strides = array<i32>} : memref<192xf32, #tpu.memory_space<vmem>>, vector<16xf32>,
      %get3A_1277 = arith.constant 160 : index
      %get3A_1278 = tpu.vector_load %arg26[%get3A_1277] {strides = array<i32>} : memref<192xf32, #tpu.memory_space<vmem>>, vector<16xf32>,
      %get3A_1279 = arith.constant 160 : index
      %get3A_1280 = tpu.vector_load %arg27[%get3A_1279] {strides = array<i32>} : memref<192xf32, #tpu.memory_space<vmem>>, vector<16xf32>,
      %get3A_1281 = arith.constant 160 : index
      %get3A_1282 = tpu.vector_load %arg28[%get3A_1281] {strides = array<i32>} : memref<192xf32, #tpu.memory_space<vmem>>, vector<16xf32>,
      %sub3A_1283 = arith.subf %get3A_1278, %get3A_1274 : vector<16xf32>
      %max3A_1284 = arith.constant 0.000000e+00 : f32
      %max3A_1285 = vector.broadcast %max3A_1284 : f32 to vector<16xf32>
      %max3A_1286 = arith.maximumf %max3A_1285, %sub3A_1283 : vector<16xf32>
      %sub3A_1287 = arith.subf %get3A_1280, %get3A_1276 : vector<16xf32>
      %max3A_1288 = arith.constant 0.000000e+00 : f32
      %max3A_1289 = vector.broadcast %max3A_1288 : f32 to vector<16xf32>
      %max3A_1290 = arith.maximumf %max3A_1289, %sub3A_1287 : vector<16xf32>
      %mul3A_1291 = arith.mulf %max3A_1286, %max3A_1290 : vector<16xf32>
      %max3A_1292 = arith.maximumf %gather3A_660, %get3A_1274 : vector<16xf32>
      %max3A_1293 = arith.maximumf %gather3A_661, %get3A_1276 : vector<16xf32>
      %min3A_1294 = arith.minimumf %gather3A_662, %get3A_1278 : vector<16xf32>
      %min3A_1295 = arith.minimumf %gather3A_663, %get3A_1280 : vector<16xf32>
      %sub3A_1296 = arith.subf %min3A_1294, %max3A_1292 : vector<16xf32>
      %max3A_1297 = arith.constant 0.000000e+00 : f32
      %max3A_1298 = vector.broadcast %max3A_1297 : f32 to vector<16xf32>
      %max3A_1299 = arith.maximumf %max3A_1298, %sub3A_1296 : vector<16xf32>
      %sub3A_1300 = arith.subf %min3A_1295, %max3A_1293 : vector<16xf32>
      %max3A_1301 = arith.constant 0.000000e+00 : f32
      %max3A_1302 = vector.broadcast %max3A_1301 : f32 to vector<16xf32>
      %max3A_1303 = arith.maximumf %max3A_1302, %sub3A_1300 : vector<16xf32>
      %mul3A_1304 = arith.mulf %max3A_1299, %max3A_1303 : vector<16xf32>
      %add3A_1305 = arith.addf %mul3A_671, %mul3A_1291 : vector<16xf32>
      %sub3A_1306 = arith.subf %add3A_1305, %mul3A_1304 : vector<16xf32>
      %add3A_1307 = arith.constant 9.99999971E-10 : f32
      %add3A_1308 = vector.broadcast %add3A_1307 : f32 to vector<16xf32>
      %add3A_1309 = arith.addf %sub3A_1306, %add3A_1308 : vector<16xf32>
      %div3A_1310 = arith.divf %mul3A_1304, %add3A_1309 : vector<16xf32>
      %add3A_1311 = arith.constant 160 : i32
      %add3A_1312 = vector.broadcast %add3A_1311 : i32 to vector<16xi32>
      %add3A_1313 = arith.addi %add3A_1312, %iota3A : vector<16xi32>
      %gt3A_1314 = arith.constant 4.500000e-01 : f32
      %gt3A_1315 = vector.broadcast %gt3A_1314 : f32 to vector<16xf32>
      %gt3A_1316 = arith.cmpf ogt, %div3A_1310, %gt3A_1315 : vector<16xf32>
      %eq3A_1317 = vector.broadcast %reduce_min3A_654 : i32 to vector<16xi32>
      %eq3A_1318 = arith.cmpi eq, %add3A_1313, %eq3A_1317 : vector<16xi32>
      %or3A_1319 = arith.ori %gt3A_1316, %eq3A_1318 : vector<16xi1>
      %and3A_1320 = vector.broadcast %gt3A_656 : i1 to vector<16xi1>
      %and3A_1321 = arith.andi %and3A_1320, %or3A_1319 : vector<16xi1>
      %jit3A_1322 = arith.constant 0xFF800000 : f32
      %broadcast_in_dim3A_1323 = vector.broadcast %jit3A_1322 : f32 to vector<16xf32>
      %select_n3A_1324 = arith.select %and3A_1321, %broadcast_in_dim3A_1323, %get3A_1282 : vector<16xi1>, vector<16xf32>
      %swap3A_1325 = arith.constant 160 : index
      %swap3A_1326 = tpu.vector_load %arg28[%swap3A_1325] {strides = array<i32>} : memref<192xf32, #tpu.memory_space<vmem>>, vector<16xf32>,
      tpu.vector_store %arg28[%swap3A_1325], %select_n3A_1324 {strides = array<i32>} : memref<192xf32, #tpu.memory_space<vmem>>, vector<16xf32>,
      %gt3A_1327 = arith.cmpf ogt, %select_n3A_1324, %select_n3A_1271 : vector<16xf32>
      %select_n3A_1328 = arith.select %gt3A_1327, %select_n3A_1324, %select_n3A_1271 : vector<16xi1>, vector<16xf32>
      %select_n3A_1329 = arith.select %gt3A_1327, %add3A_1313, %select_n3A_1272 : vector<16xi1>, vector<16xi32>
      %get3A_1330 = arith.constant 176 : index
      %get3A_1331 = tpu.vector_load %arg24[%get3A_1330] {strides = array<i32>} : memref<192xf32, #tpu.memory_space<vmem>>, vector<16xf32>,
      %get3A_1332 = arith.constant 176 : index
      %get3A_1333 = tpu.vector_load %arg25[%get3A_1332] {strides = array<i32>} : memref<192xf32, #tpu.memory_space<vmem>>, vector<16xf32>,
      %get3A_1334 = arith.constant 176 : index
      %get3A_1335 = tpu.vector_load %arg26[%get3A_1334] {strides = array<i32>} : memref<192xf32, #tpu.memory_space<vmem>>, vector<16xf32>,
      %get3A_1336 = arith.constant 176 : index
      %get3A_1337 = tpu.vector_load %arg27[%get3A_1336] {strides = array<i32>} : memref<192xf32, #tpu.memory_space<vmem>>, vector<16xf32>,
      %get3A_1338 = arith.constant 176 : index
      %get3A_1339 = tpu.vector_load %arg28[%get3A_1338] {strides = array<i32>} : memref<192xf32, #tpu.memory_space<vmem>>, vector<16xf32>,
      %sub3A_1340 = arith.subf %get3A_1335, %get3A_1331 : vector<16xf32>
      %max3A_1341 = arith.constant 0.000000e+00 : f32
      %max3A_1342 = vector.broadcast %max3A_1341 : f32 to vector<16xf32>
      %max3A_1343 = arith.maximumf %max3A_1342, %sub3A_1340 : vector<16xf32>
      %sub3A_1344 = arith.subf %get3A_1337, %get3A_1333 : vector<16xf32>
      %max3A_1345 = arith.constant 0.000000e+00 : f32
      %max3A_1346 = vector.broadcast %max3A_1345 : f32 to vector<16xf32>
      %max3A_1347 = arith.maximumf %max3A_1346, %sub3A_1344 : vector<16xf32>
      %mul3A_1348 = arith.mulf %max3A_1343, %max3A_1347 : vector<16xf32>
      %max3A_1349 = arith.maximumf %gather3A_660, %get3A_1331 : vector<16xf32>
      %max3A_1350 = arith.maximumf %gather3A_661, %get3A_1333 : vector<16xf32>
      %min3A_1351 = arith.minimumf %gather3A_662, %get3A_1335 : vector<16xf32>
      %min3A_1352 = arith.minimumf %gather3A_663, %get3A_1337 : vector<16xf32>
      %sub3A_1353 = arith.subf %min3A_1351, %max3A_1349 : vector<16xf32>
      %max3A_1354 = arith.constant 0.000000e+00 : f32
      %max3A_1355 = vector.broadcast %max3A_1354 : f32 to vector<16xf32>
      %max3A_1356 = arith.maximumf %max3A_1355, %sub3A_1353 : vector<16xf32>
      %sub3A_1357 = arith.subf %min3A_1352, %max3A_1350 : vector<16xf32>
      %max3A_1358 = arith.constant 0.000000e+00 : f32
      %max3A_1359 = vector.broadcast %max3A_1358 : f32 to vector<16xf32>
      %max3A_1360 = arith.maximumf %max3A_1359, %sub3A_1357 : vector<16xf32>
      %mul3A_1361 = arith.mulf %max3A_1356, %max3A_1360 : vector<16xf32>
      %add3A_1362 = arith.addf %mul3A_671, %mul3A_1348 : vector<16xf32>
      %sub3A_1363 = arith.subf %add3A_1362, %mul3A_1361 : vector<16xf32>
      %add3A_1364 = arith.constant 9.99999971E-10 : f32
      %add3A_1365 = vector.broadcast %add3A_1364 : f32 to vector<16xf32>
      %add3A_1366 = arith.addf %sub3A_1363, %add3A_1365 : vector<16xf32>
      %div3A_1367 = arith.divf %mul3A_1361, %add3A_1366 : vector<16xf32>
      %add3A_1368 = arith.constant 176 : i32
      %add3A_1369 = vector.broadcast %add3A_1368 : i32 to vector<16xi32>
      %add3A_1370 = arith.addi %add3A_1369, %iota3A : vector<16xi32>
      %gt3A_1371 = arith.constant 4.500000e-01 : f32
      %gt3A_1372 = vector.broadcast %gt3A_1371 : f32 to vector<16xf32>
      %gt3A_1373 = arith.cmpf ogt, %div3A_1367, %gt3A_1372 : vector<16xf32>
      %eq3A_1374 = vector.broadcast %reduce_min3A_654 : i32 to vector<16xi32>
      %eq3A_1375 = arith.cmpi eq, %add3A_1370, %eq3A_1374 : vector<16xi32>
      %or3A_1376 = arith.ori %gt3A_1373, %eq3A_1375 : vector<16xi1>
      %and3A_1377 = vector.broadcast %gt3A_656 : i1 to vector<16xi1>
      %and3A_1378 = arith.andi %and3A_1377, %or3A_1376 : vector<16xi1>
      %jit3A_1379 = arith.constant 0xFF800000 : f32
      %broadcast_in_dim3A_1380 = vector.broadcast %jit3A_1379 : f32 to vector<16xf32>
      %select_n3A_1381 = arith.select %and3A_1378, %broadcast_in_dim3A_1380, %get3A_1339 : vector<16xi1>, vector<16xf32>
      %swap3A_1382 = arith.constant 176 : index
      %swap3A_1383 = tpu.vector_load %arg28[%swap3A_1382] {strides = array<i32>} : memref<192xf32, #tpu.memory_space<vmem>>, vector<16xf32>,
      tpu.vector_store %arg28[%swap3A_1382], %select_n3A_1381 {strides = array<i32>} : memref<192xf32, #tpu.memory_space<vmem>>, vector<16xf32>,
      %gt3A_1384 = arith.cmpf ogt, %select_n3A_1381, %select_n3A_1328 : vector<16xf32>
      %select_n3A_1385 = arith.select %gt3A_1384, %select_n3A_1381, %select_n3A_1328 : vector<16xi1>, vector<16xf32>
      %select_n3A_1386 = arith.select %gt3A_1384, %add3A_1370, %select_n3A_1329 : vector<16xi1>, vector<16xi32>
      %jit3A_1387 = arith.constant 1 : i32
      %jit3A_1388 = arith.constant 0 : i32
      %select_n3A_1389 = arith.select %gt3A_656, %jit3A_1387, %jit3A_1388 : i32
      %add3A_1390 = arith.addi %scan3A_638, %select_n3A_1389 : i32
      scf.yield %select_n3A_1385, %select_n3A_1386, %add3A_1390 : vector<16xf32>, vector<16xi32>, i32
    }
    %scan3A_624 = arith.constant 100 : i32
    %not3A = arith.constant true
    %not3A_625 = arith.xori %le3A_283, %not3A : i1
    %lt3A_626 = arith.constant 100 : i32
    %lt3A_627 = arith.cmpi slt, %scan3A_623#2, %lt3A_626 : i32
    %and3A_628 = arith.andi %lt3A_284, %lt3A_627 : i1
    %or3A = arith.ori %not3A_625, %and3A_628 : i1
    %convert_element_type3A = arith.extui %or3A : i1 to i32
    %cond3A = arith.constant 0 : i32
    %cond3A_629 = arith.cmpi ne, %convert_element_type3A, %cond3A : i32
    scf.if %cond3A_629 {
      %scan3A_635 = arith.constant 0 : i32
      %scan3A_636 = arith.constant 0 : i32
      %scan3A_637 = arith.constant 100 : i32
      %scan3A_638 = arith.addi %scan3A_636, %scan3A_637 : i32
      %scan3A_639 = arith.constant 1 : i32
      scf.for %scan3A_641 = %scan3A_636 to %scan3A_638 step %scan3A_639  : i32 {
        %broadcast_in_dim3A_642 = arith.constant 0xFF800000 : f32
        %broadcast_in_dim3A_643 = vector.broadcast %broadcast_in_dim3A_642 : f32 to vector<16xf32>
        %scan3A_644 = arith.constant 0 : i32
        %scan3A_645 = arith.constant 80 : i32
        %scan3A_646 = arith.addi %scan3A_644, %scan3A_645 : i32
        %scan3A_647 = arith.constant 1 : i32
        %scan3A_648:2 = scf.for %scan3A_828 = %scan3A_644 to %scan3A_646 step %scan3A_647 iter_args(%scan3A_829 = %broadcast_in_dim3A_643, %scan3A_830 = %broadcast_in_dim3A_19) -> (vector<16xf32>, vector<16xi32>)  : i32 {
          %mul3A_831 = arith.constant 16 : i32
          %mul3A_832 = arith.muli %scan3A_828, %mul3A_831 : i32
          %get3A_833 = arith.index_cast %mul3A_832 : i32 to index
          %get3A_834 = tpu.vector_load %arg12[%get3A_833] {strides = array<i32>} : memref<1280xf32, #tpu.memory_space<vmem>>, vector<16xf32>,
          %mul3A_835 = arith.constant 16 : i32
          %mul3A_836 = arith.muli %scan3A_828, %mul3A_835 : i32
          %add3A_837 = arith.addi %mul3A_0, %mul3A_836 : i32
          %add3A_838 = vector.broadcast %add3A_837 : i32 to vector<16xi32>
          %add3A_839 = arith.addi %add3A_838, %iota3A : vector<16xi32>
          %gt3A_840 = arith.cmpf ogt, %get3A_834, %scan3A_829 : vector<16xf32>
          %select_n3A_841 = arith.select %gt3A_840, %get3A_834, %scan3A_829 : vector<16xi1>, vector<16xf32>
          %select_n3A_842 = arith.select %gt3A_840, %add3A_839, %scan3A_830 : vector<16xi1>, vector<16xi32>
          scf.yield %select_n3A_841, %select_n3A_842 : vector<16xf32>, vector<16xi32>
        }
        %scan3A_649 = arith.constant 80 : i32
        %reduce_max3A = arith.constant true
        %reduce_max3A_650 = vector.broadcast %reduce_max3A : i1 to vector<16xi1>
        %reduce_max3A_651 = tpu.scan <max>, %scan3A_648#0 masked %reduce_max3A_650 : vector<16xf32>, vector<16xi1> -> vector<16xf32>
        %reduce_max3A_652 = vector.extract %reduce_max3A_651[15] : f32 from vector<16xf32>
        %eq3A_653 = vector.broadcast %reduce_max3A_652 : f32 to vector<16xf32>
        %eq3A_654 = arith.cmpf oeq, %scan3A_648#0, %eq3A_653 : vector<16xf32>
        %jit3A_655 = arith.constant 1073741824 : i32
        %broadcast_in_dim3A_656 = vector.broadcast %jit3A_655 : i32 to vector<16xi32>
        %select_n3A_657 = arith.select %eq3A_654, %scan3A_648#1, %broadcast_in_dim3A_656 : vector<16xi1>, vector<16xi32>
        %reduce_min3A_658 = arith.constant true
        %reduce_min3A_659 = vector.broadcast %reduce_min3A_658 : i1 to vector<16xi1>
        %reduce_min3A_660 = arith.constant -2147483648 : i32
        %reduce_min3A_661 = vector.broadcast %reduce_min3A_660 : i32 to vector<16xi32>
        %reduce_min3A_662 = arith.xori %select_n3A_657, %reduce_min3A_661 : vector<16xi32>
        %reduce_min3A_663 = tpu.scan <min>, %reduce_min3A_662 masked %reduce_min3A_659 : vector<16xi32>, vector<16xi1> -> vector<16xi32>
        %reduce_min3A_664 = arith.xori %reduce_min3A_663, %reduce_min3A_661 : vector<16xi32>
        %reduce_min3A_665 = vector.extract %reduce_min3A_664[15] : i32 from vector<16xi32>
        %gt3A_666 = arith.constant 0xFF800000 : f32
        %gt3A_667 = arith.cmpf ogt, %reduce_max3A_652, %gt3A_666 : f32
        %sub3A_668 = arith.subi %reduce_min3A_665, %mul3A_0 : i32
        %jit3A_669 = arith.constant 0 : i32
        %select_n3A_670 = arith.select %gt3A_667, %sub3A_668, %jit3A_669 : i32
        %broadcast_in_dim3A_671 = vector.broadcast %select_n3A_670 : i32 to vector<16xi32>
        %gather3A_672 = tpu.vector_load_idx %arg8[%broadcast_in_dim3A_671] : memref<1280xf32, #tpu.memory_space<vmem>>[vector<16xi32>], vector<16xf32>,
        %gather3A_673 = tpu.vector_load_idx %arg9[%broadcast_in_dim3A_671] : memref<1280xf32, #tpu.memory_space<vmem>>[vector<16xi32>], vector<16xf32>,
        %gather3A_674 = tpu.vector_load_idx %arg10[%broadcast_in_dim3A_671] : memref<1280xf32, #tpu.memory_space<vmem>>[vector<16xi32>], vector<16xf32>,
        %gather3A_675 = tpu.vector_load_idx %arg11[%broadcast_in_dim3A_671] : memref<1280xf32, #tpu.memory_space<vmem>>[vector<16xi32>], vector<16xf32>,
        %gather3A_676 = tpu.vector_load_idx %arg13[%broadcast_in_dim3A_671] : memref<1280xf32, #tpu.memory_space<vmem>>[vector<16xi32>], vector<16xf32>,
        %jit3A_677 = arith.constant 1073741824 : i32
        %select_n3A_678 = arith.select %gt3A_667, %reduce_min3A_665, %jit3A_677 : i32
        %broadcast_in_dim3A_679 = vector.broadcast %select_n3A_678 : i32 to vector<16xi32>
        %bitcast3A_680 = vector.bitcast %broadcast_in_dim3A_679 : vector<16xi32> to vector<16xf32>
        %broadcast_in_dim3A_681 = vector.broadcast %reduce_max3A_652 : f32 to vector<16xf32>
        %eq3A_682 = arith.constant 0 : i32
        %eq3A_683 = vector.broadcast %eq3A_682 : i32 to vector<16xi32>
        %eq3A_684 = arith.cmpi eq, %iota3A, %eq3A_683 : vector<16xi32>
        %eq3A_685 = arith.constant 1 : i32
        %eq3A_686 = vector.broadcast %eq3A_685 : i32 to vector<16xi32>
        %eq3A_687 = arith.cmpi eq, %iota3A, %eq3A_686 : vector<16xi32>
        %eq3A_688 = arith.constant 2 : i32
        %eq3A_689 = vector.broadcast %eq3A_688 : i32 to vector<16xi32>
        %eq3A_690 = arith.cmpi eq, %iota3A, %eq3A_689 : vector<16xi32>
        %eq3A_691 = arith.constant 3 : i32
        %eq3A_692 = vector.broadcast %eq3A_691 : i32 to vector<16xi32>
        %eq3A_693 = arith.cmpi eq, %iota3A, %eq3A_692 : vector<16xi32>
        %eq3A_694 = arith.constant 4 : i32
        %eq3A_695 = vector.broadcast %eq3A_694 : i32 to vector<16xi32>
        %eq3A_696 = arith.cmpi eq, %iota3A, %eq3A_695 : vector<16xi32>
        %eq3A_697 = arith.constant 5 : i32
        %eq3A_698 = vector.broadcast %eq3A_697 : i32 to vector<16xi32>
        %eq3A_699 = arith.cmpi eq, %iota3A, %eq3A_698 : vector<16xi32>
        %eq3A_700 = arith.constant 6 : i32
        %eq3A_701 = vector.broadcast %eq3A_700 : i32 to vector<16xi32>
        %eq3A_702 = arith.cmpi eq, %iota3A, %eq3A_701 : vector<16xi32>
        %broadcast_in_dim3A_703 = arith.constant 0.000000e+00 : f32
        %broadcast_in_dim3A_704 = vector.broadcast %broadcast_in_dim3A_703 : f32 to vector<16xf32>
        %select_n3A_705 = arith.select %eq3A_702, %gather3A_676, %broadcast_in_dim3A_704 : vector<16xi1>, vector<16xf32>
        %select_n3A_706 = arith.select %eq3A_699, %gather3A_675, %select_n3A_705 : vector<16xi1>, vector<16xf32>
        %select_n3A_707 = arith.select %eq3A_696, %gather3A_674, %select_n3A_706 : vector<16xi1>, vector<16xf32>
        %select_n3A_708 = arith.select %eq3A_693, %gather3A_673, %select_n3A_707 : vector<16xi1>, vector<16xf32>
        %select_n3A_709 = arith.select %eq3A_690, %gather3A_672, %select_n3A_708 : vector<16xi1>, vector<16xf32>
        %select_n3A_710 = arith.select %eq3A_687, %bitcast3A_680, %select_n3A_709 : vector<16xi1>, vector<16xf32>
        %select_n3A_711 = arith.select %eq3A_684, %broadcast_in_dim3A_681, %select_n3A_710 : vector<16xi1>, vector<16xf32>
        %swap3A_712 = arith.constant 0 : index
        %swap3A_713 = tpu.vector_load %arg14[%swap3A_712] {strides = array<i32>} : memref<16xf32, #tpu.memory_space<vmem>>, vector<16xf32>,
        tpu.vector_store %arg14[%swap3A_712], %select_n3A_711 {strides = array<i32>} : memref<16xf32, #tpu.memory_space<vmem>>, vector<16xf32>,
        %rem3A_714 = arith.constant 2 : i32
        %rem3A_715 = arith.remsi %scan3A_641, %rem3A_714 : i32
        %mul3A_716 = arith.constant 256 : i32
        %mul3A_717 = arith.muli %rem3A_715, %mul3A_716 : i32
        %mul3A_718 = arith.constant 16 : i32
        %mul3A_719 = arith.muli %arg1, %mul3A_718 : i32
        %add3A_720 = arith.addi %mul3A_717, %mul3A_719 : i32
        "tpu.region"() ({
          %run_scoped3A = tpu.sem_alloc : memref<!tpu.dma_semaphore, #tpu.memory_space<semaphore_mem>>
          %dma_start3A_828 = tpu.memref_slice %arg29[%add3A_720] : memref<768xf32, #tpu.memory_space<vmem_shared>> -> memref<16xf32, #tpu.memory_space<vmem_shared>>
          %dma_start3A_829 = tpu.memref_slice %arg29[%add3A_720] : memref<768xf32, #tpu.memory_space<vmem_shared>> -> memref<16xf32, #tpu.memory_space<vmem_shared>>
          tpu.enqueue_dma source(%arg14 : memref<16xf32, #tpu.memory_space<vmem>>) target(%dma_start3A_829 : memref<16xf32, #tpu.memory_space<vmem_shared>>) target_semaphore(%run_scoped3A : memref<!tpu.dma_semaphore, #tpu.memory_space<semaphore_mem>>)
          %dma_wait3A_830 = tpu.memref_slice %arg29[%add3A_720] : memref<768xf32, #tpu.memory_space<vmem_shared>> -> memref<16xf32, #tpu.memory_space<vmem_shared>>
          %dma_wait3A_831 = tpu.memref_slice %arg29[%add3A_720] : memref<768xf32, #tpu.memory_space<vmem_shared>> -> memref<16xf32, #tpu.memory_space<vmem_shared>>
          tpu.wait_dma2 semaphore(%run_scoped3A : memref<!tpu.dma_semaphore, #tpu.memory_space<semaphore_mem>>) src(%arg14 : memref<16xf32, #tpu.memory_space<vmem>>) dst(%dma_wait3A_831 : memref<16xf32, #tpu.memory_space<vmem_shared>>)
          tpu.yield
        }) : () -> ()
        %barrier3A_721 = arith.constant 0 : index
        tpu.barrier barrier_id(%barrier3A_721)
        %mul3A_722 = arith.constant 256 : i32
        %mul3A_723 = arith.muli %rem3A_715, %mul3A_722 : i32
        "tpu.region"() ({
          %run_scoped3A = tpu.sem_alloc : memref<!tpu.dma_semaphore, #tpu.memory_space<semaphore_mem>>
          %dma_start3A_828 = tpu.memref_slice %arg29[%mul3A_723] : memref<768xf32, #tpu.memory_space<vmem_shared>> -> memref<256xf32, #tpu.memory_space<vmem_shared>>
          %dma_start3A_829 = tpu.memref_slice %arg29[%mul3A_723] : memref<768xf32, #tpu.memory_space<vmem_shared>> -> memref<256xf32, #tpu.memory_space<vmem_shared>>
          tpu.enqueue_dma source(%dma_start3A_829 : memref<256xf32, #tpu.memory_space<vmem_shared>>) target(%arg15 : memref<256xf32, #tpu.memory_space<vmem>>) target_semaphore(%run_scoped3A : memref<!tpu.dma_semaphore, #tpu.memory_space<semaphore_mem>>)
          %dma_wait3A_830 = tpu.memref_slice %arg29[%mul3A_723] : memref<768xf32, #tpu.memory_space<vmem_shared>> -> memref<256xf32, #tpu.memory_space<vmem_shared>>
          %dma_wait3A_831 = tpu.memref_slice %arg29[%mul3A_723] : memref<768xf32, #tpu.memory_space<vmem_shared>> -> memref<256xf32, #tpu.memory_space<vmem_shared>>
          tpu.wait_dma2 semaphore(%run_scoped3A : memref<!tpu.dma_semaphore, #tpu.memory_space<semaphore_mem>>) src(%dma_wait3A_831 : memref<256xf32, #tpu.memory_space<vmem_shared>>) dst(%arg15 : memref<256xf32, #tpu.memory_space<vmem>>)
          tpu.yield
        }) : () -> ()
        %gather3A_724 = tpu.vector_load_idx %arg15[%mul3A_132] : memref<256xf32, #tpu.memory_space<vmem>>[vector<16xi32>], vector<16xf32>,
        %add3A_725 = arith.constant 1 : i32
        %add3A_726 = vector.broadcast %add3A_725 : i32 to vector<16xi32>
        %add3A_727 = arith.addi %mul3A_132, %add3A_726 : vector<16xi32>
        %gather3A_728 = tpu.vector_load_idx %arg15[%add3A_727] : memref<256xf32, #tpu.memory_space<vmem>>[vector<16xi32>], vector<16xf32>,
        %bitcast3A_729 = vector.bitcast %gather3A_728 : vector<16xf32> to vector<16xi32>
        %reduce_max3A_730 = arith.constant true
        %reduce_max3A_731 = vector.broadcast %reduce_max3A_730 : i1 to vector<16xi1>
        %reduce_max3A_732 = tpu.scan <max>, %gather3A_724 masked %reduce_max3A_731 : vector<16xf32>, vector<16xi1> -> vector<16xf32>
        %reduce_max3A_733 = vector.extract %reduce_max3A_732[15] : f32 from vector<16xf32>
        %eq3A_734 = vector.broadcast %reduce_max3A_733 : f32 to vector<16xf32>
        %eq3A_735 = arith.cmpf oeq, %gather3A_724, %eq3A_734 : vector<16xf32>
        %jit3A_736 = arith.constant 1073741824 : i32
        %broadcast_in_dim3A_737 = vector.broadcast %jit3A_736 : i32 to vector<16xi32>
        %select_n3A_738 = arith.select %eq3A_735, %bitcast3A_729, %broadcast_in_dim3A_737 : vector<16xi1>, vector<16xi32>
        %reduce_min3A_739 = arith.constant true
        %reduce_min3A_740 = vector.broadcast %reduce_min3A_739 : i1 to vector<16xi1>
        %reduce_min3A_741 = arith.constant -2147483648 : i32
        %reduce_min3A_742 = vector.broadcast %reduce_min3A_741 : i32 to vector<16xi32>
        %reduce_min3A_743 = arith.xori %select_n3A_738, %reduce_min3A_742 : vector<16xi32>
        %reduce_min3A_744 = tpu.scan <min>, %reduce_min3A_743 masked %reduce_min3A_740 : vector<16xi32>, vector<16xi1> -> vector<16xi32>
        %reduce_min3A_745 = arith.xori %reduce_min3A_744, %reduce_min3A_742 : vector<16xi32>
        %reduce_min3A_746 = vector.extract %reduce_min3A_745[15] : i32 from vector<16xi32>
        %eq3A_747 = vector.broadcast %reduce_max3A_733 : f32 to vector<16xf32>
        %eq3A_748 = arith.cmpf oeq, %gather3A_724, %eq3A_747 : vector<16xf32>
        %eq3A_749 = vector.broadcast %reduce_min3A_746 : i32 to vector<16xi32>
        %eq3A_750 = arith.cmpi eq, %bitcast3A_729, %eq3A_749 : vector<16xi32>
        %and3A_751 = arith.andi %eq3A_748, %eq3A_750 : vector<16xi1>
        %jit3A_752 = arith.constant 16 : i32
        %broadcast_in_dim3A_753 = vector.broadcast %jit3A_752 : i32 to vector<16xi32>
        %select_n3A_754 = arith.select %and3A_751, %iota3A, %broadcast_in_dim3A_753 : vector<16xi1>, vector<16xi32>
        %reduce_min3A_755 = arith.constant true
        %reduce_min3A_756 = vector.broadcast %reduce_min3A_755 : i1 to vector<16xi1>
        %reduce_min3A_757 = arith.constant -2147483648 : i32
        %reduce_min3A_758 = vector.broadcast %reduce_min3A_757 : i32 to vector<16xi32>
        %reduce_min3A_759 = arith.xori %select_n3A_754, %reduce_min3A_758 : vector<16xi32>
        %reduce_min3A_760 = tpu.scan <min>, %reduce_min3A_759 masked %reduce_min3A_756 : vector<16xi32>, vector<16xi1> -> vector<16xi32>
        %reduce_min3A_761 = arith.xori %reduce_min3A_760, %reduce_min3A_758 : vector<16xi32>
        %reduce_min3A_762 = vector.extract %reduce_min3A_761[15] : i32 from vector<16xi32>
        %gt3A_763 = arith.constant 15 : i32
        %gt3A_764 = arith.cmpi sgt, %reduce_min3A_762, %gt3A_763 : i32
        %jit3A_765 = arith.constant 0 : i32
        %select_n3A_766 = arith.select %gt3A_764, %jit3A_765, %reduce_min3A_762 : i32
        %gt3A_767 = arith.constant 0xFF800000 : f32
        %gt3A_768 = arith.cmpf ogt, %reduce_max3A_733, %gt3A_767 : f32
        %mul3A_769 = arith.constant 16 : i32
        %mul3A_770 = arith.muli %select_n3A_766, %mul3A_769 : i32
        %broadcast_in_dim3A_771 = vector.broadcast %mul3A_770 : i32 to vector<16xi32>
        %add3A_772 = arith.constant 2 : i32
        %add3A_773 = vector.broadcast %add3A_772 : i32 to vector<16xi32>
        %add3A_774 = arith.addi %broadcast_in_dim3A_771, %add3A_773 : vector<16xi32>
        %gather3A_775 = tpu.vector_load_idx %arg15[%add3A_774] : memref<256xf32, #tpu.memory_space<vmem>>[vector<16xi32>], vector<16xf32>,
        %add3A_776 = arith.constant 3 : i32
        %add3A_777 = vector.broadcast %add3A_776 : i32 to vector<16xi32>
        %add3A_778 = arith.addi %broadcast_in_dim3A_771, %add3A_777 : vector<16xi32>
        %gather3A_779 = tpu.vector_load_idx %arg15[%add3A_778] : memref<256xf32, #tpu.memory_space<vmem>>[vector<16xi32>], vector<16xf32>,
        %add3A_780 = arith.constant 4 : i32
        %add3A_781 = vector.broadcast %add3A_780 : i32 to vector<16xi32>
        %add3A_782 = arith.addi %broadcast_in_dim3A_771, %add3A_781 : vector<16xi32>
        %gather3A_783 = tpu.vector_load_idx %arg15[%add3A_782] : memref<256xf32, #tpu.memory_space<vmem>>[vector<16xi32>], vector<16xf32>,
        %add3A_784 = arith.constant 5 : i32
        %add3A_785 = vector.broadcast %add3A_784 : i32 to vector<16xi32>
        %add3A_786 = arith.addi %broadcast_in_dim3A_771, %add3A_785 : vector<16xi32>
        %gather3A_787 = tpu.vector_load_idx %arg15[%add3A_786] : memref<256xf32, #tpu.memory_space<vmem>>[vector<16xi32>], vector<16xf32>,
        %add3A_788 = arith.constant 6 : i32
        %add3A_789 = vector.broadcast %add3A_788 : i32 to vector<16xi32>
        %add3A_790 = arith.addi %broadcast_in_dim3A_771, %add3A_789 : vector<16xi32>
        %gather3A_791 = tpu.vector_load_idx %arg15[%add3A_790] : memref<256xf32, #tpu.memory_space<vmem>>[vector<16xi32>], vector<16xf32>,
        %eq3A_792 = arith.constant 0 : i32
        %eq3A_793 = vector.broadcast %eq3A_792 : i32 to vector<16xi32>
        %eq3A_794 = arith.cmpi eq, %iota3A, %eq3A_793 : vector<16xi32>
        %eq3A_795 = arith.constant 1 : i32
        %eq3A_796 = vector.broadcast %eq3A_795 : i32 to vector<16xi32>
        %eq3A_797 = arith.cmpi eq, %iota3A, %eq3A_796 : vector<16xi32>
        %eq3A_798 = arith.constant 2 : i32
        %eq3A_799 = vector.broadcast %eq3A_798 : i32 to vector<16xi32>
        %eq3A_800 = arith.cmpi eq, %iota3A, %eq3A_799 : vector<16xi32>
        %eq3A_801 = arith.constant 3 : i32
        %eq3A_802 = vector.broadcast %eq3A_801 : i32 to vector<16xi32>
        %eq3A_803 = arith.cmpi eq, %iota3A, %eq3A_802 : vector<16xi32>
        %eq3A_804 = arith.constant 4 : i32
        %eq3A_805 = vector.broadcast %eq3A_804 : i32 to vector<16xi32>
        %eq3A_806 = arith.cmpi eq, %iota3A, %eq3A_805 : vector<16xi32>
        %broadcast_in_dim3A_807 = vector.broadcast %reduce_max3A_733 : f32 to vector<16xf32>
        %broadcast_in_dim3A_808 = arith.constant 0.000000e+00 : f32
        %broadcast_in_dim3A_809 = vector.broadcast %broadcast_in_dim3A_808 : f32 to vector<16xf32>
        %select_n3A_810 = arith.select %eq3A_806, %broadcast_in_dim3A_807, %broadcast_in_dim3A_809 : vector<16xi1>, vector<16xf32>
        %select_n3A_811 = arith.select %eq3A_803, %gather3A_787, %select_n3A_810 : vector<16xi1>, vector<16xf32>
        %select_n3A_812 = arith.select %eq3A_800, %gather3A_783, %select_n3A_811 : vector<16xi1>, vector<16xf32>
        %select_n3A_813 = arith.select %eq3A_797, %gather3A_779, %select_n3A_812 : vector<16xi1>, vector<16xf32>
        %select_n3A_814 = arith.select %eq3A_794, %gather3A_775, %select_n3A_813 : vector<16xi1>, vector<16xf32>
        %get3A_815 = arith.constant 0 : index
        %get3A_816 = tpu.vector_load %arg16[%get3A_815] {strides = array<i32>} : memref<16xf32, #tpu.memory_space<vmem>>, vector<16xf32>,
        %select_n3A_817 = arith.select %gt3A_768, %select_n3A_814, %get3A_816 : vector<16xf32>
        %mul3A_818 = arith.constant 16 : i32
        %mul3A_819 = arith.muli %scan3A_641, %mul3A_818 : i32
        %swap3A_820 = arith.index_cast %mul3A_819 : i32 to index
        %swap3A_821 = tpu.vector_load %arg18[%swap3A_820] {strides = array<i32>} : memref<1600xf32, #tpu.memory_space<vmem>>, vector<16xf32>,
        tpu.vector_store %arg18[%swap3A_820], %select_n3A_817 {strides = array<i32>} : memref<1600xf32, #tpu.memory_space<vmem>>, vector<16xf32>,
        %scan3A_822 = arith.constant 0 : i32
        %scan3A_823 = arith.constant 0 : i32
        %scan3A_824 = arith.constant 80 : i32
        %scan3A_825 = arith.addi %scan3A_823, %scan3A_824 : i32
        %scan3A_826 = arith.constant 1 : i32
        scf.for %scan3A_828 = %scan3A_823 to %scan3A_825 step %scan3A_826  : i32 {
          %mul3A_829 = arith.constant 16 : i32
          %mul3A_830 = arith.muli %scan3A_828, %mul3A_829 : i32
          %get3A_831 = arith.index_cast %mul3A_830 : i32 to index
          %get3A_832 = tpu.vector_load %arg8[%get3A_831] {strides = array<i32>} : memref<1280xf32, #tpu.memory_space<vmem>>, vector<16xf32>,
          %get3A_833 = arith.index_cast %mul3A_830 : i32 to index
          %get3A_834 = tpu.vector_load %arg9[%get3A_833] {strides = array<i32>} : memref<1280xf32, #tpu.memory_space<vmem>>, vector<16xf32>,
          %get3A_835 = arith.index_cast %mul3A_830 : i32 to index
          %get3A_836 = tpu.vector_load %arg10[%get3A_835] {strides = array<i32>} : memref<1280xf32, #tpu.memory_space<vmem>>, vector<16xf32>,
          %get3A_837 = arith.index_cast %mul3A_830 : i32 to index
          %get3A_838 = tpu.vector_load %arg11[%get3A_837] {strides = array<i32>} : memref<1280xf32, #tpu.memory_space<vmem>>, vector<16xf32>,
          %get3A_839 = arith.index_cast %mul3A_830 : i32 to index
          %get3A_840 = tpu.vector_load %arg13[%get3A_839] {strides = array<i32>} : memref<1280xf32, #tpu.memory_space<vmem>>, vector<16xf32>,
          %get3A_841 = arith.index_cast %mul3A_830 : i32 to index
          %get3A_842 = tpu.vector_load %arg12[%get3A_841] {strides = array<i32>} : memref<1280xf32, #tpu.memory_space<vmem>>, vector<16xf32>,
          %max3A = arith.maximumf %gather3A_775, %get3A_832 : vector<16xf32>
          %max3A_843 = arith.maximumf %gather3A_779, %get3A_834 : vector<16xf32>
          %min3A = arith.minimumf %gather3A_783, %get3A_836 : vector<16xf32>
          %min3A_844 = arith.minimumf %gather3A_787, %get3A_838 : vector<16xf32>
          %sub3A_845 = arith.subf %min3A, %max3A : vector<16xf32>
          %max3A_846 = arith.constant 0.000000e+00 : f32
          %max3A_847 = vector.broadcast %max3A_846 : f32 to vector<16xf32>
          %max3A_848 = arith.maximumf %max3A_847, %sub3A_845 : vector<16xf32>
          %sub3A_849 = arith.subf %min3A_844, %max3A_843 : vector<16xf32>
          %max3A_850 = arith.constant 0.000000e+00 : f32
          %max3A_851 = vector.broadcast %max3A_850 : f32 to vector<16xf32>
          %max3A_852 = arith.maximumf %max3A_851, %sub3A_849 : vector<16xf32>
          %mul3A_853 = arith.mulf %max3A_848, %max3A_852 : vector<16xf32>
          %add3A_854 = arith.addf %gather3A_791, %get3A_840 : vector<16xf32>
          %sub3A_855 = arith.subf %add3A_854, %mul3A_853 : vector<16xf32>
          %add3A_856 = arith.constant 9.99999971E-10 : f32
          %add3A_857 = vector.broadcast %add3A_856 : f32 to vector<16xf32>
          %add3A_858 = arith.addf %sub3A_855, %add3A_857 : vector<16xf32>
          %div3A_859 = arith.divf %mul3A_853, %add3A_858 : vector<16xf32>
          %mul3A_860 = arith.constant 16 : i32
          %mul3A_861 = arith.muli %scan3A_828, %mul3A_860 : i32
          %add3A_862 = arith.addi %mul3A_0, %mul3A_861 : i32
          %add3A_863 = vector.broadcast %add3A_862 : i32 to vector<16xi32>
          %add3A_864 = arith.addi %add3A_863, %iota3A : vector<16xi32>
          %gt3A_865 = arith.constant 4.500000e-01 : f32
          %gt3A_866 = vector.broadcast %gt3A_865 : f32 to vector<16xf32>
          %gt3A_867 = arith.cmpf ogt, %div3A_859, %gt3A_866 : vector<16xf32>
          %eq3A_868 = vector.broadcast %reduce_min3A_746 : i32 to vector<16xi32>
          %eq3A_869 = arith.cmpi eq, %add3A_864, %eq3A_868 : vector<16xi32>
          %or3A_870 = arith.ori %gt3A_867, %eq3A_869 : vector<16xi1>
          %and3A_871 = vector.broadcast %gt3A_768 : i1 to vector<16xi1>
          %and3A_872 = arith.andi %and3A_871, %or3A_870 : vector<16xi1>
          %jit3A_873 = arith.constant 0xFF800000 : f32
          %broadcast_in_dim3A_874 = vector.broadcast %jit3A_873 : f32 to vector<16xf32>
          %select_n3A_875 = arith.select %and3A_872, %broadcast_in_dim3A_874, %get3A_842 : vector<16xi1>, vector<16xf32>
          %swap3A_876 = arith.index_cast %mul3A_830 : i32 to index
          %swap3A_877 = tpu.vector_load %arg12[%swap3A_876] {strides = array<i32>} : memref<1280xf32, #tpu.memory_space<vmem>>, vector<16xf32>,
          tpu.vector_store %arg12[%swap3A_876], %select_n3A_875 {strides = array<i32>} : memref<1280xf32, #tpu.memory_space<vmem>>, vector<16xf32>,
        }
        %scan3A_827 = arith.constant 80 : i32
      }
      %scan3A_640 = arith.constant 100 : i32
    } else {
    }
    %eq3A_630 = arith.constant 0 : i32
    %eq3A_631 = arith.cmpi eq, %arg1, %eq3A_630 : i32
    %convert_element_type3A_632 = arith.extui %eq3A_631 : i1 to i32
    %cond3A_633 = arith.constant 0 : i32
    %cond3A_634 = arith.cmpi ne, %convert_element_type3A_632, %cond3A_633 : i32
    scf.if %cond3A_634 {
      "tpu.region"() ({
        %run_scoped3A = tpu.sem_alloc : memref<!tpu.dma_semaphore, #tpu.memory_space<semaphore_mem>>
        tpu.enqueue_dma source(%arg18 : memref<1600xf32, #tpu.memory_space<vmem>>) target(%arg7 : memref<1600xf32, #tpu.memory_space<hbm>>) target_semaphore(%run_scoped3A : memref<!tpu.dma_semaphore, #tpu.memory_space<semaphore_mem>>)
        tpu.wait_dma2 semaphore(%run_scoped3A : memref<!tpu.dma_semaphore, #tpu.memory_space<semaphore_mem>>) src(%arg18 : memref<1600xf32, #tpu.memory_space<vmem>>) dst(%arg7 : memref<1600xf32, #tpu.memory_space<hbm>>)
        tpu.yield
      }) : () -> ()
    } else {
    }
    return
  }
}

</mosaic_0001>

<sc_bundles>
// kernel: kernel.3.cloned.1.call-start
scs
__scs_entry_jumppad:
0x0: {  	(pc) =	sbr.rel $0x88, $3  }
0x1: {  	(tag) =	ssettag $0x0;
	lr =	simm.s32 $0x1  }
0x2: {  	[smem:$0x3F9F] =	sst lr;
	_ =	strace $0xD0000000  }
0x3: {  	_ = 	snop  }
0x4: {  	_ = 	snop  }
0x5: {  	_ = 	snop  }
0x6: {  	_ = 	snop  }
0x7: {  	_ = 	snop  }
__scs_overlays_trampoline_lowered:
0x8: {  	[smem:$0x3FAE] =	sst s0  }
0x9: {  	[smem:$0x3FAF] =	sst s1  }
0xa: {  	[smem:$0x3FB0] =	sst s2  }
0xb: {  	[smem:$0x3FB1] =	sst s3  }
0xc: {  	[smem:$0x3FB2] =	sst s4  }
0xd: {  	[smem:$0x3FB3] =	sst s5  }
0xe: {  	[smem:$0x3FB4] =	sst s6  }
0xf: {  	[smem:$0x3FB5] =	sst s7  }
0x10: {  	[smem:$0x3FB6] =	sst s8  }
0x11: {  	[smem:$0x3FB7] =	sst s9;
	s0 =	simm.s32 @!p0 $0x0  }
0x12: {  	s1 =	sld [smem:$0x3F9D];
	s0 =	simm.s32 @p0 $0x1  }
0x13: {  	[smem:$0x3FB8] =	sst s0;
	s0 =	simm.s32 @!p1 $0x0  }
0x14: {  	s2 =	sld [smem:$0x3F9C];
	s0 =	simm.s32 @p1 $0x1  }
0x15: {  	[smem:$0x3FB9] =	sst s0;
	s0 =	simm.s32 @!p2 $0x0  }
0x16: {  	s3 =	sld [smem:$0x3FDB];
	s0 =	simm.s32 @p2 $0x1  }
0x17: {  	s4 =	simm.s32 $0x1BF5;
	[smem:$0x3FBB] =	sst s0  }
0x18: {  	s0 =	sld [smem:$0x3F9E];
	_ =	swait.ge [sflag:s4], $0x0  }
0x19: {  	s7 =	sld [smem:$0x3F9F]  }
0x1a: {  	s8 =	sadd.s32 $0xFFFFE003, lr  }
0x1b: {  	s9 =	sadd.s32 $0xFFFFFEF7, lr;
	s5 =	simm.s32 $0xFFFFFFFF;
	p2 =	slt.u32 s8, $0xFFFFF086  }
0x1c: {  	p1 =	slt.u32 s9, $0xF7A;
	s5 =	simm.s32 @!p2 $0x0  }
0x1d: {  	s5 =	simm.s32 @p1 $0x1;
	p0 =	seq.s32 s7, s2  }
0x1e: {  	s7 =	smul.u32 @!p0 $0xF7A, s2;
	p2 =	seq.s32 @!p0 s5, $0x0  }
0x1f: {  	s9 =	smul.u32 $0xF7A, s1;
	s8 =	simm.s32 @!p0 $0x1BF5;
	p2 =	por !p2, p0  }
0x20: {  	[sflag:s8] =	ssyncset.s32 @!p0 $0xFFFFF086;
	s6 =	sadd.s32 @!p0 s3, s7;
	s7 =	simm.s32 @!p0 $0x108  }
0x21: {  	s3 =	sadd.s32 s3, s9;
	s6 =	sadd.s32 @!p0 $0x88, s6;
	s7 =	simm.s32 @p2 $0x1082  }
0x22: {  	[simem:s7], [sflag:s8] =	dma.local @!p0 [hbm:s6], $0xF7A  }
0x23: {  	s9 =	sor.u32 $0xD0000000, s2;
	s6 =	simm.s32 $0x108;
	_ =	swait.ge @!p0 [sflag:s8], $0x0  }
0x24: {  	s3 =	sadd.s32 $0x88, s3;
	s6 =	simm.s32 @!p1 $0x1082;
	[sflag:s4] =	ssyncset.s32 $0xFFFFF086  }
0x25: {  	[simem:s6], [sflag:s4] =	dma.local [hbm:s3], $0xF7A  }
0x26: {  	[smem:$0x3F9F] =	sst s1;
	(tag) =	ssettag s2;
	_ =	strace s9  }
0x27: {  	s1 =	sld [smem:$0x3FAF]  }
0x28: {  	s2 =	sld [smem:$0x3FB0]  }
0x29: {  	s4 =	sld [smem:$0x3FB2]  }
0x2a: {  	p0 =	seq.s32 s5, $0x0;
	s5 =	sld [smem:$0x3FB3]  }
0x2b: {  	s6 =	sld [smem:$0x3FB4]  }
0x2c: {  	s7 =	sld [smem:$0x3FB5]  }
0x2d: {  	s3 =	simm.s32 $0x108;
	s8 =	sld [smem:$0x3FB6]  }
0x2e: {  	s3 =	simm.s32 @!p0 $0x1082;
	s9 =	sld [smem:$0x3FB7]  }
0x2f: {  	lr =	sadd.s32 s0, s3;
	s0 =	sld [smem:$0x3FAE]  }
0x30: {  	s3 =	sld [smem:$0x3FB1]  }
0x31: {  	[smem:$0x3FBA] =	sst s10  }
0x32: {  	s10 =	sld [smem:$0x3FB8];
	_ =	sdelay $0x3  }
0x33: {  	p0 =	seq.s32 s10, $0x1;
	s10 =	sld [smem:$0x3FBA];
	_ =	sdelay $0x3  }
0x34: {  	[smem:$0x3FBA] =	sst s10  }
0x35: {  	s10 =	sld [smem:$0x3FB9];
	_ =	sdelay $0x3  }
0x36: {  	p1 =	seq.s32 s10, $0x1;
	s10 =	sld [smem:$0x3FBA];
	_ =	sdelay $0x3  }
0x37: {  	[smem:$0x3FBA] =	sst s10  }
0x38: {  	s10 =	sld [smem:$0x3FBB]  }
0x39: {  	_ = 	snop;
	(pc) =	sbr.ind lr, $3  }
0x3a: {  	_ = 	snop  }
0x3b: {  	_ = 	snop  }
0x3c: {  	p2 =	seq.s32 s10, $0x1;
	s10 =	sld [smem:$0x3FBA]  }
0x3d: {  	_ =	shalt  }
0x3e: {  	_ =	shalt  }
0x3f: {  	_ =	shalt  }
0x40: {  	_ =	shalt  }
0x41: {  	_ =	shalt  }
0x42: {  	_ =	shalt  }
0x43: {  	_ =	shalt  }
0x44: {  	_ =	shalt  }
0x45: {  	_ =	shalt  }
0x46: {  	_ =	shalt  }
0x47: {  	_ =	shalt  }
0x48: {  	_ =	shalt  }
0x49: {  	_ =	shalt  }
0x4a: {  	_ =	shalt  }
0x4b: {  	_ =	shalt  }
0x4c: {  	_ =	shalt  }
0x4d: {  	_ =	shalt  }
0x4e: {  	_ =	shalt  }
0x4f: {  	_ =	shalt  }
0x50: {  	_ =	shalt  }
0x51: {  	_ =	shalt  }
0x52: {  	_ =	shalt  }
0x53: {  	_ =	shalt  }
0x54: {  	_ =	shalt  }
0x55: {  	_ =	shalt  }
0x56: {  	_ =	shalt  }
0x57: {  	_ =	shalt  }
0x58: {  	_ =	shalt  }
0x59: {  	_ =	shalt  }
0x5a: {  	_ =	shalt  }
0x5b: {  	_ =	shalt  }
0x5c: {  	_ =	shalt  }
0x5d: {  	_ =	shalt  }
0x5e: {  	_ =	shalt  }
0x5f: {  	_ =	shalt  }
0x60: {  	_ =	shalt  }
0x61: {  	_ =	shalt  }
0x62: {  	_ =	shalt  }
0x63: {  	_ =	shalt  }
0x64: {  	_ =	shalt  }
0x65: {  	_ =	shalt  }
0x66: {  	_ =	shalt  }
0x67: {  	_ =	shalt  }
0x68: {  	_ =	shalt  }
0x69: {  	_ =	shalt  }
0x6a: {  	_ =	shalt  }
0x6b: {  	_ =	shalt  }
0x6c: {  	_ =	shalt  }
0x6d: {  	_ =	shalt  }
0x6e: {  	_ =	shalt  }
0x6f: {  	_ =	shalt  }
0x70: {  	_ =	shalt  }
0x71: {  	_ =	shalt  }
0x72: {  	_ =	shalt  }
0x73: {  	_ =	shalt  }
0x74: {  	_ =	shalt  }
0x75: {  	_ =	shalt  }
0x76: {  	_ =	shalt  }
0x77: {  	_ =	shalt  }
0x78: {  	_ =	shalt  }
0x79: {  	_ =	shalt  }
0x7a: {  	_ =	shalt  }
0x7b: {  	_ =	shalt  }
0x7c: {  	_ =	shalt  }
0x7d: {  	_ =	shalt  }
0x7e: {  	_ =	shalt  }
0x7f: {  	_ =	shalt  }
0x80: {  	_ =	shalt  }
0x81: {  	_ =	shalt  }
0x82: {  	_ =	shalt  }
0x83: {  	_ =	shalt  }
0x84: {  	_ =	shalt  }
0x85: {  	_ =	shalt  }
0x86: {  	_ =	shalt  }
0x87: {  	_ =	shalt  }
.Lfunc_end0:
.L_simem_size_0:
called_computation_lowered:
.L_overlay_start_0:
0x88: {  	s0 =	sld [smem:$0x3FD9]  }
0x89: {  	s1 =	sld [smem:$0x3FFE];
	_ =	sdelay $0x3  }
0x8a: {  	s0 =	sadd.s32 s1, s0  }
0x8b: {  	[smem:$0x3FC6] =	sst s0  }
0x8c: {  	_ = 	snop  }
0x8d: {  	(tm) =	ssettm $0x1  }
0x8e: {  	s15 =	sld [smem:$0x3FFB];
	_ =	sdelay $0x3  }
0x8f: {  	_ =	strace s15  }
0x90: {  	s0 =	sld [smem:$0x3FFC];
	_ =	sdelay $0x3  }
0x91: {  	_ =	strace s0  }
0x92: {  	s0 =	sld [smem:$0x3FFD];
	_ =	sdelay $0x3  }
0x93: {  	_ =	strace s0  }
0x94: {  	_ =	strace $0x8FFFFFFF  }
0x95: {  	s16 =	sld [smem:$0x3FDB];
	_ =	sdelay $0x1  }
0x96: {  	s17 =	simm.s32 $_scs_section_size  }
0x97: {  	s2 =	simm.s32 $_size__tile_overlayer_lowered;
	s3 =	simm.s32 $_tile_overlayer_lowered  }
0x98: {  	s20 =	simm.s32 $0x1BFF;
	s19 =	sshll.u32 s3, $0x1;
	s0 =	sadd.s32 s17, s16  }
0x99: {  	s4 =	simm.s32 $0x0;
	s18 =	sshll.u32 s2, $0x1;
	s2 =	sadd.s32 s19, s0  }
0x9a: {  	[timem:s4], [sflag:s20] =	dma.local [hbm:s2], s18  }
0x9b: {  	_ =	swait.ge [sflag:s20], s18  }
0x9c: {  	s1 =	ssub.s32 $0x0, s18;
	[sflag:s20] =	ssyncset.done $0x0  }
0x9d: {  	[sflag:s20] =	ssyncadd.s32 s1;
	_ =	sdelay $0x1  }
0x9e: {  	s21 =	simm.s32 $0x1B8B  }
0x9f: {  	_ =	swait.ge [sflag:s21], $0x1  }
0xa0: {  	[sflag:s21] =	ssyncset.done $0x0  }
0xa1: {  	s23 =	simm.s32 $0x1B8E;
	s22 =	sld [smem:$0x3FFE];
	[sflag:s21] =	ssyncadd.s32 $0xFFFFFFFF  }
0xa2: {  	s24 =	simm.s32 $execute0_lowered;
	[smem:$0x3FD2] =	sst s23  }
0xa3: {  	s2 =	sshll.u32 s24, $0x1;
	_ =	strace $0x80000046;
	[dreg:$0x1] =	wrdreg $0xFFFFFFFF  }
0xa4: {  	s25 =	simm.s32 $_size_execute0_lowered;
	s0 =	sadd.s32 s0, s2;
	[dreg:$0x0] =	wrdreg $0x0  }
0xa5: {  	s2 =	sshll.u32 s25, $0x1;
	[dreg:$0x2] =	wrdreg s0  }
0xa6: {  	[dreg:$0x3] =	wrdreg s2  }
0xa7: {  	[dreg:$0x4] =	wrdreg $0xC0  }
0xa8: {  	_ =	task [dreg:s4], $0x5FFFF  }
0xa9: {  	[dreg:$0x1] =	wrdreg $0xFFFFFFFF  }
0xaa: {  	[dreg:$0x0] =	wrdreg $0x60  }
0xab: {  	[dreg:$0x2] =	wrdreg s22  }
0xac: {  	[dreg:$0x3] =	wrdreg $0x54000  }
0xad: {  	[dreg:$0x4] =	wrdreg $0x56300  }
0xae: {  	[dreg:$0x5] =	wrdreg $0x54300  }
0xaf: {  	[dreg:$0x6] =	wrdreg $0x54B00  }
0xb0: {  	[dreg:$0x7] =	wrdreg $0x55300  }
0xb1: {  	[dreg:$0x8] =	wrdreg $0x55B00  }
0xb2: {  	[dreg:$0x9] =	wrdreg $0x9  }
0xb3: {  	_ =	task.clear_ibuf [dreg:s4], $0xAFFFF;
	_ =	strace $0x90000046  }
0xb4: {  	s26 =	simm.s32 $0x9;
	_ =	strace $0x80000048  }
0xb5: {  	_ =	swait.ge [sflag:s26], $0x1  }
0xb6: {  	[sflag:s26] =	ssyncadd.s32 $0xFFFFFFFF  }
0xb7: {  	_ =	strace $0x90000048  }
0xb8: {  	_ =	sfence  }
0xb9: {  	s28 =	sld [smem:$0x0];
	_ =	sdelay $0x1  }
0xba: {  	s29 =	srdreg.scid  }
0xbb: {  	s30 =	sshll.u32 s29, $0xD;
	s31 =	sshrl.u32 s29, $0x2  }
0xbc: {  	s1 =	sand.u32 $0x1, s29;
	s2 =	sand.u32 $0x4000, s30;
	s0 =	sadd.s32 s31, s28  }
0xbd: {  	s1 =	sor.u32 s2, s1;
	s0 =	sshll.u32 s0, $0x11  }
0xbe: {  	s0 =	sor.u32 s0, s1  }
0xbf: {  	s0 =	sadd.s32 $0x8F2B, s0  }
0xc0: {  	[sflag:s0] =	ssyncadd.remote.s32 $0x1  }
0xc1: {  	_ =	sfence.sel $0xFFFF  }
0xc2: {  	[dreg:$0x0] =	wrdreg $0xFFFFFFFF;
	(pc) =	sbr.abs _section_cstart, $3  }
0xc3: {  	[dreg:$0x1] =	wrdreg $0xFFFFFFFF  }
0xc4: {  	_ =	task.clear_ibuf [dreg:s4], $0x2FFFF;
	_ =	strace $0x9FFFFFFF  }
0xc5: {  	(tm) =	ssettm $0x7FFFFFFF  }
tec
execute0_lowered:
.L_overlay_start_1:
0x0: {  	(tag) =	ssettag $0x1  }
0x1: {  	s12 =	rddreg [dreg:$0x0]  }
0x2: {  	s1 =	rddreg [dreg:$0x1]  }
0x3: {  	s11 =	rddreg [dreg:$0x2]  }
0x4: {  	s10 =	rddreg [dreg:$0x3]  }
0x5: {  	s9 =	rddreg [dreg:$0x4]  }
0x6: {  	s8 =	rddreg [dreg:$0x5];
	s2 =	stileid.u32  }
0x7: {  	s7 =	rddreg [dreg:$0x6];
	s3 =	smul.u32 $0x500, s2  }
0x8: {  	s28 =	rddreg [dreg:$0x7];
	s4 =	simm.s32 $0x0  }
0x9: {  	[smem:$0x7FF] =	sst s4;
	s15 =	sshrl.u32 s3, $0x3  }
0xa: {  	s14 =	sadd.s32 $0xA00, s12;
	_ =	strace $0x80000047;
	s5 =	sadd.s32 s12, s15  }
0xb: {  	[tilespmem:s4], [sflag:$0x1] =	stream.linear.gather [hbm4b:s5+s4], $0x500, $0x38;
	[tilespmem:$0x56B0] =	vst v63  }
0xc: {  	s6 =	simm.s32 $0x500;
	s13 =	sadd.s32 $0x1400, s12;
	s24 =	sadd.s32 s14, s15  }
0xd: {  	[tilespmem:s6], [sflag:$0x1] =	stream.linear.gather [hbm4b:s24+s4], $0x500, $0x38;
	[tilespmem:$0x56B0] =	vst v63  }
0xe: {  	s16 =	simm.s32 $0xA00;
	s25 =	sadd.s32 s13, s15;
	s6 =	sadd.s32 $0x1E00, s12  }
0xf: {  	[tilespmem:s16], [sflag:$0x1] =	stream.linear.gather [hbm4b:s25+s4], $0x500, $0x38;
	[tilespmem:$0x56B0] =	vst v63  }
0x10: {  	s17 =	simm.s32 $0xF00;
	s5 =	sadd.s32 $0x2800, s12;
	s26 =	sadd.s32 s6, s15  }
0x11: {  	[tilespmem:s17], [sflag:$0x1] =	stream.linear.gather [hbm4b:s26+s4], $0x500, $0x38;
	[tilespmem:$0x56B0] =	vst v63  }
0x12: {  	s29 =	simm.s32 $0x1400;
	s30 =	simm.s32 $0x1;
	s15 =	sadd.s32 s5, s15  }
0x13: {  	[tilespmem:s29], [sflag:$0x1] =	stream.linear.gather [hbm4b:s15+s4], $0x500, $0x38;
	[tilespmem:$0x56B0] =	vst v63  }
0x14: {  	_ =	swait.ge [sflag:s30], $0x500  }
0x15: {  	[sflag:s30] =	ssyncset.done $0x0  }
0x16: {  	[sflag:s30] =	ssyncadd.s32 $0xFFFFFB00  }
0x17: {  	_ =	swait.ge [sflag:s30], $0x500  }
0x18: {  	[sflag:s30] =	ssyncset.done $0x0  }
0x19: {  	[sflag:s30] =	ssyncadd.s32 $0xFFFFFB00  }
0x1a: {  	_ =	swait.ge [sflag:s30], $0x500  }
0x1b: {  	[sflag:s30] =	ssyncset.done $0x0  }
0x1c: {  	[sflag:s30] =	ssyncadd.s32 $0xFFFFFB00  }
0x1d: {  	_ =	swait.ge [sflag:s30], $0x500  }
0x1e: {  	[sflag:s30] =	ssyncset.done $0x0  }
0x1f: {  	[sflag:s30] =	ssyncadd.s32 $0xFFFFFB00  }
0x20: {  	_ =	swait.ge [sflag:s30], $0x500  }
0x21: {  	[sflag:s30] =	ssyncset.done $0x0  }
0x22: {  	s31 =	simm.s32 $0x0;
	[sflag:s30] =	ssyncadd.s32 $0xFFFFFB00  }
0x23: {  	v1 =	vld [tilespmem:s31+$0x1400]  }
0x24: {  	v2 =	vld [tilespmem:s31+$0x0]  }
0x25: {  	v3 =	vld [tilespmem:s31+$0x500]  }
0x26: {  	v4 =	vld [tilespmem:s31+$0xA00]  }
0x27: {  	v5 =	vld [tilespmem:s31+$0xF00];
	_ =	sdelay $0x2  }
0x28: {  	vm0 =	vgt.f32 v1, $2.500000000e-01  }
0x29: {  	v0 =	vimm.s32 $0x0;
	v2 =	vsub.f32 v4, v2;
	v6 =	vnsel vm0, $0xFF800000, v1  }
0x2a: {  	v3 =	vsub.f32 v5, v3;
	v1 =	vsel vm0, $0x1, v0;
	vm14 =	vgt.f32 v6, $9.919999830e-01  }
0x2b: {  	v1 =	vadd.s32 v1, v0;
	vm1 =	vgt.f32 v6, $9.840000270e-01;
	vm2 =	vgt.f32 v6, $9.700000280e-01  }
0x2c: {  	s15 =	simm.s32 $0x10;
	[tilespmem:s31+$0x1400] =	vst v6;
	vm3 =	vgt.f32 v6, $9.399999970e-01;
	vm4 =	vgt.f32 v6, $8.799999950e-01;
	v2 =	vmax.f32 v2, $0.0e+00  }
0x2d: {  	vm5 =	vgt.f32 v6, $7.599999900e-01;
	vm6 =	vgt.f32 v6, $5.199999810e-01;
	v3 =	vmax.f32 v3, $0.0e+00;
	v7 =	vld [tilespmem:s15+$0x1400]  }
0x2e: {  	v4 =	vsel vm14, $0x1, v0;
	v5 =	vsel vm1, $0x1, v0;
	v8 =	vmul.f32 v3, v2;
	v11 =	vld [tilespmem:s15+$0x0]  }
0x2f: {  	v3 =	vsel vm2, $0x1, v0;
	v6 =	vsel vm3, $0x1, v0;
	v10 =	vsel vm4, $0x1, v0;
	v12 =	vld [tilespmem:s15+$0x500]  }
0x30: {  	v16 =	vsel vm5, $0x1, v0;
	v9 =	vsel vm6, $0x1, v0;
	v14 =	vld [tilespmem:s15+$0xA00];
	v2 =	vadd.s32 v4, v0  }
0x31: {  	v15 =	vld [tilespmem:s15+$0xF00];
	v4 =	vadd.s32 v5, v0;
	v3 =	vadd.s32 v3, v0;
	v5 =	vadd.s32 v6, v0  }
0x32: {  	v6 =	vadd.s32 v10, v0;
	[tilespmem:s31+$0x1900] =	vst v8;
	v8 =	vimm.s32 $0x0;
	vm15 =	vgt.f32 v7, $2.500000000e-01  }
0x33: {  	s16 =	simm.s32 $0x80;
	s17 =	simm.s32 $0xC0;
	s4 =	sadd.s32 $0x3200, s12;
	v10 =	vnsel vm15, $0xFF800000, v7;
	v13 =	vsel vm15, $0x1, v0;
	v7 =	vadd.s32 v16, v0  }
.LBB2_1:
0x34: {  	p0 =	sne.s32 s17, $0x13C0;
	[tilespmem:s15+$0x1400] =	vst v10;
	vm0 =	vgt.f32 v10, $9.919999830e-01;
	v1 =	vadd.s32 v13, v1;
	v8 =	vadd.s32 v9, v8  }
0x35: {  	vm1 =	vgt.f32 v10, $9.840000270e-01;
	vm2 =	vgt.f32 v10, $9.700000280e-01;
	v9 =	vsub.f32 v14, v11  }
0x36: {  	s18 =	sshra.s32 s16, $0x2;
	vm3 =	vgt.f32 v10, $9.399999970e-01;
	vm4 =	vgt.f32 v10, $8.799999950e-01;
	s16 =	smov.u32 s17;
	v12 =	vsub.f32 v15, v12  }
0x37: {  	vm5 =	vgt.f32 v10, $7.599999900e-01;
	vm6 =	vgt.f32 v10, $5.199999810e-01;
	v13 =	vld [tilespmem:s18+$0x1400];
	v9 =	vmax.f32 v9, $0.0e+00  }
0x38: {  	v16 =	vsel vm0, $0x1, v0;
	v17 =	vsel vm1, $0x1, v0;
	v11 =	vld [tilespmem:s18+$0x0];
	v10 =	vmax.f32 v12, $0.0e+00  }
.Ltmp0:
0x39: {  	v18 =	vsel vm2, $0x1, v0;
	v19 =	vsel vm3, $0x1, v0;
	v12 =	vld [tilespmem:s18+$0x500];
	v10 =	vmul.f32 v10, v9;
	(pc) =	sbr.rel @p0 .LBB2_1-.Ltmp0, $4  }
0x3a: {  	v20 =	vsel vm4, $0x1, v0;
	v21 =	vsel vm5, $0x1, v0;
	v9 =	vsel vm6, $0x1, v0;
	v14 =	vld [tilespmem:s18+$0xA00]  }
0x3b: {  	v2 =	vadd.s32 v16, v2;
	v4 =	vadd.s32 v17, v4;
	v3 =	vadd.s32 v18, v3;
	v15 =	vld [tilespmem:s18+$0xF00];
	[tilespmem:s15+$0x1900] =	vst v10;
	s15 =	smov.u32 s18  }
0x3c: {  	v5 =	vadd.s32 v19, v5;
	v6 =	vadd.s32 v20, v6;
	vm0 =	vgt.f32 v13, $2.500000000e-01  }
0x3d: {  	s17 =	sadd.s32 $0x40, s17;
	v7 =	vadd.s32 v21, v7;
	v10 =	vnsel vm0, $0xFF800000, v13;
	v13 =	vsel vm0, $0x1, v0  }
0x3e: {  	[tilespmem:s15+$0x1400] =	vst v10;
	s16 =	sshra.s32 s16, $0x2  }
0x3f: {  	v16 =	vld [tilespmem:s16+$0x0]  }
0x40: {  	v17 =	vld [tilespmem:s16+$0x500]  }
0x41: {  	v18 =	vld [tilespmem:s16+$0xA00]  }
0x42: {  	v19 =	vld [tilespmem:s16+$0xF00];
	_ =	sdelay $0x1  }
0x43: {  	v11 =	vsub.f32 v14, v11;
	v58 =	vld [tilespmem:s16+$0x1400]  }
0x44: {  	v12 =	vsub.f32 v15, v12  }
0x45: {  	v11 =	vmax.f32 v11, $0.0e+00  }
0x46: {  	v12 =	vmax.f32 v12, $0.0e+00;
	v59 =	vsub.f32 v18, v16;
	v60 =	vsub.f32 v19, v17  }
0x47: {  	v11 =	vmul.f32 v12, v11  }
0x48: {  	vm0 =	vgt.f32 v58, $2.500000000e-01;
	v61 =	vmax.f32 v59, $0.0e+00;
	v62 =	vmax.f32 v60, $0.0e+00  }
0x49: {  	[tilespmem:s15+$0x1900] =	vst v11;
	v63 =	vnsel vm0, $0xFF800000, v58;
	v12 =	vmul.f32 v62, v61  }
0x4a: {  	s12 =	sadd.s32 $0x9C2, s12;
	[tilespmem:s16+$0x1400] =	vst v63  }
0x4b: {  	s21 =	simm.s32 $0x0;
	s22 =	simm.s32 $0x2000;
	v24 =	vimm.s32 $0xF;
	s23 =	simm.s32 $0x2;
	[tilespmem:s16+$0x1900] =	vst v12  }
0x4c: {  	[tilespmem:s22], [sflag:$0x2] =	stream.linear.gather [hbm4b:s12+s21], $0x10, $0x38;
	[tilespmem:$0x56B0] =	vst v63  }
0x4d: {  	_ =	swait.ge [sflag:s23], $0x10  }
0x4e: {  	[sflag:s23] =	ssyncset.done $0x0  }
0x4f: {  	s14 =	sadd.s32 $0x9C2, s14;
	[sflag:s23] =	ssyncadd.s32 $0xFFFFFFF0  }
0x50: {  	v25 =	vld.idx.msk [tilespmem:v24+s22+$0x0], $0xffff;
	[tilespmem:s22], [sflag:$0x2] =	stream.linear.gather [hbm4b:s14+s21], $0x10, $0x38  }
0x51: {  	_ =	swait.ge [sflag:s23], $0x10  }
0x52: {  	vm1 =	vgt.f32 v10, $9.919999830e-01;
	[sflag:s23] =	ssyncset.done $0x0  }
0x53: {  	s13 =	sadd.s32 $0x9C2, s13;
	vm2 =	vgt.f32 v10, $9.840000270e-01;
	vm3 =	vgt.f32 v10, $9.700000280e-01;
	[sflag:s23] =	ssyncadd.s32 $0xFFFFFFF0  }
0x54: {  	vm4 =	vgt.f32 v10, $9.399999970e-01;
	vm5 =	vgt.f32 v10, $8.799999950e-01;
	v26 =	vld.idx.msk [tilespmem:v24+s22+$0x0], $0xffff;
	[tilespmem:s22], [sflag:$0x2] =	stream.linear.gather [hbm4b:s13+s21], $0x10, $0x38  }
0x55: {  	v8 =	vadd.s32 v9, v8;
	vm6 =	vgt.f32 v10, $7.599999900e-01;
	vm7 =	vgt.f32 v10, $5.199999810e-01;
	_ =	swait.ge [sflag:s23], $0x10  }
0x56: {  	v28 =	vsel vm1, $0x1, v0;
	v29 =	vsel vm2, $0x1, v0;
	v30 =	vsel vm3, $0x1, v0;
	[sflag:s23] =	ssyncset.done $0x0  }
0x57: {  	s6 =	sadd.s32 $0x9C2, s6;
	v31 =	vsel vm4, $0x1, v0;
	v32 =	vsel vm5, $0x1, v0;
	v33 =	vsel vm6, $0x1, v0;
	[sflag:s23] =	ssyncadd.s32 $0xFFFFFFF0  }
0x58: {  	v20 =	vsel vm7, $0x1, v0;
	v2 =	vadd.s32 v28, v2;
	v4 =	vadd.s32 v29, v4;
	v27 =	vld.idx.msk [tilespmem:v24+s22+$0x0], $0xffff;
	[tilespmem:s22], [sflag:$0x2] =	stream.linear.gather [hbm4b:s6+s21], $0x10, $0x38  }
0x59: {  	v3 =	vadd.s32 v30, v3;
	v5 =	vadd.s32 v31, v5;
	v6 =	vadd.s32 v32, v6;
	_ =	swait.ge [sflag:s23], $0x10  }
0x5a: {  	v7 =	vadd.s32 v33, v7;
	v34 =	vsel vm0, $0x1, v0;
	vm0 =	vgt.f32 v63, $9.919999830e-01;
	[sflag:s23] =	ssyncset.done $0x0  }
0x5b: {  	s5 =	sadd.s32 $0x9C2, s5;
	vm1 =	vgt.f32 v63, $9.840000270e-01;
	v36 =	vsel vm0, $0x1, v0;
	vm0 =	vgt.f32 v63, $9.700000280e-01;
	[sflag:s23] =	ssyncadd.s32 $0xFFFFFFF0  }
0x5c: {  	v37 =	vsel vm1, $0x1, v0;
	vm1 =	vgt.f32 v63, $9.399999970e-01;
	v2 =	vadd.s32 v36, v2;
	v35 =	vld.idx.msk [tilespmem:v24+s22+$0x0], $0xffff;
	[tilespmem:s22], [sflag:$0x2] =	stream.linear.gather [hbm4b:s5+s21], $0x10, $0x38  }
0x5d: {  	v38 =	vsel vm0, $0x1, v0;
	v4 =	vadd.s32 v37, v4;
	vm0 =	vgt.f32 v63, $8.799999950e-01;
	_ =	swait.ge [sflag:s23], $0x10  }
0x5e: {  	v3 =	vadd.s32 v38, v3;
	v39 =	vsel vm0, $0x1, v0;
	(xrf0) =	vadd.scan.msk.s32 $0xffff, v2;
	v2 =	vsel vm1, $0x1, v0  }
0x5f: {  	vm0 =	vgt.f32 v63, $5.199999810e-01;
	vm1 =	vgt.f32 v63, $7.599999900e-01;
	(xrf0) =	vadd.scan.msk.s32 $0xffff, v4;
	v2 =	vadd.s32 v2, v5  }
0x60: {  	(xrf0) =	vadd.scan.msk.s32 $0xffff, v3;
	v3 =	vsel vm1, $0x1, v0;
	v0 =	vsel vm0, $0x1, v0;
	vm0 =	vmmov $0x1  }
0x61: {  	v4 =	vadd.s32 v39, v6;
	(xrf0) =	vadd.scan.msk.s32 $0xffff, v2;
	v2 =	vadd.s32 v3, v7;
	v3 =	vnsel vm0, $0x0, v25  }
0x62: {  	v1 =	vadd.s32 v13, v1;
	v8 =	vadd.s32 v20, v8;
	(xrf0) =	vadd.scan.msk.s32 $0xffff, v4  }
0x63: {  	v1 =	vadd.s32 v34, v1;
	vm1 =	vcmask $0x314;
	v0 =	vadd.s32 v0, v8;
	(xrf0) =	vadd.scan.msk.s32 $0xffff, v2  }
0x64: {  	v2 =	vsel vm1, v3, v26;
	vm1 =	vcmask $0x714;
	v3, _, _ =	vpop (xrf0);
	(xrf0) =	vadd.scan.msk.s32 $0xffff, v0  }
0x65: {  	v0 =	vsel vm1, v2, v27;
	vm1 =	vcmask $0xB14;
	v2 =	vbroadcast v3, $0xF;
	v3, _, _ =	vpop (xrf0);
	(xrf0) =	vadd.scan.msk.s32 $0xffff, v1  }
0x66: {  	vm4 =	vcmask $0xF14;
	[sflag:s23] =	ssyncset.done $0x0;
	v0 =	vsel vm1, v0, v35;
	v1, _, _ =	vpop (xrf0);
	v3 =	vbroadcast v3, $0xF  }
0x67: {  	[sflag:s23] =	ssyncadd.s32 $0xFFFFFFF0;
	vm1 =	vcmask $0x320;
	v2 =	vnsel vm0, $0x0, v2;
	v1 =	vbroadcast v1, $0xF;
	v40, _, _ =	vpop (xrf0)  }
0x68: {  	vm3 =	vcmask $0x720;
	v41 =	vld.idx.msk [tilespmem:v24+s22+$0x0], $0xffff;
	v2 =	vsel vm1, v2, v3;
	v3 =	vbroadcast v40, $0xF;
	v42, _, _ =	vpop (xrf0)  }
0x69: {  	vm7 =	vcmask $0xB20;
	v1 =	vsel vm3, v2, v1;
	v2 =	vbroadcast v42, $0xF;
	v43, _, _ =	vpop (xrf0)  }
0x6a: {  	vm5 =	vcmask $0xF20;
	v1 =	vsel vm7, v1, v3;
	v3 =	vbroadcast v43, $0xF;
	v44, _, _ =	vpop (xrf0)  }
0x6b: {  	vm6 =	vcmask $0x1320;
	v1 =	vsel vm5, v1, v2;
	v2 =	vbroadcast v44, $0xF;
	v45, _, _ =	vpop (xrf0)  }
0x6c: {  	vm2 =	vcmask $0x1720;
	v1 =	vsel vm6, v1, v3;
	v3 =	vbroadcast v45, $0xF  }
0x6d: {  	s5 =	sshll.u32 s2, $0x4;
	v0 =	vsel vm4, v0, v41;
	vm4 =	vcmask $0x1B20;
	v1 =	vsel vm2, v1, v2  }
0x6e: {  	s24 =	sadd.s32 s5, s1;
	[tilespmem:$0x1F80] =	vst v0;
	v0 =	vsel vm4, v1, v3  }
0x6f: {  	s25 =	simm.s32 $0x1E00;
	s6 =	sadd.s32 $0x200, s24;
	[tilespmem:$0x1E00] =	vst v0  }
0x70: {  	[spmem:s6] =	stream.linear.scatter [tilespmem:s25], [sflag:$0x2], $0x10, $0x38;
	[tilespmem:$0x56B0] =	vst v63  }
0x71: {  	_ =	swait.ge [sflag:s23], $0x10  }
0x72: {  	v0 =	vlaneseq.u32;
	[sflag:s23] =	ssyncset.done $0x0  }
0x73: {  	v1 =	vmul.u32 $0x10, v0;
	[sflag:s23] =	ssyncadd.s32 $0xFFFFFFF0  }
0x74: {  	s26 =	sadd.s32 $0x200, s1;
	s29 =	simm.s32 $0x1E80;
	[bflag:$0x0] =	sbarrier.arrive $0xFFFF  }
0x75: {  	v2 =	vor.u32 $0x1, v1;
	[tilespmem:s29], [sflag:$0x2] =	stream.linear.gather [spmem:s26], $0x100, $0x38;
	[tilespmem:$0x56B0] =	vst v63  }
0x76: {  	v3 =	vor.u32 $0x2, v1;
	_ =	swait.ge [sflag:s23], $0x100  }
0x77: {  	v46 =	vor.u32 $0x3, v1;
	[sflag:s23] =	ssyncset.done $0x0  }
0x78: {  	[sflag:s23] =	ssyncadd.s32 $0xFFFFFF00  }
0x79: {  	v48 =	vor.u32 $0x4, v1;
	v47 =	vld.idx.msk [tilespmem:v1+s29+$0x0], $0xffff  }
0x7a: {  	v49 =	vor.u32 $0x5, v1;
	v2 =	vld.idx.msk [tilespmem:v2+s29+$0x0], $0xffff  }
0x7b: {  	v3 =	vld.idx.msk [tilespmem:v3+s29+$0x0], $0xffff  }
0x7c: {  	v4 =	vld.idx.msk [tilespmem:v46+s29+$0x0], $0xffff  }
0x7d: {  	v50 =	vor.u32 $0x6, v1  }
0x7e: {  	v52 =	vor.u32 $0x7, v1;
	v51 =	vld.idx.msk [tilespmem:v48+s29+$0x0], $0xffff;
	(xrf0) =	vadd.scan.msk.s32 $0xffff, v47  }
0x7f: {  	(xrf0) =	vadd.scan.msk.s32 $0xffff, v2;
	v2 =	vld.idx.msk [tilespmem:v49+s29+$0x0], $0xffff  }
0x80: {  	(xrf0) =	vadd.scan.msk.s32 $0xffff, v3  }
0x81: {  	(xrf0) =	vadd.scan.msk.s32 $0xffff, v4  }
0x82: {  	v3 =	vld.idx.msk [tilespmem:v50+s29+$0x0], $0xffff  }
0x83: {  	v53 =	vld.idx.msk [tilespmem:v52+s29+$0x0], $0xffff;
	(xrf0) =	vadd.scan.msk.s32 $0xffff, v51  }
0x84: {  	v54, _, _ =	vpop (xrf0);
	(xrf0) =	vadd.scan.msk.s32 $0xffff, v2  }
0x85: {  	v2 =	vbroadcast v54, $0xF;
	v55, _, _ =	vpop (xrf0)  }
0x86: {  	v5 =	vbroadcast v55, $0xF;
	v56, _, _ =	vpop (xrf0)  }
0x87: {  	(xrf0) =	vadd.scan.msk.s32 $0xffff, v3;
	v2 =	vnsel vm0, $0x0, v2;
	v6 =	vbroadcast v56, $0xF;
	v57, _, _ =	vpop (xrf0)  }
0x88: {  	(xrf0) =	vadd.scan.msk.s32 $0xffff, v53;
	v2 =	vsel vm1, v2, v5;
	v3 =	vbroadcast v57, $0xF  }
0x89: {  	v58, _, _ =	vpop (xrf0);
	v2 =	vsel vm3, v2, v6  }
0x8a: {  	v2 =	vsel vm7, v2, v3;
	v3 =	vbroadcast v58, $0xF;
	v59, _, _ =	vpop (xrf0)  }
0x8b: {  	v60 =	vimm.s32 $0x80000007;
	vm3 =	vcmask $0x300;
	v4 =	vbroadcast v59, $0xF  }
0x8c: {  	v2 =	vsel vm5, v2, v3;
	v3 =	vsel vm3, $0x80000000, v60;
	vm5 =	vcmask $0x704  }
0x8d: {  	v61, _, _ =	vpop (xrf0);
	v2 =	vsel vm6, v2, v4;
	v3 =	vsel vm5, $0x80000001, v3;
	vm6 =	vcmask $0xB08  }
0x8e: {  	vm7 =	vcmask $0xF0C;
	v4 =	vbroadcast v61, $0xF;
	v62, _, _ =	vpop (xrf0);
	v3 =	vsel vm6, $0x80000002, v3  }
0x8f: {  	vm1 =	vcmask $0x1310;
	v5 =	vbroadcast v62, $0xF;
	v3 =	vsel vm7, $0x80000003, v3  }
0x90: {  	v2 =	vsel vm2, v2, v4;
	vm2 =	vcmask $0x1714;
	v3 =	vsel vm1, $0x80000004, v3  }
0x91: {  	v2 =	vsel vm4, v2, v5;
	vm4 =	vcmask $0x1B18;
	v3 =	vsel vm2, $0x80000005, v3  }
0x92: {  	vm8 =	vgt.s32 v2, $0x8F;
	v3 =	vsel vm4, $0x80000006, v3  }
0x93: {  	v3 =	vnsel vm8, $0x80000007, v3  }
0x94: {  	(xrf0) =	vmin.scan.msk.u32 $0xffff, v3;
	_ =	sdelay $0x5  }
0x95: {  	v3, _, _ =	vpop (xrf0)  }
0x96: {  	(v2sf) =	vpush v3, $0xF;
	_ =	sdelay $0xe  }
0x97: {  	s30 =	spop (v2sf)  }
0x98: {  	s6 =	sxor.u32 $0x80000000, s30  }
0x99: {  	v3 =	vmov s6  }
0x9a: {  	vm8 =	veq.s32 v3, v0  }
0x9b: {  	v3 =	vnsel vm8, $0x0, v2  }
0x9c: {  	(xrf0) =	vadd.scan.msk.s32 $0xffff, v3;
	_ =	sdelay $0x5  }
0x9d: {  	v3, _, _ =	vpop (xrf0)  }
0x9e: {  	(v2sf) =	vpush v3, $0xF;
	_ =	sdelay $0xe  }
0x9f: {  	s31 =	spop (v2sf)  }
0xa0: {  	s12 =	sadd.s32 $0x7FFFFFFF, s30;
	s14 =	smov.u32 s6;
	p0 =	sgt.s32 s31, $0xC0  }
0xa1: {  	p1 =	sgt.s32 s6, $0x0;
	s14 =	smov.u32 @p0 s12  }
0xa2: {  	s6 =	smov.u32 @p1 s14  }
0xa3: {  	v1 =	vadd.s32 s6, v1;
	_ =	sdelay $0x4  }
0xa4: {  	v1 =	vld.idx.msk [tilespmem:v1+s29+$0x0], $0xffff;
	_ =	sdelay $0x1  }
0xa5: {  	v3 =	vmov s6  }
0xa6: {  	vm8 =	veq.s32 v3, v0  }
0xa7: {  	v63 =	vmov s2;
	v2 =	vnsel vm8, $0x0, v2  }
0xa8: {  	vm9 =	veq.s32 v63, v0;
	(xrf0) =	vadd.scan.msk.s32 $0xffff, v2;
	v3 =	vadd.s32 $0xF, v1  }
0xa9: {  	v1 =	vnsel vm9, $0x0, v1;
	v2 =	vand.u32 $0xFFFFFFF0, v3  }
0xaa: {  	vm10 =	vgt.u32 v63, v0;
	(xrf0) =	vadd.scan.msk.s32 $0xffff, v1;
	v1 =	vnsel vm9, $0x0, v2  }
0xab: {  	(xrf0) =	vadd.scan.msk.s32 $0xffff, v1;
	v1 =	vnsel vm10, $0x0, v2;
	_ =	sdelay $0x1  }
0xac: {  	(xrf0) =	vadd.scan.msk.s32 $0xffff, v1  }
0xad: {  	(xrf0) =	vadd.scan.msk.s32 $0xffff, v2;
	v1, _, _ =	vpop (xrf0)  }
0xae: {  	(v2sf) =	vpush v1, $0xF;
	_ =	sdelay $0x1  }
0xaf: {  	v2, _, _ =	vpop (xrf0)  }
0xb0: {  	(v2sf) =	vpush v2, $0xF;
	v1, _, _ =	vpop (xrf0)  }
0xb1: {  	v2, _, _ =	vpop (xrf0);
	(v2sf) =	vpush v1, $0xF  }
0xb2: {  	(v2sf) =	vpush v2, $0xF;
	v1, _, _ =	vpop (xrf0)  }
0xb3: {  	(v2sf) =	vpush v1, $0xF;
	_ =	sdelay $0x8  }
0xb4: {  	s16 =	spop (v2sf)  }
0xb5: {  	p0 =	sgt.s32 s16, $0xC0  }
.Ltmp1:
0xb6: {  	_ = 	snop;
	(pc) =	sbr.rel @p0 .LBB2_6-.Ltmp1, $4  }
0xb7: {  	s14 =	spop (v2sf)  }
0xb8: {  	s13 =	spop (v2sf)  }
0xb9: {  	s15 =	spop (v2sf)  }
0xba: {  	s12 =	spop (v2sf)  }
0xbb: {  	v1 =	vimm.f32 $2.500000000e-01  }
0xbc: {  	v1 =	vsel vm3, $0x3F7DF3B6, v1  }
0xbd: {  	v1 =	vsel vm5, $0x3F7BE76D, v1  }
0xbe: {  	v1 =	vsel vm6, $0x3F7851EC, v1  }
0xbf: {  	v1 =	vsel vm7, $0x3F70A3D7, v1  }
0xc0: {  	v1 =	vsel vm1, $0x3F6147AE, v1  }
0xc1: {  	v1 =	vsel vm2, $0x3F428F5C, v1  }
0xc2: {  	v1 =	vsel vm4, $0x3F051EB8, v1  }
0xc3: {  	v1 =	vnsel vm8, $0x0, v1  }
0xc4: {  	(xrf2) =	vadd.scan.msk.f32 $0xffff, v1;
	_ =	sdelay $0x8  }
0xc5: {  	s20 =	simm.s32 $0x4700;
	s21 =	simm.s32 $0x2700  }
0xc6: {  	s19 =	simm.s32 $0x2F00;
	s17 =	simm.s32 $0x3700;
	s18 =	simm.s32 $0x3F00;
	v1, _, _ =	vpop (xrf2)  }
0xc7: {  	v2 =	vimm.s32 $0x0;
	s22 =	simm.s32 $0x0;
	s24 =	simm.s32 $0x40;
	s23 =	smov.u32 s15;
	v1 =	vbroadcast v1, $0xF  }
.LBB2_4:
0xc8: {  	p1 =	sne.s32 s24, $0x13C0;
	v3 =	vld [tilespmem:s22+$0x1400];
	_ =	sdelay $0x4  }
0xc9: {  	vm2 =	vgt.f32 v3, v1  }
0xca: {  	v4 =	vsel vm2, $0x1, v2  }
0xcb: {  	(xrf0) =	vadd.scan.msk.s32 $0xffff, v4;
	_ =	sdelay $0x2  }
0xcc: {  	v4 =	vmov s23  }
0xcd: {  	v4 =	vadd.s32 $0xFFFFFFFF, v4  }
0xce: {  	v4 =	vbroadcast v4, $0x0  }
0xcf: {  	v5, _, _ =	vpop (xrf0)  }
0xd0: {  	v4 =	vadd.s32 v5, v4;
	(v2sf) =	vpush v5, $0xF;
	_ =	sdelay $0x4  }
0xd1: {  	[tilespmem:v4+s20+$0x0] =	vst.idx.msk vm2, v3  }
0xd2: {  	v3 =	vld [tilespmem:s22+$0x0];
	_ =	sdelay $0x4  }
0xd3: {  	[tilespmem:v4+s21+$0x0] =	vst.idx.msk vm2, v3  }
0xd4: {  	v3 =	vld [tilespmem:s22+$0x500];
	_ =	sdelay $0x2  }
0xd5: {  	s25 =	spop (v2sf)  }
0xd6: {  	s23 =	sadd.s32 s23, s25  }
0xd7: {  	[tilespmem:v4+s19+$0x0] =	vst.idx.msk vm2, v3  }
0xd8: {  	v3 =	vld [tilespmem:s22+$0xA00];
	_ =	sdelay $0x4  }
0xd9: {  	[tilespmem:v4+s17+$0x0] =	vst.idx.msk vm2, v3  }
0xda: {  	v3 =	vld [tilespmem:s22+$0xF00]  }
.Ltmp2:
0xdb: {  	(pc) =	sbr.rel @p1 .LBB2_4-.Ltmp2, $2  }
0xdc: {  	_ =	sdelay $0x2  }
0xdd: {  	s22 =	sshra.s32 s24, $0x2;
	s24 =	sadd.s32 $0x40, s24;
	[tilespmem:v4+s18+$0x0] =	vst.idx.msk vm2, v3  }
0xde: {  	v3 =	vld [tilespmem:s22+$0x1400];
	_ =	sdelay $0x4  }
0xdf: {  	vm2 =	vgt.f32 v3, v1  }
0xe0: {  	v1 =	vsel vm2, $0x1, v2  }
0xe1: {  	(xrf0) =	vadd.scan.msk.s32 $0xffff, v1;
	_ =	sdelay $0x2  }
0xe2: {  	v1 =	vmov s23  }
0xe3: {  	v1 =	vadd.s32 $0xFFFFFFFF, v1  }
0xe4: {  	v1 =	vbroadcast v1, $0x0  }
0xe5: {  	v2, _, _ =	vpop (xrf0)  }
0xe6: {  	v1 =	vadd.s32 v2, v1;
	_ =	sdelay $0x4  }
0xe7: {  	[tilespmem:v1+s20+$0x0] =	vst.idx.msk vm2, v3  }
0xe8: {  	v3 =	vld [tilespmem:s22+$0x0];
	_ =	sdelay $0x4  }
0xe9: {  	[tilespmem:v1+s21+$0x0] =	vst.idx.msk vm2, v3  }
0xea: {  	v3 =	vld [tilespmem:s22+$0x500];
	_ =	sdelay $0x1  }
0xeb: {  	(v2sf) =	vpush v2, $0xF;
	_ =	sdelay $0x2  }
0xec: {  	[tilespmem:v1+s19+$0x0] =	vst.idx.msk vm2, v3  }
0xed: {  	v2 =	vld [tilespmem:s22+$0xA00];
	_ =	sdelay $0x4  }
0xee: {  	[tilespmem:v1+s17+$0x0] =	vst.idx.msk vm2, v2  }
0xef: {  	v2 =	vld [tilespmem:s22+$0xF00];
	_ =	sdelay $0x4  }
0xf0: {  	s31 =	spop (v2sf);
	[tilespmem:v1+s18+$0x0] =	vst.idx.msk vm2, v2  }
.LBB2_6:
0xf1: {  	s17 =	ssub.s32 s13, s14;
	vm2 =	vmxor vm2, vm2;
	p1 =	slt.s32 s16, $0xC1;
	s25 =	sand.u32 $0xF, s13  }
0xf2: {  	s26 =	sshra.s32 s13, $0x1F;
	p6 =	slt.s32 s13, $0x1;
	vm3 =	vmmov vm2;
	p2 =	sne.s32 s25, $0x0  }
0xf3: {  	s29 =	sadd.s32 s14, s15;
	s30 =	sshrl.u32 s26, $0x1C;
	vm3 =	vmneg @p1 vm3;
	p1 =	por !p6, !p2  }
0xf4: {  	s14 =	simm.s32 $0x1;
	s31 =	sadd.s32 s30, s13;
	p1 =	por !p1, !p1  }
0xf5: {  	v1 =	vmov s17;
	s13 =	sshra.s32 s31, $0x4;
	s14 =	simm.s32 @!p1 $0x0  }
0xf6: {  	vm4 =	vgt.s32 v1, v0;
	s17 =	ssub.s32 s13, s14  }
0xf7: {  	vm3 =	vmand vm4, vm3;
	p1 =	slt.s32 @!p0 s17, $0x1  }
0xf8: {  	v1 =	vadd.s32 s29, v0;
	p1 =	por p0, p1  }
.Ltmp3:
0xf9: {  	_ = 	snop;
	(pc) =	sbr.rel @p1 .LBB2_14-.Ltmp3, $3  }
0xfa: {  	_ =	sdelay $0x1  }
0xfb: {  	v0 =	vimm.f32 $-Inf;
	s13 =	simm.s32 $0x4700  }
0xfc: {  	s14 =	simm.s32 $0x1;
	[tilespmem:v1+s13+$0x0] =	vst.idx.msk vm3, v0  }
0xfd: {  	p2 =	sgt.s32 s17, $0x1  }
.Ltmp4:
0xfe: {  	_ = 	snop;
	(pc) =	sbr.rel @!p2 .LBB2_8-.Ltmp4, $4  }
0xff: {  	s15 =	sshll.u32 s15, $0x2  }
0x100: {  	s18 =	simm.s32 $0x3F00;
	s19 =	simm.s32 $0x3700;
	s21 =	simm.s32 $0x2F00  }
0x101: {  	s20 =	simm.s32 $0x2700;
	s29 =	sadd.s32 $0x10, s11;
	s16 =	sshra.s32 s15, $0x2  }
0x102: {  	p1 =	por $0x0, $0x0;
	s15 =	simm.s32 $0x2;
	s26 =	sadd.s32 s16, s11  }
0x103: {  	s18 =	sadd.s32 $0x4700, s16  }
0x104: {  	[spmem:s26] =	stream.linear.scatter [tilespmem:s18], [sflag:$0x2], $0x10, $0x38;
	[tilespmem:$0x56B0] =	vst v63  }
0x105: {  	_ =	swait.ge [sflag:s15], $0x10  }
0x106: {  	[sflag:s15] =	ssyncset.done $0x0  }
0x107: {  	s0 =	sadd.s32 s16, s10;
	s19 =	sadd.s32 $0x2700, s16;
	[sflag:s15] =	ssyncadd.s32 $0xFFFFFFF0  }
0x108: {  	[spmem:s0] =	stream.linear.scatter [tilespmem:s19], [sflag:$0x2], $0x10, $0x38;
	[tilespmem:$0x56B0] =	vst v63  }
0x109: {  	s2 =	smov.u32 s28;
	s20 =	sadd.s32 s16, s9;
	_ =	swait.ge [sflag:s15], $0x10  }
0x10a: {  	s21 =	sadd.s32 $0x2F00, s16;
	s28 =	simm.s32 $0x2;
	[sflag:s15] =	ssyncset.done $0x0  }
0x10b: {  	p2 =	sgt.s32 s17, $0x2;
	s22 =	sadd.s32 s16, s8;
	[sflag:s15] =	ssyncadd.s32 $0xFFFFFFF0  }
0x10c: {  	[spmem:s20] =	stream.linear.scatter [tilespmem:s21], [sflag:$0x2], $0x10, $0x38;
	[tilespmem:$0x56B0] =	vst v63  }
0x10d: {  	s23 =	sadd.s32 $0x3700, s16;
	s25 =	sadd.s32 $0x10, s10;
	_ =	swait.ge [sflag:s15], $0x10  }
0x10e: {  	s24 =	sadd.s32 s16, s7;
	s31 =	sadd.s32 $0x3F00, s16;
	[sflag:s15] =	ssyncset.done $0x0  }
0x10f: {  	s30 =	sadd.s32 $0x10, s29;
	p1 =	por $0x1, $0x1;
	[sflag:s15] =	ssyncadd.s32 $0xFFFFFFF0  }
0x110: {  	[spmem:s22] =	stream.linear.scatter [tilespmem:s23], [sflag:$0x2], $0x10, $0x38;
	[tilespmem:$0x56B0] =	vst v63  }
0x111: {  	s26 =	sadd.s32 s16, s29;
	s18 =	simm.s32 $0x3F10;
	_ =	swait.ge [sflag:s15], $0x10  }
.Ltmp5:
0x112: {  	s29 =	simm.s32 $0x4710;
	[sflag:s15] =	ssyncset.done $0x0;
	(pc) =	sbr.rel @!p2 .LBB2_10-.Ltmp5, $4  }
0x113: {  	s19 =	simm.s32 $0x3710;
	s20 =	simm.s32 $0x2710;
	[sflag:s15] =	ssyncadd.s32 $0xFFFFFFF0  }
0x114: {  	[spmem:s24] =	stream.linear.scatter [tilespmem:s31], [sflag:$0x2], $0x10, $0x38;
	[tilespmem:$0x56B0] =	vst v63  }
0x115: {  	s21 =	simm.s32 $0x2F10;
	s23 =	sadd.s32 $0x10, s9;
	_ =	swait.ge [sflag:s15], $0x10  }
0x116: {  	s22 =	sadd.s32 $0x10, s8;
	s24 =	sadd.s32 $0x10, s7;
	[sflag:s15] =	ssyncset.done $0x0  }
.LBB2_11:
0x117: {  	s31 =	sadd.s32 s16, s30;
	s0 =	sadd.s32 s16, s29;
	[sflag:s15] =	ssyncadd.s32 $0xFFFFFFF0  }
0x118: {  	[spmem:s26] =	stream.linear.scatter [tilespmem:s0], [sflag:$0x2], $0x10, $0x38;
	[tilespmem:$0x56B0] =	vst v63  }
0x119: {  	s28 =	sadd.s32 $0x1, s28;
	s26 =	smov.u32 s31;
	_ =	swait.ge [sflag:s15], $0x10  }
0x11a: {  	p2 =	sgt.s32 s17, s28;
	[sflag:s15] =	ssyncset.done $0x0  }
0x11b: {  	s0 =	sadd.s32 s16, s25;
	s31 =	sadd.s32 s16, s20;
	[sflag:s15] =	ssyncadd.s32 $0xFFFFFFF0  }
0x11c: {  	[spmem:s0] =	stream.linear.scatter [tilespmem:s31], [sflag:$0x2], $0x10, $0x38;
	[tilespmem:$0x56B0] =	vst v63  }
0x11d: {  	_ =	swait.ge [sflag:s15], $0x10  }
0x11e: {  	[sflag:s15] =	ssyncset.done $0x0  }
0x11f: {  	s0 =	sadd.s32 s16, s23;
	s31 =	sadd.s32 s16, s21;
	[sflag:s15] =	ssyncadd.s32 $0xFFFFFFF0  }
0x120: {  	[spmem:s0] =	stream.linear.scatter [tilespmem:s31], [sflag:$0x2], $0x10, $0x38;
	[tilespmem:$0x56B0] =	vst v63  }
0x121: {  	s25 =	sadd.s32 $0x10, s25;
	_ =	swait.ge [sflag:s15], $0x10  }
0x122: {  	s20 =	sadd.s32 $0x10, s20;
	s23 =	sadd.s32 $0x10, s23;
	[sflag:s15] =	ssyncset.done $0x0  }
0x123: {  	s0 =	sadd.s32 s16, s22;
	s31 =	sadd.s32 s16, s19;
	[sflag:s15] =	ssyncadd.s32 $0xFFFFFFF0  }
0x124: {  	[spmem:s0] =	stream.linear.scatter [tilespmem:s31], [sflag:$0x2], $0x10, $0x38;
	[tilespmem:$0x56B0] =	vst v63  }
0x125: {  	s21 =	sadd.s32 $0x10, s21;
	s22 =	sadd.s32 $0x10, s22;
	_ =	swait.ge [sflag:s15], $0x10  }
.Ltmp6:
0x126: {  	s19 =	sadd.s32 $0x10, s19;
	[sflag:s15] =	ssyncset.done $0x0;
	(pc) =	sbr.rel @p2 .LBB2_11-.Ltmp6, $4  }
0x127: {  	s0 =	sadd.s32 s16, s24;
	s31 =	sadd.s32 s16, s18;
	[sflag:s15] =	ssyncadd.s32 $0xFFFFFFF0  }
0x128: {  	[spmem:s0] =	stream.linear.scatter [tilespmem:s31], [sflag:$0x2], $0x10, $0x38;
	[tilespmem:$0x56B0] =	vst v63  }
0x129: {  	s18 =	sadd.s32 $0x10, s18;
	s24 =	sadd.s32 $0x10, s24;
	_ =	swait.ge [sflag:s15], $0x10  }
0x12a: {  	s30 =	sadd.s32 $0x10, s30;
	s29 =	sadd.s32 $0x10, s29;
	[sflag:s15] =	ssyncset.done $0x0  }
0x12b: {  	s28 =	smov.u32 s2;
	s2 =	stileid.u32  }
.LBB2_13:
0x12c: {  	s0 =	sadd.s32 s16, s29;
	[sflag:s15] =	ssyncadd.s32 @p1 $0xFFFFFFF0  }
0x12d: {  	[spmem:s26] =	stream.linear.scatter [tilespmem:s0], [sflag:$0x2], $0x10, $0x38;
	[tilespmem:$0x56B0] =	vst v63  }
0x12e: {  	_ =	swait.ge [sflag:s15], $0x10  }
0x12f: {  	[sflag:s15] =	ssyncset.done $0x0  }
0x130: {  	s31 =	sadd.s32 s16, s25;
	s17 =	sadd.s32 s16, s20;
	[sflag:s15] =	ssyncadd.s32 $0xFFFFFFF0  }
0x131: {  	[spmem:s31] =	stream.linear.scatter [tilespmem:s17], [sflag:$0x2], $0x10, $0x38;
	[tilespmem:$0x56B0] =	vst v63  }
0x132: {  	_ =	swait.ge [sflag:s15], $0x10  }
0x133: {  	[sflag:s15] =	ssyncset.done $0x0  }
0x134: {  	s23 =	sadd.s32 s16, s23;
	s25 =	sadd.s32 s16, s21;
	[sflag:s15] =	ssyncadd.s32 $0xFFFFFFF0  }
0x135: {  	[spmem:s23] =	stream.linear.scatter [tilespmem:s25], [sflag:$0x2], $0x10, $0x38;
	[tilespmem:$0x56B0] =	vst v63  }
0x136: {  	_ =	swait.ge [sflag:s15], $0x10  }
0x137: {  	[sflag:s15] =	ssyncset.done $0x0  }
0x138: {  	s29 =	sadd.s32 s16, s19;
	s26 =	sadd.s32 s16, s22;
	[sflag:s15] =	ssyncadd.s32 $0xFFFFFFF0  }
0x139: {  	[spmem:s26] =	stream.linear.scatter [tilespmem:s29], [sflag:$0x2], $0x10, $0x38;
	[tilespmem:$0x56B0] =	vst v63  }
0x13a: {  	_ =	swait.ge [sflag:s15], $0x10  }
0x13b: {  	[sflag:s15] =	ssyncset.done $0x0  }
0x13c: {  	s30 =	sadd.s32 s16, s24;
	s31 =	sadd.s32 s16, s18;
	[sflag:s15] =	ssyncadd.s32 $0xFFFFFFF0  }
0x13d: {  	[spmem:s30] =	stream.linear.scatter [tilespmem:s31], [sflag:$0x2], $0x10, $0x38;
	[tilespmem:$0x56B0] =	vst v63  }
0x13e: {  	_ =	swait.ge [sflag:s15], $0x10  }
0x13f: {  	[sflag:s15] =	ssyncset.done $0x0  }
0x140: {  	[sflag:s15] =	ssyncadd.s32 $0xFFFFFFF0  }
.LBB2_14:
0x141: {  	[bflag:$0x0] =	sbarrier.arrive $0xFFFF;
	s0 =	simm.s32 $0x2  }
0x142: {  	[tilespmem:s13], [sflag:$0x2] =	stream.linear.gather [spmem:s11], $0x800, $0x38;
	[tilespmem:$0x56B0] =	vst v63  }
0x143: {  	_ =	swait.ge [sflag:s0], $0x800  }
0x144: {  	[sflag:s0] =	ssyncset.done $0x0  }
0x145: {  	s11 =	simm.s32 $0x2700;
	[sflag:s0] =	ssyncadd.s32 $0xFFFFF800  }
0x146: {  	[tilespmem:s11], [sflag:$0x2] =	stream.linear.gather [spmem:s10], $0x800, $0x38;
	[tilespmem:$0x56B0] =	vst v63  }
0x147: {  	_ =	swait.ge [sflag:s0], $0x800  }
0x148: {  	[sflag:s0] =	ssyncset.done $0x0  }
0x149: {  	s10 =	simm.s32 $0x2F00;
	[sflag:s0] =	ssyncadd.s32 $0xFFFFF800  }
0x14a: {  	[tilespmem:s10], [sflag:$0x2] =	stream.linear.gather [spmem:s9], $0x800, $0x38;
	[tilespmem:$0x56B0] =	vst v63  }
0x14b: {  	_ =	swait.ge [sflag:s0], $0x800  }
0x14c: {  	[sflag:s0] =	ssyncset.done $0x0  }
0x14d: {  	s9 =	simm.s32 $0x3700;
	[sflag:s0] =	ssyncadd.s32 $0xFFFFF800  }
0x14e: {  	[tilespmem:s9], [sflag:$0x2] =	stream.linear.gather [spmem:s8], $0x800, $0x38;
	[tilespmem:$0x56B0] =	vst v63  }
0x14f: {  	_ =	swait.ge [sflag:s0], $0x800  }
0x150: {  	[sflag:s0] =	ssyncset.done $0x0  }
0x151: {  	s8 =	simm.s32 $0x3F00;
	[sflag:s0] =	ssyncadd.s32 $0xFFFFF800  }
0x152: {  	[tilespmem:s8], [sflag:$0x2] =	stream.linear.gather [spmem:s7], $0x800, $0x38;
	[tilespmem:$0x56B0] =	vst v63  }
0x153: {  	_ =	swait.ge [sflag:s0], $0x800  }
0x154: {  	[sflag:s0] =	ssyncset.done $0x0  }
0x155: {  	s29 =	sand.u32 $0xF, s12;
	[sflag:s0] =	ssyncadd.s32 $0xFFFFF800  }
0x156: {  	s30 =	sshra.s32 s12, $0x1F;
	p1 =	slt.s32 s12, $0x1;
	p2 =	sne.s32 s29, $0x0;
	[tilespmem:$0x5300] =	vst v0  }
0x157: {  	s31 =	sshrl.u32 s30, $0x1C;
	p1 =	por !p1, !p2;
	[tilespmem:$0x5310] =	vst v0  }
0x158: {  	p1 =	por !p1, !p1;
	s0 =	sadd.s32 s31, s12;
	[tilespmem:$0x5320] =	vst v0  }
0x159: {  	s14 =	simm.s32 @!p1 $0x0;
	[tilespmem:$0x5330] =	vst v0;
	s0 =	sshra.s32 s0, $0x4  }
0x15a: {  	[tilespmem:$0x5340] =	vst v0;
	s7 =	ssub.s32 s0, s14  }
0x15b: {  	[tilespmem:$0x5350] =	vst v0;
	p1 =	slt.s32 @!p0 s7, $0x1  }
0x15c: {  	[tilespmem:$0x5360] =	vst v0;
	p1 =	por p0, p1  }
.Ltmp7:
0x15d: {  	[tilespmem:$0x5370] =	vst v0;
	(pc) =	sbr.rel @p1 .LBB2_15-.Ltmp7, $4  }
0x15e: {  	[tilespmem:$0x5380] =	vst v0  }
0x15f: {  	[tilespmem:$0x5390] =	vst v0  }
0x160: {  	[tilespmem:$0x53A0] =	vst v0  }
0x161: {  	[tilespmem:$0x53B0] =	vst v0  }
0x162: {  	v1 =	vld [tilespmem:s13+$0x0];
	_ =	sdelay $0x4  }
0x163: {  	vm3 =	vlt.f32 v1, $-Inf;
	vm4 =	vgt.f32 v1, $-Inf  }
0x164: {  	v0 =	vimm.s32 $0x0;
	vm3 =	vmor vm4, vm3  }
0x165: {  	v2 =	vsel vm3, $0x1, v0  }
0x166: {  	(xrf0) =	vadd.scan.msk.s32 $0xffff, v2;
	_ =	sdelay $0x1  }
0x167: {  	s0 =	simm.s32 $0x0  }
0x168: {  	v2 =	vmov s0  }
0x169: {  	v2 =	vadd.s32 $0xFFFFFFFF, v2  }
0x16a: {  	v2 =	vbroadcast v2, $0x0  }
0x16b: {  	v3, _, _ =	vpop (xrf0)  }
0x16c: {  	v2 =	vadd.s32 v3, v2;
	_ =	sdelay $0x3  }
0x16d: {  	s12 =	simm.s32 $0x5300  }
0x16e: {  	[tilespmem:v2+s12+$0x0] =	vst.idx.msk vm3, v1  }
0x16f: {  	v1 =	vld [tilespmem:s11+$0x0];
	_ =	sdelay $0x3  }
0x170: {  	s13 =	simm.s32 $0x4F00  }
0x171: {  	[tilespmem:v2+s13+$0x0] =	vst.idx.msk vm3, v1  }
0x172: {  	v1 =	vld [tilespmem:s10+$0x0]  }
0x173: {  	(v2sf) =	vpush v3, $0xF;
	_ =	sdelay $0x2  }
0x174: {  	s14 =	simm.s32 $0x5000  }
0x175: {  	[tilespmem:v2+s14+$0x0] =	vst.idx.msk vm3, v1  }
0x176: {  	v1 =	vld [tilespmem:s9+$0x0];
	_ =	sdelay $0x3  }
0x177: {  	s15 =	simm.s32 $0x5100  }
0x178: {  	[tilespmem:v2+s15+$0x0] =	vst.idx.msk vm3, v1  }
0x179: {  	p1 =	sgt.s32 s7, $0x1;
	v1 =	vld [tilespmem:s8+$0x0]  }
.Ltmp8:
0x17a: {  	_ = 	snop;
	(pc) =	sbr.rel @!p1 .LBB2_18-.Ltmp8, $3  }
0x17b: {  	_ =	sdelay $0x1  }
0x17c: {  	s16 =	simm.s32 $0x5200;
	s31 =	spop (v2sf)  }
0x17d: {  	s17 =	simm.s32 $0x1;
	s19 =	simm.s32 $0x4710;
	s18 =	sadd.s32 $0x0, s31;
	[tilespmem:v2+s16+$0x0] =	vst.idx.msk vm3, v1  }
.LBB2_17:
0x17e: {  	v1 =	vld [tilespmem:s19+$0x0];
	s17 =	sadd.s32 $0x1, s17  }
0x17f: {  	p1 =	sgt.s32 s7, s17;
	_ =	sdelay $0x3  }
0x180: {  	vm3 =	vlt.f32 v1, $-Inf;
	vm4 =	vgt.f32 v1, $-Inf  }
0x181: {  	vm3 =	vmor vm4, vm3  }
0x182: {  	v2 =	vsel vm3, $0x1, v0  }
0x183: {  	(xrf0) =	vadd.scan.msk.s32 $0xffff, v2;
	_ =	sdelay $0x2  }
0x184: {  	v2 =	vmov s18  }
0x185: {  	v2 =	vadd.s32 $0xFFFFFFFF, v2  }
0x186: {  	v2 =	vbroadcast v2, $0x0  }
0x187: {  	v3, _, _ =	vpop (xrf0)  }
0x188: {  	v2 =	vadd.s32 v3, v2;
	(v2sf) =	vpush v3, $0xF;
	_ =	sdelay $0x4  }
0x189: {  	s11 =	sadd.s32 $0x10, s11;
	[tilespmem:v2+s12+$0x0] =	vst.idx.msk vm3, v1  }
0x18a: {  	v1 =	vld [tilespmem:s11+$0x0];
	_ =	sdelay $0x4  }
0x18b: {  	s10 =	sadd.s32 $0x10, s10;
	[tilespmem:v2+s13+$0x0] =	vst.idx.msk vm3, v1  }
0x18c: {  	v1 =	vld [tilespmem:s10+$0x0];
	_ =	sdelay $0x2  }
0x18d: {  	s0 =	spop (v2sf)  }
0x18e: {  	s18 =	sadd.s32 s18, s0  }
0x18f: {  	s9 =	sadd.s32 $0x10, s9;
	[tilespmem:v2+s14+$0x0] =	vst.idx.msk vm3, v1  }
0x190: {  	v1 =	vld [tilespmem:s9+$0x0];
	_ =	sdelay $0x4  }
0x191: {  	s8 =	sadd.s32 $0x10, s8;
	[tilespmem:v2+s15+$0x0] =	vst.idx.msk vm3, v1  }
0x192: {  	v1 =	vld [tilespmem:s8+$0x0]  }
.Ltmp9:
0x193: {  	(pc) =	sbr.rel @p1 .LBB2_17-.Ltmp9, $2  }
0x194: {  	_ =	sdelay $0x2  }
0x195: {  	s19 =	sadd.s32 $0x10, s19;
	[tilespmem:v2+s16+$0x0] =	vst.idx.msk vm3, v1  }
.LBB2_18:
0x196: {  	v0 =	vld [tilespmem:$0x5300]  }
0x197: {  	v8 =	vld [tilespmem:$0x5310]  }
0x198: {  	v6 =	vld [tilespmem:$0x5320]  }
0x199: {  	v4 =	vld [tilespmem:$0x5330]  }
0x19a: {  	v2 =	vld [tilespmem:$0x5340]  }
0x19b: {  	v1 =	vld [tilespmem:$0x5350]  }
0x19c: {  	v3 =	vld [tilespmem:$0x5360]  }
.Ltmp10:
0x19d: {  	v5 =	vld [tilespmem:$0x5370];
	(pc) =	sbr.rel .LBB2_19-.Ltmp10, $4  }
0x19e: {  	v7 =	vld [tilespmem:$0x5380]  }
0x19f: {  	v9 =	vld [tilespmem:$0x5390]  }
0x1a0: {  	v10 =	vld [tilespmem:$0x53A0]  }
0x1a1: {  	v12 =	vld [tilespmem:$0x53B0]  }
.LBB2_15:
0x1a2: {  	v12 =	vpsel p0, $0xFF800000, v0;
	v10 =	vpsel p0, $0xFF800000, v0;
	v9 =	vpsel p0, $0xFF800000, v0  }
0x1a3: {  	v7 =	vpsel p0, $0xFF800000, v0;
	v5 =	vpsel p0, $0xFF800000, v0;
	v3 =	vpsel p0, $0xFF800000, v0  }
0x1a4: {  	v1 =	vpsel p0, $0xFF800000, v0;
	v2 =	vpsel p0, $0xFF800000, v0;
	v4 =	vpsel p0, $0xFF800000, v0  }
0x1a5: {  	v6 =	vpsel p0, $0xFF800000, v0;
	v8 =	vpsel p0, $0xFF800000, v0;
	v0 =	vpsel p0, $0xFF800000, v0  }
.LBB2_19:
0x1a6: {  	vm3 =	vlt.f32 v0, $-Inf;
	vm4 =	vgt.f32 v0, $-Inf  }
0x1a7: {  	vm3 =	vmor vm4, vm3  }
0x1a8: {  	v0 =	vnsel vm3, $0xFF800000, v0  }
0x1a9: {  	vm4 =	vgt.f32 v8, v0  }
0x1aa: {  	v0 =	vsel vm4, v8, v0  }
0x1ab: {  	vm5 =	vgt.f32 v6, v0  }
0x1ac: {  	v0 =	vsel vm5, v6, v0  }
0x1ad: {  	vm6 =	vgt.f32 v4, v0  }
0x1ae: {  	v0 =	vsel vm6, v4, v0  }
0x1af: {  	vm7 =	vgt.f32 v2, v0  }
0x1b0: {  	v2 =	vsel vm7, v2, v0  }
0x1b1: {  	vm8 =	vgt.f32 v1, v2  }
0x1b2: {  	v0 =	vlaneseq.u32;
	v4 =	vsel vm8, v1, v2  }
0x1b3: {  	v2 =	vnsel vm3, $0x0, v0;
	v1 =	vor.u32 $0x10, v0;
	vm3 =	vgt.f32 v3, v4  }
0x1b4: {  	v6 =	vsel vm4, v1, v2;
	v2 =	vor.u32 $0x20, v0;
	v8 =	vsel vm3, v3, v4  }
0x1b5: {  	v4 =	vsel vm5, v2, v6;
	v3 =	vor.u32 $0x30, v0;
	vm4 =	vgt.f32 v5, v8  }
0x1b6: {  	v6 =	vsel vm6, v3, v4;
	v4 =	vor.u32 $0x40, v0;
	v8 =	vsel vm4, v5, v8  }
0x1b7: {  	v6 =	vsel vm7, v4, v6;
	v5 =	vor.u32 $0x50, v0;
	vm5 =	vgt.f32 v7, v8  }
0x1b8: {  	v11 =	vsel vm8, v5, v6;
	v6 =	vor.u32 $0x60, v0;
	v13 =	vsel vm5, v7, v8  }
0x1b9: {  	v8 =	vsel vm3, v6, v11;
	v7 =	vor.u32 $0x70, v0;
	vm3 =	vgt.f32 v9, v13  }
0x1ba: {  	v11 =	vsel vm4, v7, v8;
	v8 =	vor.u32 $0x80, v0;
	v13 =	vsel vm3, v9, v13  }
0x1bb: {  	v11 =	vsel vm5, v8, v11;
	v9 =	vor.u32 $0x90, v0;
	vm4 =	vgt.f32 v10, v13  }
0x1bc: {  	v11 =	vsel vm3, v9, v11;
	v13 =	vsel vm4, v10, v13;
	v10 =	vor.u32 $0xA0, v0  }
0x1bd: {  	vm5 =	vcmask $0x3F08;
	v14 =	vsel vm4, v10, v11  }
0x1be: {  	s7 =	simm.s32 $0x0;
	s8 =	simm.s32 $0x4F00;
	s9 =	simm.s32 $0x5000;
	vm3 =	vgt.f32 v12, v13;
	v11 =	vor.u32 $0xB0, v0;
	vm4 =	vcmask $0x3F0C  }
0x1bf: {  	s10 =	simm.s32 $0x5100;
	s11 =	simm.s32 $0x5200;
	s12 =	simm.s32 $0x0;
	v12 =	vsel vm3, v12, v13;
	v13 =	vsel vm3, v11, v14;
	vm3 =	vcmask $0x3F10  }
.LBB2_20:
0x1c0: {  	(xrf0) =	vmax.scan.msk.f32 $0xffff, v12;
	_ =	sdelay $0x5  }
0x1c1: {  	v14, _, _ =	vpop (xrf0)  }
0x1c2: {  	v16 =	vbroadcast v14, $0xF;
	_ =	sdelay $0x1  }
0x1c3: {  	vm6 =	veq.f32 v12, v16;
	v12 =	vxor.u32 $0x80000000, v13  }
0x1c4: {  	v12 =	vnsel vm6, $0xC0000000, v12  }
0x1c5: {  	(xrf0) =	vmin.scan.msk.u32 $0xffff, v12;
	_ =	sdelay $0x5  }
0x1c6: {  	(v2sf) =	vpush v14, $0xF;
	v12, _, _ =	vpop (xrf0)  }
0x1c7: {  	(v2sf) =	vpush v12, $0xF;
	_ =	sdelay $0xd  }
0x1c8: {  	s0 =	spop (v2sf)  }
0x1c9: {  	s13 =	spop (v2sf)  }
0x1ca: {  	p1 =	sgt.f32 s0, $-Inf;
	s13 =	sxor.u32 $0x80000000, s13  }
0x1cb: {  	s0 =	smov.u32 s13  }
0x1cc: {  	s0 =	simm.s32 @!p1 $0x0  }
0x1cd: {  	v12 =	vmov s0;
	_ =	sdelay $0x4  }
0x1ce: {  	v13 =	vld.idx.msk [tilespmem:v12+s11+$0x0], $0xffff  }
0x1cf: {  	v15 =	vld.idx.msk [tilespmem:v12+s10+$0x0], $0xffff  }
0x1d0: {  	v14 =	vld.idx.msk [tilespmem:v12+s9+$0x0], $0xffff  }
0x1d1: {  	v17 =	vld.idx.msk [tilespmem:v12+s8+$0x0], $0xffff  }
0x1d2: {  	v25 =	vld [tilespmem:$0x1F80];
	v12 =	vnsel vm1, $0x0, v16  }
0x1d3: {  	v12 =	vsel vm3, v12, v13  }
0x1d4: {  	v12 =	vsel vm4, v12, v15  }
0x1d5: {  	v12 =	vsel vm5, v12, v14  }
0x1d6: {  	v12 =	vsel vm0, v17, v12  }
0x1d7: {  	s31 =	sshra.s32 s7, $0x2;
	v12 =	vpsel p1, v12, v25  }
0x1d8: {  	[tilespmem:s31+$0x2080] =	vst v12  }
0x1d9: {  	v12 =	vld [tilespmem:$0x4F00]  }
0x1da: {  	v26 =	vld [tilespmem:$0x5100]  }
0x1db: {  	v18 =	vld [tilespmem:$0x5000]  }
0x1dc: {  	v19 =	vld [tilespmem:$0x5200]  }
0x1dd: {  	v28 =	vld [tilespmem:$0x4F10]  }
0x1de: {  	v30 =	vld [tilespmem:$0x5110]  }
0x1df: {  	v31 =	vld [tilespmem:$0x5010]  }
0x1e0: {  	v32 =	vld [tilespmem:$0x5210]  }
0x1e1: {  	v37 =	vld [tilespmem:$0x4F20]  }
0x1e2: {  	v38 =	vld [tilespmem:$0x5020]  }
0x1e3: {  	v39 =	vld [tilespmem:$0x5120]  }
0x1e4: {  	v24 =	vld [tilespmem:$0x5220]  }
0x1e5: {  	v20 =	vsub.f32 v15, v17;
	v21 =	vsub.f32 v13, v14;
	v43 =	vld [tilespmem:$0x4F40]  }
0x1e6: {  	vm6 =	vmmov vm2;
	v44 =	vld [tilespmem:$0x5140]  }
0x1e7: {  	vm6 =	vmneg @p1 vm6;
	v20 =	vmax.f32 v20, $0.0e+00;
	v21 =	vmax.f32 v21, $0.0e+00  }
0x1e8: {  	v22 =	vsub.f32 v26, v12;
	v23 =	vsub.f32 v19, v18;
	v12 =	vmax.f32 v17, v12  }
0x1e9: {  	v18 =	vmax.f32 v14, v18;
	v16 =	vmin.f32 v15, v26;
	v33 =	vsub.f32 v30, v28  }
0x1ea: {  	v19 =	vmin.f32 v13, v19;
	v35 =	vsub.f32 v32, v31;
	v25 =	vsub.f32 v39, v37  }
0x1eb: {  	v45 =	vld [tilespmem:$0x5040];
	v26 =	vsub.f32 v24, v38;
	v24 =	vmin.f32 v13, v24;
	v51 =	vsub.f32 v44, v43  }
0x1ec: {  	v54 =	vld [tilespmem:$0x4F50];
	v12 =	vsub.f32 v16, v12;
	v18 =	vsub.f32 v19, v18;
	v16 =	vmul.f32 v21, v20  }
0x1ed: {  	v56 =	vld [tilespmem:$0x5050];
	v20 =	vmax.f32 v17, v28;
	v21 =	vmax.f32 v14, v31;
	v19 =	vmin.f32 v15, v30  }
0x1ee: {  	v57 =	vld [tilespmem:$0x5150];
	v22 =	vmax.f32 v22, $0.0e+00;
	v23 =	vmax.f32 v23, $0.0e+00;
	v34 =	vmax.f32 v33, $0.0e+00  }
0x1ef: {  	v60 =	vld [tilespmem:$0x5250];
	v19 =	vsub.f32 v19, v20;
	v25 =	vmax.f32 v25, $0.0e+00;
	v26 =	vmax.f32 v26, $0.0e+00  }
0x1f0: {  	v42 =	vld [tilespmem:$0x4F30];
	v52 =	vmax.f32 v51, $0.0e+00;
	v27 =	vmul.f32 v23, v22;
	v12 =	vmax.f32 v12, $0.0e+00  }
0x1f1: {  	v28 =	vld [tilespmem:$0x5130];
	v18 =	vmax.f32 v18, $0.0e+00;
	v22 =	vmin.f32 v13, v32;
	v23 =	vmax.f32 v35, $0.0e+00  }
0x1f2: {  	v25 =	vmul.f32 v26, v25;
	v26 =	vmax.f32 v14, v45;
	v12 =	vmul.f32 v18, v12  }
0x1f3: {  	v36 =	vsub.f32 v22, v21;
	v21 =	vmax.f32 v14, v38;
	v38 =	vsub.f32 v57, v54  }
0x1f4: {  	v32 =	vld [tilespmem:$0x5240];
	v22 =	vmin.f32 v15, v39;
	v39 =	vsub.f32 v60, v56;
	v29 =	vadd.f32 v27, v16  }
0x1f5: {  	v63 =	vld [tilespmem:$0x4F60];
	v19 =	vmax.f32 v19, $0.0e+00;
	v21 =	vsub.f32 v24, v21;
	v25 =	vadd.f32 v25, v16  }
0x1f6: {  	v33 =	vld [tilespmem:$0x5160];
	v24 =	vmin.f32 v15, v44;
	v20 =	vmax.f32 v36, $0.0e+00;
	v46 =	vsub.f32 v28, v42  }
0x1f7: {  	v28 =	vmin.f32 v15, v28;
	v19 =	vmul.f32 v20, v19;
	v20 =	vmax.f32 v17, v37  }
0x1f8: {  	v27 =	vld [tilespmem:$0x5030];
	v18 =	vsub.f32 v29, v12;
	v21 =	vmax.f32 v21, $0.0e+00;
	v20 =	vsub.f32 v22, v20  }
0x1f9: {  	v29 =	vld [tilespmem:$0x5230];
	v49 =	vmax.f32 v46, $0.0e+00;
	v53 =	vsub.f32 v32, v45;
	v22 =	vmax.f32 v17, v43  }
0x1fa: {  	v55 =	vmin.f32 v13, v32;
	v32 =	vmax.f32 v14, v56;
	v18 =	vadd.f32 $9.999999710e-10, v18  }
0x1fb: {  	v43 =	vmax.f32 v38, $0.0e+00;
	v46 =	vsub.f32 v33, v63;
	v24 =	vsub.f32 v24, v22  }
0x1fc: {  	v26 =	vsub.f32 v55, v26;
	v20 =	vmax.f32 v20, $0.0e+00;
	(erf) = vrcp.f32 v18  }
0x1fd: {  	v33 =	vmin.f32 v15, v33;
	v18 =	vmul.f32 v23, v34;
	v21 =	vmul.f32 v21, v20  }
0x1fe: {  	v24 =	vmax.f32 v24, $0.0e+00;
	v26 =	vmax.f32 v26, $0.0e+00;
	v31 =	vsub.f32 v29, v27  }
0x1ff: {  	v27 =	vmax.f32 v14, v27;
	v29 =	vmin.f32 v13, v29;
	v18 =	vadd.f32 v18, v16  }
0x200: {  	v51 =	vld [tilespmem:$0x4F80];
	v48 =	vsub.f32 v29, v27;
	v29 =	vmax.f32 v53, $0.0e+00;
	v25 =	vsub.f32 v25, v21  }
0x201: {  	v50 =	vmax.f32 v31, $0.0e+00;
	v31 =	vmin.f32 v15, v57;
	v57 =	vld [tilespmem:$0x5180];
	v18 =	vsub.f32 v18, v19  }
0x202: {  	v27 =	vmul.f32 v50, v49;
	v62 =	vadd.f32 $9.999999710e-10, v25;
	v25 =	vmax.f32 v17, v63  }
0x203: {  	v41 =	vld [tilespmem:$0x5300];
	v59 =	vmul.f32 v29, v52;
	v29 =	vmax.f32 v39, $0.0e+00;
	v25 =	vsub.f32 v33, v25  }
0x204: {  	v37 =	vld [tilespmem:$0x5060];
	v18 =	vadd.f32 $9.999999710e-10, v18;
	v58 =	vadd.f32 v27, v16;
	v27 =	vmin.f32 v13, v60  }
0x205: {  	v34 =	vld [tilespmem:$0x5260];
	v60 =	vmax.f32 v17, v51;
	v27 =	vsub.f32 v27, v32;
	v25 =	vmax.f32 v25, $0.0e+00;
	v40 =	vpop (erf)  }
0x206: {  	v44 =	vld [tilespmem:$0x5070];
	(erf) = vrcp.f32 v18;
	v33 =	vmin.f32 v15, v57;
	v23 =	vmul.f32 v40, v12  }
0x207: {  	(erf) = vrcp.f32 v62;
	v27 =	vmax.f32 v27, $0.0e+00;
	v12 =	vmov s13  }
0x208: {  	vm8 =	veq.s32 v12, v0;
	vm7 =	vgt.f32 v23, $4.499999880e-01;
	v23 =	vmax.f32 v17, v42  }
0x209: {  	vm9 =	veq.s32 v12, v1;
	vm7 =	vmor vm8, vm7;
	v47 =	vsub.f32 v28, v23  }
0x20a: {  	v23 =	vmax.f32 v48, $0.0e+00;
	v48 =	vsub.f32 v34, v37;
	vm7 =	vmand vm6, vm7  }
0x20b: {  	v34 =	vmin.f32 v13, v34;
	v28 =	vmax.f32 v14, v44;
	v18 =	vsel vm7, $0xFF800000, v41  }
0x20c: {  	v20 =	vmax.f32 v47, $0.0e+00;
	v32 =	vmax.f32 v48, $0.0e+00;
	vm7 =	vlt.f32 v18, $-Inf  }
0x20d: {  	v45 =	vld [tilespmem:$0x5170];
	vm13 =	vgt.f32 v18, $-Inf;
	v22 =	vmul.f32 v23, v20;
	v20 =	vmul.f32 v26, v24  }
0x20e: {  	v41 =	vld [tilespmem:$0x4F70];
	v23 =	vadd.f32 v59, v16;
	v26 =	vmax.f32 v14, v37;
	v59 =	vsub.f32 v57, v51  }
0x20f: {  	v47 =	vld [tilespmem:$0x5270];
	v30 =	vpop (erf);
	vm7 =	vmor vm13, vm7;
	v26 =	vsub.f32 v34, v26;
	vm13 =	veq.s32 v12, v3  }
0x210: {  	v19 =	vmul.f32 v30, v19;
	v61 =	vsub.f32 v58, v22;
	v30 =	vmax.f32 v17, v54  }
0x211: {  	v23 =	vsub.f32 v23, v20;
	v35 =	vnsel vm7, $0xFF800000, v18;
	v40 =	vsub.f32 v31, v30  }
0x212: {  	v26 =	vmax.f32 v26, $0.0e+00;
	v31 =	vmin.f32 v15, v45;
	vm14 =	vgt.f32 v19, $4.499999880e-01  }
0x213: {  	v36 =	vadd.f32 $9.999999710e-10, v61;
	v42 =	vadd.f32 $9.999999710e-10, v23;
	v23 =	vmul.f32 v29, v43  }
0x214: {  	v49 =	vsub.f32 v45, v41;
	v50 =	vsub.f32 v47, v44;
	v30 =	vmax.f32 v17, v41  }
0x215: {  	v53 =	vld [tilespmem:$0x5080];
	v29 =	vmin.f32 v13, v47;
	v24 =	vmax.f32 v40, $0.0e+00;
	v30 =	vsub.f32 v31, v30  }
0x216: {  	v58 =	vld [tilespmem:$0x5280];
	v43 =	vpop (erf);
	vm8 =	vmor vm9, vm14;
	v28 =	vsub.f32 v29, v28;
	v31 =	vsub.f32 v33, v60  }
0x217: {  	v29 =	vmax.f32 v59, $0.0e+00;
	v21 =	vmul.f32 v43, v21;
	(erf) = vrcp.f32 v36  }
0x218: {  	v24 =	vmul.f32 v27, v24;
	v27 =	vmax.f32 v46, $0.0e+00;
	v23 =	vadd.f32 v23, v16  }
0x219: {  	v63 =	vld [tilespmem:$0x4F90];
	v55 =	vmax.f32 v49, $0.0e+00;
	v56 =	vmax.f32 v50, $0.0e+00;
	v36 =	vnsel vm7, $0x0, v0  }
0x21a: {  	v62 =	vld [tilespmem:$0x5310];
	vm7 =	vmand vm6, vm8;
	v27 =	vmul.f32 v32, v27;
	(erf) = vrcp.f32 v42  }
0x21b: {  	v41 =	vld [tilespmem:$0x5090];
	v30 =	vmax.f32 v30, $0.0e+00;
	v61 =	vsub.f32 v58, v53;
	v28 =	vmax.f32 v28, $0.0e+00  }
0x21c: {  	v40 =	vld [tilespmem:$0x5190];
	v32 =	vmin.f32 v13, v58;
	v31 =	vmax.f32 v31, $0.0e+00;
	vm15 =	vgt.f32 v21, $4.499999880e-01  }
0x21d: {  	v57 =	vld [tilespmem:$0x52A0];
	v52 =	vsub.f32 v23, v24;
	v23 =	vmul.f32 v26, v25;
	v25 =	vmax.f32 v14, v53  }
0x21e: {  	v50 =	vld [tilespmem:$0x50A0];
	v28 =	vmul.f32 v28, v30;
	v54 =	vadd.f32 v27, v16;
	v27 =	vmul.f32 v56, v55  }
0x21f: {  	v42 =	vld [tilespmem:$0x5290];
	v34 =	vmax.f32 v61, $0.0e+00;
	v25 =	vsub.f32 v32, v25;
	v32 =	vmax.f32 v17, v63  }
0x220: {  	v47 =	vmax.f32 v14, v41;
	v19 =	vadd.f32 $9.999999710e-10, v52;
	v29 =	vmul.f32 v34, v29  }
0x221: {  	v44 =	vsub.f32 v40, v63;
	v30 =	vmin.f32 v15, v40;
	v26 =	vsub.f32 v54, v23  }
0x222: {  	v27 =	vadd.f32 v27, v16;
	v25 =	vmax.f32 v25, $0.0e+00;
	v30 =	vsub.f32 v30, v32  }
0x223: {  	v48 =	vld [tilespmem:$0x4FA0];
	v63 =	vsub.f32 v57, v50;
	v25 =	vmul.f32 v25, v31;
	v29 =	vadd.f32 v29, v16  }
0x224: {  	v61 =	vld [tilespmem:$0x4FB0];
	(erf) = vrcp.f32 v19;
	v19 =	vsel vm7, $0xFF800000, v62;
	v46 =	vsub.f32 v42, v41  }
0x225: {  	v31 =	vmin.f32 v13, v42;
	v26 =	vadd.f32 $9.999999710e-10, v26;
	v27 =	vsub.f32 v27, v28  }
0x226: {  	vm7 =	vgt.f32 v19, v35;
	v31 =	vsub.f32 v31, v47;
	v52 =	vmax.f32 v30, $0.0e+00  }
0x227: {  	v54 =	vld [tilespmem:$0x51A0];
	v30 =	vmin.f32 v13, v57;
	v29 =	vsub.f32 v29, v25;
	v56 =	vsel vm7, v19, v35  }
0x228: {  	v39 =	vld [tilespmem:$0x51B0];
	v58 =	vsel vm7, v1, v36;
	vm7 =	veq.s32 v12, v2;
	v36 =	vmax.f32 v17, v48  }
0x229: {  	v37 =	vld [tilespmem:$0x50B0];
	v17 =	vmax.f32 v17, v61;
	(erf) = vrcp.f32 v26;
	v27 =	vadd.f32 $9.999999710e-10, v27  }
0x22a: {  	v41 =	vld [tilespmem:$0x52B0];
	v26 =	vmax.f32 v44, $0.0e+00;
	v53 =	vmax.f32 v31, $0.0e+00;
	vm11 =	vmor vm7, vm15  }
0x22b: {  	v49 =	vpop (erf);
	vm15 =	veq.s32 v12, v4;
	v45 =	vadd.f32 $9.999999710e-10, v29;
	v29 =	vmax.f32 v46, $0.0e+00  }
0x22c: {  	v21 =	vmul.f32 v49, v22;
	v22 =	vmul.f32 v53, v52;
	v62 =	vsub.f32 v54, v48  }
0x22d: {  	v42 =	vld [tilespmem:$0x5320];
	v51 =	vpop (erf);
	v31 =	vmin.f32 v15, v54;
	v15 =	vmin.f32 v15, v39;
	(erf) = vrcp.f32 v27  }
0x22e: {  	vm11 =	vmand vm6, vm11;
	v26 =	vmul.f32 v29, v26;
	v20 =	vmul.f32 v51, v20  }
0x22f: {  	v27 =	vmax.f32 v14, v50;
	v14 =	vmax.f32 v14, v37;
	v44 =	vsub.f32 v41, v37  }
0x230: {  	v13 =	vmin.f32 v13, v41;
	v15 =	vsub.f32 v15, v17;
	(erf) = vrcp.f32 v45  }
0x231: {  	vm10 =	vgt.f32 v21, $4.499999880e-01;
	v27 =	vsub.f32 v30, v27;
	v21 =	vsub.f32 v39, v61  }
0x232: {  	v45 =	vsel vm11, $0xFF800000, v42;
	v13 =	vsub.f32 v13, v14;
	v26 =	vadd.f32 v26, v16  }
0x233: {  	vm12 =	vgt.f32 v20, $4.499999880e-01;
	v47 =	vmax.f32 v44, $0.0e+00;
	vm10 =	vmor vm13, vm10  }
0x234: {  	vm14 =	vgt.f32 v45, v56;
	v15 =	vmax.f32 v15, $0.0e+00;
	vm13 =	veq.s32 v12, v6  }
0x235: {  	v27 =	vmax.f32 v27, $0.0e+00;
	v46 =	vmax.f32 v21, $0.0e+00;
	v13 =	vmax.f32 v13, $0.0e+00;
	v55 =	vpop (erf)  }
0x236: {  	v49 =	vsel vm14, v45, v56;
	v26 =	vsub.f32 v26, v22;
	v24 =	vmul.f32 v55, v24;
	v59 =	vpop (erf)  }
0x237: {  	vm10 =	vmand vm6, vm10;
	v50 =	vsel vm14, v2, v58;
	v23 =	vmul.f32 v59, v23  }
0x238: {  	v14 =	vld [tilespmem:$0x5330];
	v60 =	vadd.f32 $9.999999710e-10, v26;
	v26 =	vsub.f32 v31, v36;
	vm8 =	vgt.f32 v24, $4.499999880e-01  }
0x239: {  	v24 =	vmax.f32 v63, $0.0e+00;
	vm7 =	vgt.f32 v23, $4.499999880e-01;
	v23 =	vmax.f32 v62, $0.0e+00  }
0x23a: {  	vm9 =	vmor vm15, vm12;
	v13 =	vmul.f32 v13, v15;
	v15 =	vld [tilespmem:$0x5340];
	v23 =	vmul.f32 v24, v23  }
0x23b: {  	vm12 =	veq.s32 v12, v5;
	vm15 =	veq.s32 v12, v7;
	v26 =	vmax.f32 v26, $0.0e+00  }
0x23c: {  	v20 =	vmul.f32 v47, v46;
	v38 =	vpop (erf);
	v43 =	vmul.f32 v27, v26;
	v48 =	vadd.f32 v23, v16  }
0x23d: {  	vm9 =	vmand vm6, vm9;
	v14 =	vsel vm10, $0xFF800000, v14;
	v40 =	vpop (erf);
	(erf) = vrcp.f32 v60  }
0x23e: {  	v51 =	vld [tilespmem:$0x5350];
	vm8 =	vmor vm12, vm8;
	v16 =	vadd.f32 v20, v16;
	v21 =	vsub.f32 v48, v43  }
0x23f: {  	vm10 =	vgt.f32 v14, v49;
	v15 =	vsel vm9, $0xFF800000, v15;
	vm8 =	vmand vm6, vm8  }
0x240: {  	v26 =	vsel vm10, v3, v50;
	v16 =	vsub.f32 v16, v13;
	v21 =	vadd.f32 $9.999999710e-10, v21  }
0x241: {  	v52 =	vld [tilespmem:$0x5360];
	v28 =	vmul.f32 v38, v28;
	v25 =	vmul.f32 v40, v25;
	v23 =	vsel vm10, v14, v49  }
0x242: {  	vm9 =	vgt.f32 v15, v23;
	v16 =	vadd.f32 $9.999999710e-10, v16;
	(erf) = vrcp.f32 v21  }
0x243: {  	vm7 =	vmor vm13, vm7;
	v20 =	vsel vm8, $0xFF800000, v51;
	v23 =	vsel vm9, v15, v23  }
0x244: {  	v53 =	vld [tilespmem:$0x5370];
	vm7 =	vmand vm6, vm7;
	vm14 =	vgt.f32 v20, v23;
	(erf) = vrcp.f32 v16  }
0x245: {  	vm12 =	vgt.f32 v25, $4.499999880e-01;
	v26 =	vsel vm9, v4, v26;
	v23 =	vsel vm14, v20, v23  }
0x246: {  	v26 =	vsel vm14, v5, v26;
	v21 =	vsel vm7, $0xFF800000, v52;
	vm7 =	vgt.f32 v28, $4.499999880e-01;
	v55 =	vpop (erf)  }
0x247: {  	v54 =	vld [tilespmem:$0x5380];
	vm10 =	vgt.f32 v21, v23;
	vm7 =	vmor vm15, vm7;
	v22 =	vmul.f32 v55, v22  }
0x248: {  	vm15 =	veq.s32 v12, v9;
	v23 =	vsel vm10, v21, v23;
	vm7 =	vmand vm6, vm7  }
0x249: {  	v56 =	vld [tilespmem:$0x5390];
	[tilespmem:$0x5330] =	vst v14;
	v14 =	vsel vm10, v6, v26;
	v16 =	vsel vm7, $0xFF800000, v53;
	vm7 =	veq.s32 v12, v8  }
0x24a: {  	vm14 =	vgt.f32 v22, $4.499999880e-01;
	vm13 =	vgt.f32 v16, v23;
	vm7 =	vmor vm7, vm12  }
0x24b: {  	[tilespmem:$0x5300] =	vst v18;
	vm12 =	veq.s32 v12, v10;
	vm7 =	vmand vm6, vm7;
	v59 =	vsel vm13, v16, v23;
	v57 =	vpop (erf)  }
0x24c: {  	[tilespmem:$0x5310] =	vst v19;
	v61 =	vld [tilespmem:$0x53A0];
	v58 =	vsel vm7, $0xFF800000, v54;
	vm7 =	vmor vm15, vm14;
	v60 =	vmul.f32 v57, v43  }
0x24d: {  	[tilespmem:$0x5320] =	vst v45;
	v14 =	vsel vm13, v7, v14;
	vm8 =	vgt.f32 v58, v59;
	vm7 =	vmand vm6, vm7;
	v63 =	vpop (erf)  }
0x24e: {  	[tilespmem:$0x5340] =	vst v15;
	v15 =	vld [tilespmem:$0x53B0];
	v62 =	vsel vm7, $0xFF800000, v56;
	v13 =	vmul.f32 v63, v13;
	vm7 =	vgt.f32 v60, $4.499999880e-01  }
0x24f: {  	s0 =	simm.s32 $0x1;
	[tilespmem:$0x5350] =	vst v20;
	vm15 =	veq.s32 v12, v11;
	v22 =	vsel vm8, v58, v59;
	vm7 =	vmor vm12, vm7  }
0x250: {  	s0 =	simm.s32 @!p1 $0x0;
	p1 =	sne.s32 s7, $0x18C0;
	[tilespmem:$0x5360] =	vst v21;
	vm13 =	vgt.f32 v62, v22;
	vm14 =	vgt.f32 v13, $4.499999880e-01;
	vm7 =	vmand vm6, vm7  }
.Ltmp11:
0x251: {  	[tilespmem:$0x5370] =	vst v16;
	v13 =	vsel vm13, v62, v22;
	v12 =	vsel vm7, $0xFF800000, v61;
	vm7 =	vmor vm15, vm14;
	(pc) =	sbr.rel @p1 .LBB2_20-.Ltmp11, $4  }
0x252: {  	[tilespmem:$0x5380] =	vst v58;
	v14 =	vsel vm8, v8, v14;
	vm6 =	vmand vm6, vm7;
	vm7 =	vgt.f32 v12, v13  }
0x253: {  	[tilespmem:$0x5390] =	vst v62;
	v14 =	vsel vm13, v9, v14;
	v13 =	vsel vm7, v12, v13;
	v15 =	vsel vm6, $0xFF800000, v15  }
0x254: {  	[tilespmem:$0x53A0] =	vst v12;
	v14 =	vsel vm7, v10, v14;
	vm6 =	vgt.f32 v15, v13  }
0x255: {  	s12 =	sadd.s32 s0, s12;
	s7 =	sadd.s32 $0x40, s7;
	[tilespmem:$0x53B0] =	vst v15;
	v12 =	vsel vm6, v15, v13;
	v13 =	vsel vm6, v11, v14  }
0x256: {  	p1 =	slt.s32 s6, $0x7;
	p2 =	slt.s32 s12, $0x64  }
0x257: {  	p1 =	por !p1, !p2  }
0x258: {  	p1 =	por !p1, !p1  }
0x259: {  	p1 =	por p0, p1  }
.Ltmp12:
0x25a: {  	_ = 	snop;
	(pc) =	sbr.rel @!p1 .LBB2_28-.Ltmp12, $1  }
0x25b: {  	_ =	sdelay $0x3  }
0x25c: {  	v0 =	vlaneseq.u32  }
0x25d: {  	s6 =	simm.s32 $0x0;
	s7 =	simm.s32 $0x500;
	s8 =	simm.s32 $0xA00;
	v1 =	vmul.u32 $0x10, v0  }
0x25e: {  	s9 =	simm.s32 $0xF00;
	s10 =	simm.s32 $0x1900;
	vm6 =	vcmask $0x3F1C;
	vm7 =	vcmask $0x3F18;
	vm8 =	vcmask $0x3F14;
	s11 =	simm.s32 $0x1E00  }
0x25f: {  	vm9 =	vcmask $0x3F04;
	s12 =	simm.s32 $0x2;
	s13 =	simm.s32 $0x1E80;
	s6 =	simm.s32 @p0 $0x0;
	v3 =	vor.u32 $0x80000000, v0;
	v2 =	vor.u32 $0x1, v1  }
.LBB2_23:
0x260: {  	s0 =	simm.s32 $0x0  }
0x261: {  	v6 =	vld [tilespmem:s0+$0x1400];
	_ =	sdelay $0x3  }
0x262: {  	v5 =	vimm.f32 $-Inf;
	v4 =	vimm.s32 $0x0;
	s15 =	simm.s32 $0x40;
	s14 =	smov.u32 s3  }
.LBB2_24:
0x263: {  	s0 =	sshra.s32 s15, $0x2;
	p0 =	sne.s32 s15, $0x13C0;
	s15 =	sadd.s32 $0x40, s15;
	v7 =	vor.u32 s14, v0;
	vm10 =	vgt.f32 v6, v5  }
.Ltmp13:
0x264: {  	v5 =	vsel vm10, v6, v5;
	v6 =	vld [tilespmem:s0+$0x1400];
	v4 =	vsel vm10, v7, v4;
	(pc) =	sbr.rel @p0 .LBB2_24-.Ltmp13, $2  }
0x265: {  	_ =	sdelay $0x2  }
0x266: {  	s14 =	sadd.s32 $0x10, s14  }
0x267: {  	vm10 =	vgt.f32 v6, v5  }
0x268: {  	v5 =	vsel vm10, v6, v5  }
0x269: {  	(xrf0) =	vmax.scan.msk.f32 $0xffff, v5;
	_ =	sdelay $0x5  }
0x26a: {  	v6, _, _ =	vpop (xrf0)  }
0x26b: {  	v7 =	vor.u32 s14, v0;
	v8 =	vbroadcast v6, $0xF  }
0x26c: {  	v4 =	vsel vm10, v7, v4  }
0x26d: {  	v4 =	vxor.u32 $0x80000000, v4;
	vm10 =	veq.f32 v5, v8  }
0x26e: {  	v4 =	vnsel vm10, $0xC0000000, v4  }
0x26f: {  	(xrf0) =	vmin.scan.msk.u32 $0xffff, v4;
	_ =	sdelay $0x5  }
0x270: {  	(v2sf) =	vpush v6, $0xF;
	v4, _, _ =	vpop (xrf0)  }
0x271: {  	(v2sf) =	vpush v4, $0xF;
	_ =	sdelay $0xd  }
0x272: {  	s0 =	spop (v2sf)  }
0x273: {  	s22 =	spop (v2sf)  }
0x274: {  	p0 =	sgt.f32 s0, $-Inf;
	s14 =	sxor.u32 $0x80000000, s22  }
0x275: {  	s0 =	ssub.s32 s14, s3  }
0x276: {  	s0 =	simm.s32 @!p0 $0x0  }
0x277: {  	v4 =	vmov s0;
	_ =	sdelay $0x4  }
0x278: {  	v5 =	vld.idx.msk [tilespmem:v4+s10+$0x0], $0xffff  }
0x279: {  	v6 =	vld.idx.msk [tilespmem:v4+s9+$0x0], $0xffff  }
0x27a: {  	v7 =	vld.idx.msk [tilespmem:v4+s8+$0x0], $0xffff  }
0x27b: {  	s23 =	simm.s32 $0x0;
	v9 =	vld.idx.msk [tilespmem:v4+s7+$0x0], $0xffff  }
0x27c: {  	v4 =	vld.idx.msk [tilespmem:v4+s23+$0x0], $0xffff  }
0x27d: {  	v5 =	vsel vm6, $0x0, v5  }
0x27e: {  	s14 =	simm.s32 @!p0 $0x40000000;
	v5 =	vsel vm7, v5, v6  }
0x27f: {  	v6 =	vmov s14;
	v5 =	vsel vm8, v5, v7  }
0x280: {  	v6 =	vbroadcast v6, $0x0;
	v5 =	vsel vm3, v5, v9  }
0x281: {  	s24 =	sshll.u32 s6, $0x8;
	v4 =	vsel vm4, v5, v4  }
0x282: {  	s0 =	sand.u32 $0x100, s24;
	v4 =	vsel vm5, v4, v6  }
0x283: {  	s0 =	sadd.s32 s0, s1;
	v4 =	vsel vm9, v4, v8  }
0x284: {  	s25 =	sadd.s32 s5, s0;
	[tilespmem:$0x1E00] =	vst v4  }
0x285: {  	[spmem:s25] =	stream.linear.scatter [tilespmem:s11], [sflag:$0x2], $0x10, $0x38;
	[tilespmem:$0x56B0] =	vst v63  }
0x286: {  	_ =	swait.ge [sflag:s12], $0x10  }
0x287: {  	[sflag:s12] =	ssyncset.done $0x0  }
0x288: {  	[sflag:s12] =	ssyncadd.s32 $0xFFFFFFF0  }
0x289: {  	[bflag:$0x0] =	sbarrier.arrive $0xFFFF  }
0x28a: {  	[tilespmem:s13], [sflag:$0x2] =	stream.linear.gather [spmem:s0], $0x100, $0x38;
	[tilespmem:$0x56B0] =	vst v63  }
0x28b: {  	_ =	swait.ge [sflag:s12], $0x100  }
0x28c: {  	[sflag:s12] =	ssyncset.done $0x0  }
0x28d: {  	[sflag:s12] =	ssyncadd.s32 $0xFFFFFF00  }
0x28e: {  	v4 =	vld.idx.msk [tilespmem:v1+s13+$0x0], $0xffff;
	_ =	sdelay $0x4  }
0x28f: {  	(xrf0) =	vmax.scan.msk.f32 $0xffff, v4;
	_ =	sdelay $0x3  }
0x290: {  	v5 =	vld.idx.msk [tilespmem:v2+s13+$0x0], $0xffff;
	_ =	sdelay $0x1  }
0x291: {  	v6, _, _ =	vpop (xrf0)  }
0x292: {  	v10 =	vbroadcast v6, $0xF;
	_ =	sdelay $0x1  }
0x293: {  	vm10 =	veq.f32 v4, v10;
	v4 =	vxor.u32 $0x80000000, v5  }
0x294: {  	v4 =	vnsel vm10, $0xC0000000, v4  }
0x295: {  	(xrf0) =	vmin.scan.msk.u32 $0xffff, v4;
	_ =	sdelay $0x5  }
0x296: {  	(v2sf) =	vpush v6, $0xF;
	v4, _, _ =	vpop (xrf0)  }
0x297: {  	(v2sf) =	vpush v4, $0xF;
	_ =	sdelay $0xd  }
0x298: {  	s26 =	spop (v2sf)  }
0x299: {  	s29 =	spop (v2sf)  }
0x29a: {  	s14 =	sxor.u32 $0x80000000, s29  }
0x29b: {  	v4 =	vmov s14  }
0x29c: {  	vm11 =	veq.s32 v4, v5  }
0x29d: {  	vm10 =	vmand vm10, vm11  }
0x29e: {  	v5 =	vnsel vm10, $0x80000010, v3  }
0x29f: {  	(xrf0) =	vmin.scan.msk.u32 $0xffff, v5;
	_ =	sdelay $0x5  }
0x2a0: {  	v5, _, _ =	vpop (xrf0)  }
0x2a1: {  	(v2sf) =	vpush v5, $0xF;
	_ =	sdelay $0xe  }
0x2a2: {  	s30 =	spop (v2sf)  }
0x2a3: {  	p0 =	sgt.u32 s30, $0x8000000F;
	s14 =	sshll.u32 s30, $0x4  }
0x2a4: {  	s14 =	simm.s32 @p0 $0x0  }
0x2a5: {  	v6 =	vmov s14  }
0x2a6: {  	v5 =	vor.u32 $0x5, v6  }
0x2a7: {  	v7 =	vor.u32 $0x4, v6  }
0x2a8: {  	v9 =	vor.u32 $0x3, v6  }
0x2a9: {  	v11 =	vor.u32 $0x2, v6;
	_ =	sdelay $0x1  }
0x2aa: {  	v5 =	vld.idx.msk [tilespmem:v5+s13+$0x0], $0xffff  }
0x2ab: {  	v8 =	vld.idx.msk [tilespmem:v7+s13+$0x0], $0xffff  }
0x2ac: {  	v7 =	vld.idx.msk [tilespmem:v9+s13+$0x0], $0xffff  }
0x2ad: {  	v9 =	vld.idx.msk [tilespmem:v11+s13+$0x0], $0xffff  }
0x2ae: {  	v10 =	vnsel vm1, $0x0, v10;
	v11 =	vld [tilespmem:$0x1F80]  }
0x2af: {  	v6 =	vor.u32 $0x6, v6;
	v10 =	vsel vm3, v10, v5  }
0x2b0: {  	v10 =	vsel vm4, v10, v8  }
0x2b1: {  	p0 =	sgt.f32 s26, $-Inf;
	v10 =	vsel vm5, v10, v7  }
0x2b2: {  	s31 =	sshll.u32 s6, $0x4;
	v10 =	vsel vm0, v9, v10  }
0x2b3: {  	s0 =	sand.u32 $0x3FFFFFF0, s31;
	v10 =	vpsel p0, v10, v11  }
0x2b4: {  	s17 =	simm.s32 $0x0;
	v6 =	vld.idx.msk [tilespmem:v6+s13+$0x0], $0xffff;
	[tilespmem:s0+$0x2080] =	vst v10  }
0x2b5: {  	v10 =	vld [tilespmem:s17+$0x0]  }
0x2b6: {  	v11 =	vld [tilespmem:s17+$0x500]  }
0x2b7: {  	v12 =	vld [tilespmem:s17+$0xA00]  }
0x2b8: {  	v13 =	vld [tilespmem:s17+$0xF00];
	_ =	sdelay $0x2  }
0x2b9: {  	s14 =	simm.s32 $0x10;
	v14 =	vld [tilespmem:s17+$0x1900]  }
0x2ba: {  	v15 =	vld [tilespmem:s14+$0x0];
	v10 =	vmax.f32 v9, v10  }
0x2bb: {  	v16 =	vld [tilespmem:s14+$0x500];
	v12 =	vmin.f32 v8, v12;
	v11 =	vmax.f32 v7, v11;
	v13 =	vmin.f32 v5, v13  }
0x2bc: {  	v10 =	vsub.f32 v12, v10;
	v11 =	vsub.f32 v13, v11;
	v12 =	vld [tilespmem:s14+$0xA00]  }
0x2bd: {  	v13 =	vld [tilespmem:s14+$0xF00]  }
0x2be: {  	v10 =	vmax.f32 v10, $0.0e+00;
	v11 =	vmax.f32 v11, $0.0e+00  }
0x2bf: {  	s15 =	simm.s32 $0x20;
	v17 =	vmul.f32 v11, v10;
	v10 =	vadd.f32 v14, v6  }
0x2c0: {  	v18 =	vld [tilespmem:s15+$0x500]  }
0x2c1: {  	v15 =	vmax.f32 v9, v15;
	v11 =	vld [tilespmem:s14+$0x1900];
	v10 =	vsub.f32 v10, v17;
	v12 =	vmin.f32 v8, v12  }
0x2c2: {  	v19 =	vld [tilespmem:s15+$0xA00];
	v16 =	vmax.f32 v7, v16;
	v13 =	vmin.f32 v5, v13;
	v12 =	vsub.f32 v12, v15  }
0x2c3: {  	v14 =	vld [tilespmem:s15+$0x0];
	v13 =	vsub.f32 v13, v16;
	v10 =	vadd.f32 $9.999999710e-10, v10  }
0x2c4: {  	v15 =	vld [tilespmem:s15+$0xF00]  }
0x2c5: {  	(erf) = vrcp.f32 v10;
	v10 =	vmax.f32 v12, $0.0e+00;
	v12 =	vmax.f32 v13, $0.0e+00  }
0x2c6: {  	s16 =	simm.s32 $0x30;
	v11 =	vadd.f32 v11, v6;
	v10 =	vmul.f32 v12, v10  }
0x2c7: {  	v16 =	vld [tilespmem:s16+$0x0]  }
0x2c8: {  	v13 =	vld [tilespmem:s15+$0x1900];
	v12 =	vmax.f32 v9, v14;
	v14 =	vmin.f32 v8, v19;
	v11 =	vsub.f32 v11, v10  }
0x2c9: {  	v18 =	vmax.f32 v7, v18;
	v19 =	vld [tilespmem:s16+$0x500];
	v15 =	vmin.f32 v5, v15;
	v12 =	vsub.f32 v14, v12  }
0x2ca: {  	v14 =	vld [tilespmem:s16+$0xA00];
	v15 =	vsub.f32 v15, v18;
	v20 =	vadd.f32 $9.999999710e-10, v11  }
0x2cb: {  	v21 =	vor.u32 s3, v0;
	v18 =	vld [tilespmem:s16+$0xF00]  }
0x2cc: {  	v11 =	vmax.f32 v12, $0.0e+00;
	v15 =	vmax.f32 v15, $0.0e+00;
	(erf) = vrcp.f32 v20  }
0x2cd: {  	s18 =	simm.s32 $0x40;
	vm10 =	vmmov vm2;
	v12 =	vld [tilespmem:s16+$0x1900];
	v11 =	vmul.f32 v15, v11;
	v15 =	vadd.f32 v13, v6  }
0x2ce: {  	vm11 =	veq.s32 v21, v4;
	vm10 =	vmneg @p0 vm10;
	v16 =	vmax.f32 v9, v16;
	v13 =	vld [tilespmem:s18+$0x0];
	v20 =	vpop (erf)  }
0x2cf: {  	v63 =	vmin.f32 v8, v14;
	v22 =	vsub.f32 v15, v11;
	v15 =	vld [tilespmem:s17+$0x1400];
	v20 =	vmul.f32 v20, v17  }
0x2d0: {  	v19 =	vmax.f32 v7, v19;
	v14 =	vld [tilespmem:s18+$0x500];
	v18 =	vmin.f32 v5, v18;
	v17 =	vsub.f32 v63, v16  }
0x2d1: {  	s20 =	simm.s32 $0x140;
	s19 =	sadd.s32 $0x10, s3;
	v18 =	vsub.f32 v18, v19;
	v16 =	vld [tilespmem:s18+$0xA00];
	v19 =	vadd.f32 $9.999999710e-10, v22;
	vm12 =	vgt.f32 v20, $4.499999880e-01  }
.LBB2_26:
0x2d2: {  	p0 =	sne.s32 s20, $0x13C0;
	v20 =	vld [tilespmem:s18+$0xF00];
	v17 =	vmax.f32 v17, $0.0e+00;
	v21 =	vor.u32 s19, v0;
	vm11 =	vmor vm11, vm12  }
0x2d3: {  	v18 =	vmax.f32 v18, $0.0e+00;
	(erf) = vrcp.f32 v19;
	vm11 =	vmand vm10, vm11  }
.Ltmp14:
0x2d4: {  	s0 =	sshra.s32 s20, $0x2;
	v18 =	vmul.f32 v18, v17;
	v17 =	vadd.f32 v12, v6;
	v12 =	vld [tilespmem:s18+$0x1900];
	v15 =	vsel vm11, $0xFF800000, v15;
	(pc) =	sbr.rel @p0 .LBB2_26-.Ltmp14, $4  }
0x2d5: {  	v19 =	vmax.f32 v9, v13;
	vm11 =	veq.s32 v21, v4;
	v13 =	vld [tilespmem:s0+$0x0];
	v21 =	vpop (erf);
	[tilespmem:s17+$0x1400] =	vst v15;
	s17 =	smov.u32 s14;
	s14 =	smov.u32 s15;
	s15 =	smov.u32 s16  }
0x2d6: {  	s16 =	smov.u32 s18;
	s18 =	smov.u32 s0;
	v16 =	vmin.f32 v8, v16;
	v22 =	vsub.f32 v17, v18;
	v15 =	vld [tilespmem:s17+$0x1400];
	v21 =	vmul.f32 v21, v10;
	v10 =	vmovc v11  }
0x2d7: {  	v23 =	vmax.f32 v7, v14;
	v11 =	vmovc v18;
	v14 =	vld [tilespmem:s18+$0x500];
	v20 =	vmin.f32 v5, v20;
	v17 =	vsub.f32 v16, v19  }
0x2d8: {  	s20 =	sadd.s32 $0x40, s20;
	s19 =	sadd.s32 $0x10, s19;
	v16 =	vld [tilespmem:s18+$0xA00];
	v18 =	vsub.f32 v20, v23;
	v19 =	vadd.f32 $9.999999710e-10, v22;
	vm12 =	vgt.f32 v21, $4.499999880e-01  }
0x2d9: {  	v20 =	vld [tilespmem:s18+$0xF00];
	v17 =	vmax.f32 v17, $0.0e+00;
	v21 =	vor.u32 s19, v0;
	vm11 =	vmor vm11, vm12  }
0x2da: {  	v18 =	vmax.f32 v18, $0.0e+00;
	(erf) = vrcp.f32 v19;
	vm11 =	vmand vm10, vm11  }
0x2db: {  	v12 =	vadd.f32 v12, v6;
	v17 =	vmul.f32 v18, v17;
	v15 =	vsel vm11, $0xFF800000, v15  }
0x2dc: {  	v52 =	vld [tilespmem:s18+$0x1900];
	v9 =	vmax.f32 v9, v13;
	vm11 =	veq.s32 v21, v4;
	v53 =	vpop (erf);
	[tilespmem:s17+$0x1400] =	vst v15  }
0x2dd: {  	v8 =	vmin.f32 v8, v16;
	v12 =	vsub.f32 v12, v17;
	v15 =	vld [tilespmem:s14+$0x1400];
	v10 =	vmul.f32 v53, v10  }
0x2de: {  	v7 =	vmax.f32 v7, v14;
	v5 =	vmin.f32 v5, v20;
	v8 =	vsub.f32 v8, v9  }
0x2df: {  	v5 =	vsub.f32 v5, v7;
	v54 =	vadd.f32 $9.999999710e-10, v12;
	vm12 =	vgt.f32 v10, $4.499999880e-01  }
0x2e0: {  	v8 =	vmax.f32 v8, $0.0e+00;
	vm11 =	vmor vm11, vm12  }
0x2e1: {  	v5 =	vmax.f32 v5, $0.0e+00;
	(erf) = vrcp.f32 v54;
	vm11 =	vmand vm10, vm11  }
0x2e2: {  	v55 =	vadd.f32 v52, v6;
	v5 =	vmul.f32 v5, v8;
	v56 =	vsel vm11, $0xFF800000, v15  }
0x2e3: {  	v57 =	vpop (erf);
	[tilespmem:s14+$0x1400] =	vst v56  }
0x2e4: {  	s0 =	sadd.s32 $0x10, s19;
	v6 =	vsub.f32 v55, v5;
	v7 =	vld [tilespmem:s15+$0x1400];
	v8 =	vmul.f32 v57, v11  }
0x2e5: {  	v58 =	vor.u32 s0, v0  }
0x2e6: {  	vm11 =	veq.s32 v58, v4;
	v6 =	vadd.f32 $9.999999710e-10, v6;
	vm12 =	vgt.f32 v8, $4.499999880e-01  }
0x2e7: {  	vm11 =	vmor vm11, vm12  }
0x2e8: {  	(erf) = vrcp.f32 v6;
	vm11 =	vmand vm10, vm11  }
0x2e9: {  	v59 =	vsel vm11, $0xFF800000, v7  }
0x2ea: {  	v60 =	vpop (erf);
	[tilespmem:s15+$0x1400] =	vst v59  }
0x2eb: {  	s0 =	sadd.s32 $0x10, s0;
	v6 =	vld [tilespmem:s16+$0x1400];
	v7 =	vmul.f32 v60, v17  }
0x2ec: {  	v61 =	vor.u32 s0, v0  }
0x2ed: {  	vm11 =	veq.s32 v61, v4;
	vm12 =	vgt.f32 v7, $4.499999880e-01  }
0x2ee: {  	vm11 =	vmor vm11, vm12  }
0x2ef: {  	vm11 =	vmand vm10, vm11  }
0x2f0: {  	v6 =	vsel vm11, $0xFF800000, v6  }
0x2f1: {  	v62 =	vpop (erf);
	[tilespmem:s16+$0x1400] =	vst v6  }
0x2f2: {  	s6 =	sadd.s32 $0x1, s6;
	s0 =	sadd.s32 $0x10, s0;
	v6 =	vld [tilespmem:s18+$0x1400];
	v5 =	vmul.f32 v62, v5  }
0x2f3: {  	p0 =	sne.s32 s6, $0x64;
	v63 =	vor.u32 s0, v0  }
.Ltmp15:
0x2f4: {  	vm11 =	veq.s32 v63, v4;
	vm12 =	vgt.f32 v5, $4.499999880e-01;
	(pc) =	sbr.rel @p0 .LBB2_23-.Ltmp15, $4  }
0x2f5: {  	vm11 =	vmor vm11, vm12  }
0x2f6: {  	vm10 =	vmand vm10, vm11  }
0x2f7: {  	v4 =	vsel vm10, $0xFF800000, v6  }
0x2f8: {  	[tilespmem:s18+$0x1400] =	vst v4  }
.LBB2_28:
0x2f9: {  	p0 =	sne.s32 s2, $0x0  }
0x2fa: {  	_ =	sfence.sel @p0 $0x180000  }
0x2fb: {  	[bflag:$0x0] =	sbarrier.arrive @p0 $0xFFFF  }
0x2fc: {  	_ =	strace @p0 $0x90000047  }
0x2fd: {  	s0 =	simm.s32 @!p0 $0x0;
	s1 =	simm.s32 @!p0 $0x2080;
	[bflag:$0x2] =	sbarrier.arrive @p0 $0xFFFF  }
0x2fe: {  	[hbm4b:s4+s0] =	stream.linear.scatter @!p0 [tilespmem:s1], [sflag:$0x2], $0x680, $0x38;
	[tilespmem:$0x56B0] =	vst v63  }
0x2ff: {  	s0 =	simm.s32 @!p0 $0x2  }
0x300: {  	_ =	swait.ge @!p0 [sflag:s0], $0x680  }
0x301: {  	[sflag:s0] =	ssyncset.done @!p0 $0x0  }
0x302: {  	[sflag:s0] =	ssyncadd.s32 @!p0 $0xFFFFF980  }
0x303: {  	_ =	sfence.sel @!p0 $0x180000  }
0x304: {  	[bflag:$0x0] =	sbarrier.arrive @!p0 $0xFFFF  }
0x305: {  	_ =	strace @!p0 $0x90000047  }
0x306: {  	s0 =	sadd.s32 @!p0 $0x100000, s28;
	[bflag:$0x2] =	sbarrier.arrive @!p0 $0xFFFF  }
0x307: {  	[sflag:s0] =	ssyncadd.tile.s32 @!p0 $0x1;
	_ =	shalt  }
.LBB2_8:
.Ltmp16:
0x308: {  	(pc) =	sbr.rel .LBB2_13-.Ltmp16, $3  }
0x309: {  	_ =	sdelay $0x1  }
0x30a: {  	s29 =	simm.s32 $0x4700;
	s25 =	smov.u32 s10  }
0x30b: {  	s23 =	smov.u32 s9;
	s22 =	smov.u32 s8;
	s24 =	smov.u32 s7  }
.LBB2_10:
.Ltmp17:
0x30c: {  	(pc) =	sbr.rel .LBB2_13-.Ltmp17, $2  }
0x30d: {  	_ =	sdelay $0x2  }
0x30e: {  	s28 =	smov.u32 s2;
	s2 =	stileid.u32  }
.Lfunc_end2:
_tile_overlayer_lowered:
.L_overlay_start_2:
0x30f: {  	(tag) =	ssettag $0x2  }
0x310: {  	s0 =	rddreg [dreg:$0x0];
	s2 =	stileid.u32  }
0x311: {  	s1 =	rddreg [dreg:$0x1];
	p0 =	sne.s32 s2, $0x0  }
0x312: {  	s3 =	rddreg [dreg:$0x2];
	[bflag:$0x3] =	sbarrier.arrive $0xFFFF;
	s2 =	simm.s32 @!p0 $0x1C02  }
0x313: {  	[timem:s3], [sflag:s2] =	dma.local @!p0 [hbm:s0], s1  }
0x314: {  	s0 =	simm.s32 @!p0 $0x2  }
0x315: {  	_ =	swait.ge @!p0 [sflag:s0], s1  }
0x316: {  	s1 =	ssub.s32 @!p0 $0x0, s1;
	[sflag:s0] =	ssyncset.done @!p0 $0x0  }
0x317: {  	[sflag:s0] =	ssyncadd.s32 @!p0 s1  }
0x318: {  	[bflag:$0x3] =	sbarrier.arrive $0xFFFF  }
0x319: {  	_ =	shalt  }

</sc_bundles>
